<compile_context>
chip_gen: v7x
topology: tpu7x:2x2x1
jax: 0.10.2.dev20260603
libtpu: 0.0.44.dev20260713+nightly
codegen_flags: <defaults>
</compile_context>

<pallas_src>
import jax
import jax.numpy as jnp
from jax import lax
from jax.experimental import pallas as pl
from jax.experimental.pallas import tpu as pltpu
from jax.experimental.pallas import tpu_sc as plsc

_B, _N, _C, _D = 4, 4096, 20, 64
_NPOS = 1024
_T = 0.07
_HALF = _N // 2
_MAXIT = 34
_ITPAD = 48
_NC, _NS, _L = 2, 16, 16
_NW = _NC * _NS
_ROWS_PER_W = _B * _NPOS // (_NW // 2)
_NPAIR = _B * _C


def _rng_consts():
    idx_list = []
    for b in range(_B):
        skey = jax.random.fold_in(jax.random.key(42), b)
        inds = jax.random.choice(skey, _HALF, shape=(_NPOS,), replace=False)
        idx_list.append(inds.astype(jnp.int32) + b * _N)
    qb_idx = jnp.concatenate(idx_list)

    ns = (jnp.arange(_B, dtype=jnp.int32)[:, None] * 1000003
          + 2 * jnp.arange(_MAXIT, dtype=jnp.int32)[None, :]).ravel()

    def _u(n):
        return jax.random.uniform(jax.random.fold_in(jax.random.key(7), n), (_C,))

    u1 = jax.vmap(_u)(ns).reshape(_B, _MAXIT, _C)
    u2 = jax.vmap(_u)(ns + 1).reshape(_B, _MAXIT, _C)
    pad = ((0, 0), (0, 0), (0, _ITPAD - _MAXIT))
    u1t = jnp.pad(jnp.transpose(u1, (0, 2, 1)), pad)
    u2t = jnp.pad(jnp.transpose(u2, (0, 2, 1)), pad)
    return qb_idx, u1t, u2t


def _sc_body(feat1_hbm, feat2_hbm, t1h_hbm, qbidx_hbm, u1t_hbm, u2t_hbm,
             qb_out, kb_out, cnt_out, qs_out, ks_out,
             idx_v, rows_v, t_v, pos_v, u_v, qidx_v, srows_v, cs_v, sem):
    wid = lax.axis_index("s") * _NC + lax.axis_index("c")

    r0 = lax.rem(wid, _NW // 2) * _ROWS_PER_W
    pltpu.sync_copy(qbidx_hbm.at[pl.ds(r0, _ROWS_PER_W)], idx_v)

    @pl.when(wid < _NW // 2)
    def _():
        pltpu.async_copy(feat1_hbm.at[idx_v], rows_v, sem).wait()
        pltpu.sync_copy(rows_v, qb_out.at[pl.ds(r0, _ROWS_PER_W)])

    @pl.when(wid >= _NW // 2)
    def _():
        pltpu.async_copy(feat2_hbm.at[idx_v], rows_v, sem).wait()
        pltpu.sync_copy(rows_v, kb_out.at[pl.ds(r0, _ROWS_PER_W)])

    def _pair(p):
        b = p // _C
        c = p - b * _C
        pltpu.sync_copy(t1h_hbm.at[b], t_v)
        c_splat = jnp.full((_L,), 0, jnp.int32) + c
        base = b * _N

        def chunk_body(i, woff):
            tch = t_v[pl.ds(i * _L, _L)]
            lane = lax.iota(jnp.int32, _L)
            mi = 1 - jnp.minimum(jnp.abs(tch - c_splat), 1)
            incl = plsc.cumsum(mi)
            tgt = mi * (woff + incl - 1) + (1 - mi) * (_HALF + lane)
            plsc.store_scatter(pos_v, [tgt], lane + (i * _L + base))
            return woff + jnp.max(incl)

        cnt = lax.fori_loop(0, _HALF // _L, chunk_body, jnp.int32(0))
        cs_v[...] = jnp.full((_L,), 0, jnp.int32) + cnt
        pltpu.sync_copy(cs_v, cnt_out.at[b, c])
        cntf = cnt.astype(jnp.float32)

        def _resolve_and_gather(ut_hbm, feat_hbm, out_hbm):
            pltpu.sync_copy(ut_hbm.at[b, c], u_v)
            for k3 in range(_ITPAD // _L):
                u = u_v[pl.ds(k3 * _L, _L)]
                off = jnp.clip((u * cntf).astype(jnp.int32), 0, _HALF - 1)
                jrow = plsc.load_gather(pos_v, [off])
                qidx_v[pl.ds(k3 * _L, _L)] = jnp.clip(jrow, 0, _B * _N - 1)
            pltpu.async_copy(feat_hbm.at[qidx_v], srows_v, sem).wait()
            pltpu.sync_copy(srows_v, out_hbm.at[b, c])

        _resolve_and_gather(u1t_hbm, feat1_hbm, qs_out)
        _resolve_and_gather(u2t_hbm, feat2_hbm, ks_out)

    for k in range(3):
        p = wid + _NW * k

        @pl.when(p < _NPAIR)
        def _():
            _pair(p)


def _sc_call(feat1_flat, feat2_flat, t1h, qb_idx, u1t, u2t):
    mesh = plsc.VectorSubcoreMesh(core_axis_name="c", subcore_axis_name="s",
                                  num_cores=_NC, num_subcores=_NS)
    out_type = [
        jax.ShapeDtypeStruct((_B * _NPOS, _D), jnp.float32),
        jax.ShapeDtypeStruct((_B * _NPOS, _D), jnp.float32),
        jax.ShapeDtypeStruct((_B, _C, _L), jnp.int32),
        jax.ShapeDtypeStruct((_B, _C, _ITPAD, _D), jnp.float32),
        jax.ShapeDtypeStruct((_B, _C, _ITPAD, _D), jnp.float32),
    ]
    scratch = [
        pltpu.VMEM((_ROWS_PER_W,), jnp.int32),
        pltpu.VMEM((_ROWS_PER_W, _D), jnp.float32),
        pltpu.VMEM((_HALF,), jnp.int32),
        pltpu.VMEM((_HALF + _L,), jnp.int32),
        pltpu.VMEM((_ITPAD,), jnp.float32),
        pltpu.VMEM((_ITPAD,), jnp.int32),
        pltpu.VMEM((_ITPAD, _D), jnp.float32),
        pltpu.VMEM((_L,), jnp.int32),
        pltpu.SemaphoreType.DMA,
    ]
    fn = pl.kernel(_sc_body, out_type=out_type, mesh=mesh,
                   scratch_types=scratch,
                   compiler_params=pltpu.CompilerParams(
                       use_tc_tiling_on_sc=False,
                       needs_layout_passes=False))
    return fn(feat1_flat, feat2_flat, t1h, qb_idx, u1t, u2t)


def _tc_body(qb_ref, kb_ref, qs_ref, ks_ref, cnt_ref, seg_ref, tgt_ref,
             out_ref):
    total = jnp.float32(0.0)

    def _norm(x):
        return x / jnp.sqrt(jnp.sum(x * x, axis=1, keepdims=True))

    def _logits(q, k):
        return lax.dot_general(_norm(q), _norm(k), (((1,), (1,)), ((), ())),
                               preferred_element_type=jnp.float32) / _T

    def _lse_minus_diag(z, mask=None):
        n = z.shape[0]
        zm = z if mask is None else jnp.where(mask, z, -1e30)
        m = jnp.max(zm, axis=1, keepdims=True)
        lse = jnp.log(jnp.sum(jnp.exp(zm - m), axis=1, keepdims=True)) + m
        ri = lax.broadcasted_iota(jnp.int32, (n, n), 0)
        ci = lax.broadcasted_iota(jnp.int32, (n, n), 1)
        diag = jnp.sum(jnp.where(ri == ci, z, 0.0), axis=1, keepdims=True)
        return lse - diag

    nq = _C * _ITPAD
    for b in range(_B):
        seg = seg_ref[b]
        m = jnp.max(seg, axis=0, keepdims=True)
        lse = jnp.log(jnp.sum(jnp.exp(seg - m), axis=0, keepdims=True)) + m
        tgt = tgt_ref[pl.ds(b, 1), :]
        onehot = lax.broadcasted_iota(jnp.int32, (_C, _N), 0) == tgt
        picked = jnp.sum(jnp.where(onehot, seg, 0.0), axis=0, keepdims=True)
        total += 0.02 * jnp.sum(lse - picked) / (_B * _N)

        q = qb_ref[pl.ds(b * _NPOS, _NPOS), :]
        k = kb_ref[pl.ds(b * _NPOS, _NPOS), :]
        nll = _lse_minus_diag(_logits(q, k))
        total += 0.1 * jnp.sum(nll) / (_NPOS * _B)

        min_it = jnp.min(cnt_ref[b]) // 3
        qs = qs_ref[pl.ds(b * nq, nq), :]
        ks = ks_ref[pl.ds(b * nq, nq), :]
        ri = lax.broadcasted_iota(jnp.int32, (nq, nq), 0)
        ci = lax.broadcasted_iota(jnp.int32, (nq, nq), 1)
        blk = lax.rem(ri, _ITPAD) == lax.rem(ci, _ITPAD)
        nll = _lse_minus_diag(_logits(qs, ks), mask=blk)
        rit = lax.rem(lax.broadcasted_iota(jnp.int32, (nq, 1), 0), _ITPAD)
        valid = rit < min_it
        li = jnp.sum(jnp.where(valid, nll, 0.0))
        total += li / (_C * min_it.astype(jnp.float32)) / _B

    out_ref[0, 0] = total


def _tc_call(qb, kb, qs, ks, cnts, seg_pred1, target1):
    out = pl.pallas_call(
        _tc_body,
        out_shape=jax.ShapeDtypeStruct((1, 1), jnp.float32),
        out_specs=pl.BlockSpec(memory_space=pltpu.SMEM),
    )(qb, kb, qs, ks, cnts, seg_pred1, target1)
    return out[0, 0]


def kernel(_feat1, _feat2, seg_pred1, seg_pred2, target1, target2):
    qb_idx, u1t, u2t = _rng_consts()
    feat1_flat = _feat1.reshape(_B * _N, _D)
    feat2_flat = _feat2.reshape(_B * _N, _D)
    t1h = target1[:, :_HALF]
    qb, kb, cnts, qs, ks = _sc_call(feat1_flat, feat2_flat, t1h, qb_idx,
                                    u1t, u2t)
    qs = qs.reshape(_B * _C * _ITPAD, _D)
    ks = ks.reshape(_B * _C * _ITPAD, _D)
    return _tc_call(qb, kb, qs, ks, cnts, seg_pred1, target1)

# --- scband reference (transcript-rebuilt; emitter-appended) ---
"""Pipeline reference for scband-gudie-point-contrast-loss-2095944040764 (READ-ONLY COPY).

The authoritative reference and input builder live on the scoring server;
editing this copy changes nothing except your own understanding.
"""

import jax, jax.numpy as jnp
import numpy as np

B, N, C, D = 4, 4096, 20, 64
NPOS = 1024
T = 0.07

def _ce_seg(pred, target):
    # torch nn.CrossEntropyLoss on [B, C, N] logits with [B, N] int targets (mean reduction)
    logp = jax.nn.log_softmax(pred, axis=1)
    nll = -jnp.take_along_axis(logp, target[:, None, :], axis=1)[:, 0, :]
    return jnp.mean(nll)

def _ce_diag(out):
    # CrossEntropyLoss(out, arange(n)) for square logits [n, n]
    logp = jax.nn.log_softmax(out, axis=1)
    return -jnp.mean(jnp.diagonal(logp))

def _forward(_feat1, _feat2, seg_pred1, seg_pred2, target1, target2):
    ce_loss = _ce_seg(seg_pred1, target1)
    Bn = _feat1.shape[0]
    loss = 0.0
    for index in range(Bn):
        f1 = _feat1[index]
        f2 = _feat2[index]
        half = f1.shape[0] // 2
        f1 = f1[:half]
        f2 = f2[:half]
        f1 = f1 / jnp.linalg.norm(f1, axis=1, keepdims=True)
        f2 = f2 / jnp.linalg.norm(f2, axis=1, keepdims=True)
        q = f1
        k = f2
        if NPOS < q.shape[0]:
            skey = jax.random.fold_in(jax.random.key(42), index)
            inds = jax.random.choice(skey, q.shape[0], shape=(NPOS,), replace=False)
            q = q[inds]
            k = k[inds]
        out = jnp.matmul(q, k.T) / T
        l = _ce_diag(out)
        loss = l if index == 0 else loss + l
    loss = loss / Bn
    self_loss = 0.0
    for idxx in range(Bn):
        f1 = _feat1[idxx]
        f2 = _feat2[idxx]
        f1 = f1 / jnp.linalg.norm(f1, axis=1, keepdims=True)
        f2 = f2 / jnp.linalg.norm(f2, axis=1, keepdims=True)
        half = f1.shape[0] // 2
        f1 = f1[:half]
        f2 = f2[:half]
        t1h = target1[idxx][:half]
        t2h = target2[idxx][:half]
        qs_idx = jnp.argsort(t1h)
        tq1 = t1h[qs_idx]
        tq2 = t2h[qs_idx]
        f1 = f1[qs_idx]
        f2 = f2[qs_idx]
        q_unique, count = jnp.unique(tq1, return_counts=True, size=C)
        min_iter = jnp.min(count) // 3
        cums = jnp.concatenate([jnp.zeros((1,), dtype=count.dtype), jnp.cumsum(count)[:-1]])
        def _iter_body(iter_num, loss_item):
            ka = jax.random.fold_in(jax.random.key(7), idxx * 1000003 + 2 * iter_num)
            kb = jax.random.fold_in(jax.random.key(7), idxx * 1000003 + 2 * iter_num + 1)
            u1 = jax.random.uniform(ka, (count.shape[0],))
            u2 = jax.random.uniform(kb, (count.shape[0],))
            off = jnp.floor(u1 * count).astype(count.dtype)
            off2 = jnp.floor(u2 * count).astype(count.dtype)
            _q = f1[off + cums]
            _k = jax.lax.stop_gradient(f2[off2 + cums])  # .clone().detach() in torch
            out = jnp.matmul(_q, _k.T) / T
            return loss_item + _ce_diag(out)
        loss_item = jax.lax.fori_loop(0, min_iter, _iter_body, jnp.zeros((), jnp.float32))
        loss_item = loss_item / min_iter
        self_loss = self_loss + loss_item
    self_loss = self_loss / Bn
    return self_loss + 0.1 * loss + 0.02 * ce_loss

def setup_inputs(seed: int = 0):
    key = jax.random.key(seed)
    k1, k2, k3, k4, k5 = jax.random.split(key, 5)
    _feat1 = jax.random.normal(k1, (B, N, D), dtype=jnp.float32)
    _feat2 = jax.random.normal(k2, (B, N, D), dtype=jnp.float32)
    seg_pred1 = jax.random.normal(k3, (B, C, N), dtype=jnp.float32)
    seg_pred2 = jax.random.normal(k4, (B, C, N), dtype=jnp.float32)
    target1 = jax.random.randint(k5, (B, N), 0, C).astype(jnp.int32)
    target2 = target1  # module asserts target2 labels match target1 at sampled positions
    return {"_feat1": _feat1, "_feat2": _feat2, "seg_pred1": seg_pred1, "seg_pred2": seg_pred2, "target1": target1, "target2": target2}

def reference(_feat1, _feat2, seg_pred1, seg_pred2, target1, target2):
    return _forward(_feat1, _feat2, seg_pred1, seg_pred2, target1, target2)

if __name__ == "__main__":
    import jax
    _d = setup_inputs()
    print(jax.jit(kernel)(*tuple(_d.values())))

</pallas_src>

<mosaic_0001>
#map = affine_map<(d0, d1) -> (0, 0)>
#map1 = affine_map<(d0, d1) -> (0)>
#map2 = affine_map<(d0, d1) -> (0, 0, 0)>
#map3 = affine_map<(d0, d1) -> (0, 0, 0, 0)>
module attributes {stable_mosaic.version = 14 : i64} {
  func.func @_sc_body(%arg0: i32, %arg1: i32, %arg2: memref<16384x64xf32, #tpu.memory_space<hbm>>, %arg3: memref<16384x64xf32, #tpu.memory_space<hbm>>, %arg4: memref<4x2048xi32, #tpu.memory_space<hbm>>, %arg5: memref<4096xi32, #tpu.memory_space<hbm>>, %arg6: memref<4x20x48xf32, #tpu.memory_space<hbm>>, %arg7: memref<4x20x48xf32, #tpu.memory_space<hbm>>, %arg8: memref<4096x64xf32, #tpu.memory_space<hbm>>, %arg9: memref<4096x64xf32, #tpu.memory_space<hbm>>, %arg10: memref<4x20x16xi32, #tpu.memory_space<hbm>>, %arg11: memref<4x20x48x64xf32, #tpu.memory_space<hbm>>, %arg12: memref<4x20x48x64xf32, #tpu.memory_space<hbm>>, %arg13: memref<256xi32, #tpu.memory_space<vmem>>, %arg14: memref<256x64xf32, #tpu.memory_space<vmem>>, %arg15: memref<2048xi32, #tpu.memory_space<vmem>>, %arg16: memref<2064xi32, #tpu.memory_space<vmem>>, %arg17: memref<48xf32, #tpu.memory_space<vmem>>, %arg18: memref<48xi32, #tpu.memory_space<vmem>>, %arg19: memref<48x64xf32, #tpu.memory_space<vmem>>, %arg20: memref<16xi32, #tpu.memory_space<vmem>>, %arg21: memref<!tpu.dma_semaphore, #tpu.memory_space<semaphore_mem>>) attributes {dimension_semantics = [#tpu.dimension_semantics<core_parallel>, #tpu.dimension_semantics<subcore_parallel>], iteration_bounds = array<i64: 2, 16>, scalar_prefetch = 0 : i64, scratch_operands = 9 : i64, tpu.core_type = #tpu.core_type<sc_vector_subcore>, window_params = [{transform_indices = #map}, {transform_indices = #map}, {transform_indices = #map}, {transform_indices = #map1}, {transform_indices = #map2}, {transform_indices = #map2}, {transform_indices = #map}, {transform_indices = #map}, {transform_indices = #map2}, {transform_indices = #map3}, {transform_indices = #map3}]} {
    %mul3A = arith.constant 2 : i32
    %mul3A_0 = arith.muli %arg1, %mul3A : i32
    %add3A = arith.addi %mul3A_0, %arg0 : i32
    %rem3A = arith.constant 16 : i32
    %rem3A_1 = arith.remsi %add3A, %rem3A : i32
    %mul3A_2 = arith.constant 256 : i32
    %mul3A_3 = arith.muli %rem3A_1, %mul3A_2 : i32
    "tpu.region"() ({
      %run_scoped3A = tpu.sem_alloc : memref<!tpu.dma_semaphore, #tpu.memory_space<semaphore_mem>>
      %dma_start3A = tpu.memref_slice %arg5[%mul3A_3] : memref<4096xi32, #tpu.memory_space<hbm>> -> memref<256xi32, #tpu.memory_space<hbm>>
      %dma_start3A_31 = tpu.memref_slice %arg5[%mul3A_3] : memref<4096xi32, #tpu.memory_space<hbm>> -> memref<256xi32, #tpu.memory_space<hbm>>
      tpu.enqueue_dma source(%dma_start3A_31 : memref<256xi32, #tpu.memory_space<hbm>>) target(%arg13 : memref<256xi32, #tpu.memory_space<vmem>>) target_semaphore(%run_scoped3A : memref<!tpu.dma_semaphore, #tpu.memory_space<semaphore_mem>>)
      %dma_wait3A = tpu.memref_slice %arg5[%mul3A_3] : memref<4096xi32, #tpu.memory_space<hbm>> -> memref<256xi32, #tpu.memory_space<hbm>>
      %dma_wait3A_32 = tpu.memref_slice %arg5[%mul3A_3] : memref<4096xi32, #tpu.memory_space<hbm>> -> memref<256xi32, #tpu.memory_space<hbm>>
      tpu.wait_dma2 semaphore(%run_scoped3A : memref<!tpu.dma_semaphore, #tpu.memory_space<semaphore_mem>>) src(%dma_wait3A_32 : memref<256xi32, #tpu.memory_space<hbm>>) dst(%arg13 : memref<256xi32, #tpu.memory_space<vmem>>)
      tpu.yield
    }) : () -> ()
    %lt3A = arith.constant 16 : i32
    %lt3A_4 = arith.cmpi slt, %add3A, %lt3A : i32
    %convert_element_type3A = arith.extui %lt3A_4 : i1 to i32
    %cond3A = arith.constant 0 : i32
    %cond3A_5 = arith.cmpi ne, %convert_element_type3A, %cond3A : i32
    scf.if %cond3A_5 {
      %dma_start3A = arith.constant 0 : i32
      %dma_start3A_31 = arith.constant 0 : i32
      %dma_start3A_32 = tpu.memref_slice %arg2[%dma_start3A, %dma_start3A_31] : memref<16384x64xf32, #tpu.memory_space<hbm>> -> memref<16384x64xf32, #tpu.memory_space<hbm>>
      tpu.enqueue_indirect_dma source(%dma_start3A_32 : memref<16384x64xf32, #tpu.memory_space<hbm>>) target(%arg14 : memref<256x64xf32, #tpu.memory_space<vmem>>) offsets(%arg13 : memref<256xi32, #tpu.memory_space<vmem>>) semaphore(%arg21 : memref<!tpu.dma_semaphore, #tpu.memory_space<semaphore_mem>>)
      %dma_wait3A = arith.constant 0 : i32
      %dma_wait3A_33 = arith.constant 0 : i32
      %dma_wait3A_34 = tpu.memref_slice %arg2[%dma_wait3A, %dma_wait3A_33] : memref<16384x64xf32, #tpu.memory_space<hbm>> -> memref<16384x64xf32, #tpu.memory_space<hbm>>
      tpu.wait_indirect_dma semaphore(%arg21 : memref<!tpu.dma_semaphore, #tpu.memory_space<semaphore_mem>>) src(%dma_wait3A_34 : memref<16384x64xf32, #tpu.memory_space<hbm>>) dst(%arg14 : memref<256x64xf32, #tpu.memory_space<vmem>>)
      "tpu.region"() ({
        %run_scoped3A = tpu.sem_alloc : memref<!tpu.dma_semaphore, #tpu.memory_space<semaphore_mem>>
        %dma_start3A_35 = arith.constant 0 : i32
        %dma_start3A_36 = tpu.memref_slice %arg8[%mul3A_3, %dma_start3A_35] : memref<4096x64xf32, #tpu.memory_space<hbm>> -> memref<256x64xf32, #tpu.memory_space<hbm>>
        %dma_start3A_37 = arith.constant 0 : i32
        %dma_start3A_38 = tpu.memref_slice %arg8[%mul3A_3, %dma_start3A_37] : memref<4096x64xf32, #tpu.memory_space<hbm>> -> memref<256x64xf32, #tpu.memory_space<hbm>>
        tpu.enqueue_dma source(%arg14 : memref<256x64xf32, #tpu.memory_space<vmem>>) target(%dma_start3A_38 : memref<256x64xf32, #tpu.memory_space<hbm>>) target_semaphore(%run_scoped3A : memref<!tpu.dma_semaphore, #tpu.memory_space<semaphore_mem>>)
        %dma_wait3A_39 = arith.constant 0 : i32
        %dma_wait3A_40 = tpu.memref_slice %arg8[%mul3A_3, %dma_wait3A_39] : memref<4096x64xf32, #tpu.memory_space<hbm>> -> memref<256x64xf32, #tpu.memory_space<hbm>>
        %dma_wait3A_41 = arith.constant 0 : i32
        %dma_wait3A_42 = tpu.memref_slice %arg8[%mul3A_3, %dma_wait3A_41] : memref<4096x64xf32, #tpu.memory_space<hbm>> -> memref<256x64xf32, #tpu.memory_space<hbm>>
        tpu.wait_dma2 semaphore(%run_scoped3A : memref<!tpu.dma_semaphore, #tpu.memory_space<semaphore_mem>>) src(%arg14 : memref<256x64xf32, #tpu.memory_space<vmem>>) dst(%dma_wait3A_42 : memref<256x64xf32, #tpu.memory_space<hbm>>)
        tpu.yield
      }) : () -> ()
    } else {
    }
    %ge3A = arith.constant 16 : i32
    %ge3A_6 = arith.cmpi sge, %add3A, %ge3A : i32
    %convert_element_type3A_7 = arith.extui %ge3A_6 : i1 to i32
    %cond3A_8 = arith.constant 0 : i32
    %cond3A_9 = arith.cmpi ne, %convert_element_type3A_7, %cond3A_8 : i32
    scf.if %cond3A_9 {
      %dma_start3A = arith.constant 0 : i32
      %dma_start3A_31 = arith.constant 0 : i32
      %dma_start3A_32 = tpu.memref_slice %arg3[%dma_start3A, %dma_start3A_31] : memref<16384x64xf32, #tpu.memory_space<hbm>> -> memref<16384x64xf32, #tpu.memory_space<hbm>>
      tpu.enqueue_indirect_dma source(%dma_start3A_32 : memref<16384x64xf32, #tpu.memory_space<hbm>>) target(%arg14 : memref<256x64xf32, #tpu.memory_space<vmem>>) offsets(%arg13 : memref<256xi32, #tpu.memory_space<vmem>>) semaphore(%arg21 : memref<!tpu.dma_semaphore, #tpu.memory_space<semaphore_mem>>)
      %dma_wait3A = arith.constant 0 : i32
      %dma_wait3A_33 = arith.constant 0 : i32
      %dma_wait3A_34 = tpu.memref_slice %arg3[%dma_wait3A, %dma_wait3A_33] : memref<16384x64xf32, #tpu.memory_space<hbm>> -> memref<16384x64xf32, #tpu.memory_space<hbm>>
      tpu.wait_indirect_dma semaphore(%arg21 : memref<!tpu.dma_semaphore, #tpu.memory_space<semaphore_mem>>) src(%dma_wait3A_34 : memref<16384x64xf32, #tpu.memory_space<hbm>>) dst(%arg14 : memref<256x64xf32, #tpu.memory_space<vmem>>)
      "tpu.region"() ({
        %run_scoped3A = tpu.sem_alloc : memref<!tpu.dma_semaphore, #tpu.memory_space<semaphore_mem>>
        %dma_start3A_35 = arith.constant 0 : i32
        %dma_start3A_36 = tpu.memref_slice %arg9[%mul3A_3, %dma_start3A_35] : memref<4096x64xf32, #tpu.memory_space<hbm>> -> memref<256x64xf32, #tpu.memory_space<hbm>>
        %dma_start3A_37 = arith.constant 0 : i32
        %dma_start3A_38 = tpu.memref_slice %arg9[%mul3A_3, %dma_start3A_37] : memref<4096x64xf32, #tpu.memory_space<hbm>> -> memref<256x64xf32, #tpu.memory_space<hbm>>
        tpu.enqueue_dma source(%arg14 : memref<256x64xf32, #tpu.memory_space<vmem>>) target(%dma_start3A_38 : memref<256x64xf32, #tpu.memory_space<hbm>>) target_semaphore(%run_scoped3A : memref<!tpu.dma_semaphore, #tpu.memory_space<semaphore_mem>>)
        %dma_wait3A_39 = arith.constant 0 : i32
        %dma_wait3A_40 = tpu.memref_slice %arg9[%mul3A_3, %dma_wait3A_39] : memref<4096x64xf32, #tpu.memory_space<hbm>> -> memref<256x64xf32, #tpu.memory_space<hbm>>
        %dma_wait3A_41 = arith.constant 0 : i32
        %dma_wait3A_42 = tpu.memref_slice %arg9[%mul3A_3, %dma_wait3A_41] : memref<4096x64xf32, #tpu.memory_space<hbm>> -> memref<256x64xf32, #tpu.memory_space<hbm>>
        tpu.wait_dma2 semaphore(%run_scoped3A : memref<!tpu.dma_semaphore, #tpu.memory_space<semaphore_mem>>) src(%arg14 : memref<256x64xf32, #tpu.memory_space<vmem>>) dst(%dma_wait3A_42 : memref<256x64xf32, #tpu.memory_space<hbm>>)
        tpu.yield
      }) : () -> ()
    } else {
    }
    %add3A_10 = arith.constant 0 : i32
    %add3A_11 = arith.addi %add3A, %add3A_10 : i32
    %lt3A_12 = arith.constant 80 : i32
    %lt3A_13 = arith.cmpi slt, %add3A_11, %lt3A_12 : i32
    %convert_element_type3A_14 = arith.extui %lt3A_13 : i1 to i32
    %cond3A_15 = arith.constant 0 : i32
    %cond3A_16 = arith.cmpi ne, %convert_element_type3A_14, %cond3A_15 : i32
    scf.if %cond3A_16 {
      %jit3A = arith.constant 20 : i32
      %div3A = arith.divsi %add3A_11, %jit3A : i32
      %sign3A = arith.constant 0 : i32
      %sign3A_31 = arith.cmpi sgt, %add3A_11, %sign3A : i32
      %sign3A_32 = arith.extui %sign3A_31 : i1 to i32
      %sign3A_33 = arith.constant 0 : i32
      %sign3A_34 = arith.cmpi slt, %add3A_11, %sign3A_33 : i32
      %sign3A_35 = arith.extui %sign3A_34 : i1 to i32
      %sign3A_36 = arith.subi %sign3A_32, %sign3A_35 : i32
      %sign3A_37 = arith.constant 0 : i32
      %sign3A_38 = arith.cmpi sgt, %jit3A, %sign3A_37 : i32
      %sign3A_39 = arith.extui %sign3A_38 : i1 to i32
      %sign3A_40 = arith.constant 0 : i32
      %sign3A_41 = arith.cmpi slt, %jit3A, %sign3A_40 : i32
      %sign3A_42 = arith.extui %sign3A_41 : i1 to i32
      %sign3A_43 = arith.subi %sign3A_39, %sign3A_42 : i32
      %ne3A = arith.cmpi ne, %sign3A_36, %sign3A_43 : i32
      %rem3A_44 = arith.remsi %add3A_11, %jit3A : i32
      %ne3A_45 = arith.constant 0 : i32
      %ne3A_46 = arith.cmpi ne, %rem3A_44, %ne3A_45 : i32
      %and3A = arith.andi %ne3A, %ne3A_46 : i1
      %sub3A = arith.constant 1 : i32
      %sub3A_47 = arith.subi %div3A, %sub3A : i32
      %select_n3A = arith.select %and3A, %sub3A_47, %div3A : i32
      %mul3A_48 = arith.constant 20 : i32
      %mul3A_49 = arith.muli %select_n3A, %mul3A_48 : i32
      %sub3A_50 = arith.subi %add3A_11, %mul3A_49 : i32
      "tpu.region"() ({
        %run_scoped3A = tpu.sem_alloc : memref<!tpu.dma_semaphore, #tpu.memory_space<semaphore_mem>>
        %dma_start3A_194 = arith.constant 0 : i32
        %dma_start3A_195 = tpu.memref_slice %arg4[%select_n3A, %dma_start3A_194] : memref<4x2048xi32, #tpu.memory_space<hbm>> -> memref<1x2048xi32, #tpu.memory_space<hbm>>
        %dma_start3A_196 = tpu.memref_squeeze %dma_start3A_195 : memref<1x2048xi32, #tpu.memory_space<hbm>> -> memref<2048xi32, #tpu.memory_space<hbm>>
        %dma_start3A_197 = arith.constant 0 : i32
        %dma_start3A_198 = tpu.memref_slice %arg4[%select_n3A, %dma_start3A_197] : memref<4x2048xi32, #tpu.memory_space<hbm>> -> memref<1x2048xi32, #tpu.memory_space<hbm>>
        %dma_start3A_199 = tpu.memref_squeeze %dma_start3A_198 : memref<1x2048xi32, #tpu.memory_space<hbm>> -> memref<2048xi32, #tpu.memory_space<hbm>>
        tpu.enqueue_dma source(%dma_start3A_199 : memref<2048xi32, #tpu.memory_space<hbm>>) target(%arg15 : memref<2048xi32, #tpu.memory_space<vmem>>) target_semaphore(%run_scoped3A : memref<!tpu.dma_semaphore, #tpu.memory_space<semaphore_mem>>)
        %dma_wait3A_200 = arith.constant 0 : i32
        %dma_wait3A_201 = tpu.memref_slice %arg4[%select_n3A, %dma_wait3A_200] : memref<4x2048xi32, #tpu.memory_space<hbm>> -> memref<1x2048xi32, #tpu.memory_space<hbm>>
        %dma_wait3A_202 = tpu.memref_squeeze %dma_wait3A_201 : memref<1x2048xi32, #tpu.memory_space<hbm>> -> memref<2048xi32, #tpu.memory_space<hbm>>
        %dma_wait3A_203 = arith.constant 0 : i32
        %dma_wait3A_204 = tpu.memref_slice %arg4[%select_n3A, %dma_wait3A_203] : memref<4x2048xi32, #tpu.memory_space<hbm>> -> memref<1x2048xi32, #tpu.memory_space<hbm>>
        %dma_wait3A_205 = tpu.memref_squeeze %dma_wait3A_204 : memref<1x2048xi32, #tpu.memory_space<hbm>> -> memref<2048xi32, #tpu.memory_space<hbm>>
        tpu.wait_dma2 semaphore(%run_scoped3A : memref<!tpu.dma_semaphore, #tpu.memory_space<semaphore_mem>>) src(%dma_wait3A_205 : memref<2048xi32, #tpu.memory_space<hbm>>) dst(%arg15 : memref<2048xi32, #tpu.memory_space<vmem>>)
        tpu.yield
      }) : () -> ()
      %broadcast_in_dim3A = arith.constant 0 : i32
      %broadcast_in_dim3A_51 = vector.broadcast %broadcast_in_dim3A : i32 to vector<16xi32>
      %add3A_52 = vector.broadcast %sub3A_50 : i32 to vector<16xi32>
      %add3A_53 = arith.addi %broadcast_in_dim3A_51, %add3A_52 : vector<16xi32>
      %mul3A_54 = arith.constant 4096 : i32
      %mul3A_55 = arith.muli %select_n3A, %mul3A_54 : i32
      %scan3A = arith.constant 0 : i32
      %scan3A_56 = arith.constant 0 : i32
      %scan3A_57 = arith.constant 128 : i32
      %scan3A_58 = arith.addi %scan3A_56, %scan3A_57 : i32
      %scan3A_59 = arith.constant 1 : i32
      %scan3A_60 = scf.for %scan3A_194 = %scan3A_56 to %scan3A_58 step %scan3A_59 iter_args(%scan3A_195 = %scan3A) -> (i32)  : i32 {
        %mul3A_196 = arith.constant 16 : i32
        %mul3A_197 = arith.muli %scan3A_194, %mul3A_196 : i32
        %get3A_198 = arith.index_cast %mul3A_197 : i32 to index
        %get3A_199 = tpu.vector_load %arg15[%get3A_198] {strides = array<i32>} : memref<2048xi32, #tpu.memory_space<vmem>>, vector<16xi32>,
        %iota3A = tpu.iota {dimensions = array<i32: 0>} : vector<16xi32>
        %sub3A_200 = arith.subi %get3A_199, %add3A_53 : vector<16xi32>
        %abs3A = math.absi %sub3A_200 : vector<16xi32>
        %min3A_201 = arith.constant 1 : i32
        %min3A_202 = vector.broadcast %min3A_201 : i32 to vector<16xi32>
        %min3A_203 = arith.minsi %abs3A, %min3A_202 : vector<16xi32>
        %sub3A_204 = arith.constant 1 : i32
        %sub3A_205 = vector.broadcast %sub3A_204 : i32 to vector<16xi32>
        %sub3A_206 = arith.subi %sub3A_205, %min3A_203 : vector<16xi32>
        %broadcast_in_dim3A_207 = arith.constant true
        %broadcast_in_dim3A_208 = vector.broadcast %broadcast_in_dim3A_207 : i1 to vector<16xi1>
        %masked_cumsum3A = tpu.scan <sum>, %sub3A_206 masked %broadcast_in_dim3A_208 : vector<16xi32>, vector<16xi1> -> vector<16xi32>
        %add3A_209 = vector.broadcast %scan3A_195 : i32 to vector<16xi32>
        %add3A_210 = arith.addi %add3A_209, %masked_cumsum3A : vector<16xi32>
        %sub3A_211 = arith.constant 1 : i32
        %sub3A_212 = vector.broadcast %sub3A_211 : i32 to vector<16xi32>
        %sub3A_213 = arith.subi %add3A_210, %sub3A_212 : vector<16xi32>
        %mul3A_214 = arith.muli %sub3A_206, %sub3A_213 : vector<16xi32>
        %sub3A_215 = arith.constant 1 : i32
        %sub3A_216 = vector.broadcast %sub3A_215 : i32 to vector<16xi32>
        %sub3A_217 = arith.subi %sub3A_216, %sub3A_206 : vector<16xi32>
        %add3A_218 = arith.constant 2048 : i32
        %add3A_219 = vector.broadcast %add3A_218 : i32 to vector<16xi32>
        %add3A_220 = arith.addi %add3A_219, %iota3A : vector<16xi32>
        %mul3A_221 = arith.muli %sub3A_217, %add3A_220 : vector<16xi32>
        %add3A_222 = arith.addi %mul3A_214, %mul3A_221 : vector<16xi32>
        %mul3A_223 = arith.constant 16 : i32
        %mul3A_224 = arith.muli %scan3A_194, %mul3A_223 : i32
        %add3A_225 = arith.addi %mul3A_224, %mul3A_55 : i32
        %add3A_226 = vector.broadcast %add3A_225 : i32 to vector<16xi32>
        %add3A_227 = arith.addi %iota3A, %add3A_226 : vector<16xi32>
        tpu.vector_store_idx %arg16[%add3A_222], %add3A_227 : memref<2064xi32, #tpu.memory_space<vmem>>[vector<16xi32>], vector<16xi32>,
        %reduce_max3A = arith.constant true
        %reduce_max3A_228 = vector.broadcast %reduce_max3A : i1 to vector<16xi1>
        %reduce_max3A_229 = arith.constant -2147483648 : i32
        %reduce_max3A_230 = vector.broadcast %reduce_max3A_229 : i32 to vector<16xi32>
        %reduce_max3A_231 = arith.xori %masked_cumsum3A, %reduce_max3A_230 : vector<16xi32>
        %reduce_max3A_232 = tpu.scan <max>, %reduce_max3A_231 masked %reduce_max3A_228 : vector<16xi32>, vector<16xi1> -> vector<16xi32>
        %reduce_max3A_233 = arith.xori %reduce_max3A_232, %reduce_max3A_230 : vector<16xi32>
        %reduce_max3A_234 = vector.extract %reduce_max3A_233[15] : i32 from vector<16xi32>
        %add3A_235 = arith.addi %scan3A_195, %reduce_max3A_234 : i32
        scf.yield %add3A_235 : i32
      }
      %scan3A_61 = arith.constant 128 : i32
      %broadcast_in_dim3A_62 = arith.constant 0 : i32
      %broadcast_in_dim3A_63 = vector.broadcast %broadcast_in_dim3A_62 : i32 to vector<16xi32>
      %add3A_64 = vector.broadcast %scan3A_60 : i32 to vector<16xi32>
      %add3A_65 = arith.addi %broadcast_in_dim3A_63, %add3A_64 : vector<16xi32>
      %swap3A = arith.constant 0 : index
      %swap3A_66 = tpu.vector_load %arg20[%swap3A] {strides = array<i32>} : memref<16xi32, #tpu.memory_space<vmem>>, vector<16xi32>,
      tpu.vector_store %arg20[%swap3A], %add3A_65 {strides = array<i32>} : memref<16xi32, #tpu.memory_space<vmem>>, vector<16xi32>,
      "tpu.region"() ({
        %run_scoped3A = tpu.sem_alloc : memref<!tpu.dma_semaphore, #tpu.memory_space<semaphore_mem>>
        %dma_start3A_194 = arith.constant 0 : i32
        %dma_start3A_195 = tpu.memref_slice %arg10[%select_n3A, %sub3A_50, %dma_start3A_194] : memref<4x20x16xi32, #tpu.memory_space<hbm>> -> memref<1x1x16xi32, #tpu.memory_space<hbm>>
        %dma_start3A_196 = tpu.memref_squeeze %dma_start3A_195 : memref<1x1x16xi32, #tpu.memory_space<hbm>> -> memref<16xi32, #tpu.memory_space<hbm>>
        %dma_start3A_197 = arith.constant 0 : i32
        %dma_start3A_198 = tpu.memref_slice %arg10[%select_n3A, %sub3A_50, %dma_start3A_197] : memref<4x20x16xi32, #tpu.memory_space<hbm>> -> memref<1x1x16xi32, #tpu.memory_space<hbm>>
        %dma_start3A_199 = tpu.memref_squeeze %dma_start3A_198 : memref<1x1x16xi32, #tpu.memory_space<hbm>> -> memref<16xi32, #tpu.memory_space<hbm>>
        tpu.enqueue_dma source(%arg20 : memref<16xi32, #tpu.memory_space<vmem>>) target(%dma_start3A_199 : memref<16xi32, #tpu.memory_space<hbm>>) target_semaphore(%run_scoped3A : memref<!tpu.dma_semaphore, #tpu.memory_space<semaphore_mem>>)
        %dma_wait3A_200 = arith.constant 0 : i32
        %dma_wait3A_201 = tpu.memref_slice %arg10[%select_n3A, %sub3A_50, %dma_wait3A_200] : memref<4x20x16xi32, #tpu.memory_space<hbm>> -> memref<1x1x16xi32, #tpu.memory_space<hbm>>
        %dma_wait3A_202 = tpu.memref_squeeze %dma_wait3A_201 : memref<1x1x16xi32, #tpu.memory_space<hbm>> -> memref<16xi32, #tpu.memory_space<hbm>>
        %dma_wait3A_203 = arith.constant 0 : i32
        %dma_wait3A_204 = tpu.memref_slice %arg10[%select_n3A, %sub3A_50, %dma_wait3A_203] : memref<4x20x16xi32, #tpu.memory_space<hbm>> -> memref<1x1x16xi32, #tpu.memory_space<hbm>>
        %dma_wait3A_205 = tpu.memref_squeeze %dma_wait3A_204 : memref<1x1x16xi32, #tpu.memory_space<hbm>> -> memref<16xi32, #tpu.memory_space<hbm>>
        tpu.wait_dma2 semaphore(%run_scoped3A : memref<!tpu.dma_semaphore, #tpu.memory_space<semaphore_mem>>) src(%arg20 : memref<16xi32, #tpu.memory_space<vmem>>) dst(%dma_wait3A_205 : memref<16xi32, #tpu.memory_space<hbm>>)
        tpu.yield
      }) : () -> ()
      %convert_element_type3A_67 = arith.sitofp %scan3A_60 : i32 to f32
      "tpu.region"() ({
        %run_scoped3A = tpu.sem_alloc : memref<!tpu.dma_semaphore, #tpu.memory_space<semaphore_mem>>
        %dma_start3A_194 = arith.constant 0 : i32
        %dma_start3A_195 = tpu.memref_slice %arg6[%select_n3A, %sub3A_50, %dma_start3A_194] : memref<4x20x48xf32, #tpu.memory_space<hbm>> -> memref<1x1x48xf32, #tpu.memory_space<hbm>>
        %dma_start3A_196 = tpu.memref_squeeze %dma_start3A_195 : memref<1x1x48xf32, #tpu.memory_space<hbm>> -> memref<48xf32, #tpu.memory_space<hbm>>
        %dma_start3A_197 = arith.constant 0 : i32
        %dma_start3A_198 = tpu.memref_slice %arg6[%select_n3A, %sub3A_50, %dma_start3A_197] : memref<4x20x48xf32, #tpu.memory_space<hbm>> -> memref<1x1x48xf32, #tpu.memory_space<hbm>>
        %dma_start3A_199 = tpu.memref_squeeze %dma_start3A_198 : memref<1x1x48xf32, #tpu.memory_space<hbm>> -> memref<48xf32, #tpu.memory_space<hbm>>
        tpu.enqueue_dma source(%dma_start3A_199 : memref<48xf32, #tpu.memory_space<hbm>>) target(%arg17 : memref<48xf32, #tpu.memory_space<vmem>>) target_semaphore(%run_scoped3A : memref<!tpu.dma_semaphore, #tpu.memory_space<semaphore_mem>>)
        %dma_wait3A_200 = arith.constant 0 : i32
        %dma_wait3A_201 = tpu.memref_slice %arg6[%select_n3A, %sub3A_50, %dma_wait3A_200] : memref<4x20x48xf32, #tpu.memory_space<hbm>> -> memref<1x1x48xf32, #tpu.memory_space<hbm>>
        %dma_wait3A_202 = tpu.memref_squeeze %dma_wait3A_201 : memref<1x1x48xf32, #tpu.memory_space<hbm>> -> memref<48xf32, #tpu.memory_space<hbm>>
        %dma_wait3A_203 = arith.constant 0 : i32
        %dma_wait3A_204 = tpu.memref_slice %arg6[%select_n3A, %sub3A_50, %dma_wait3A_203] : memref<4x20x48xf32, #tpu.memory_space<hbm>> -> memref<1x1x48xf32, #tpu.memory_space<hbm>>
        %dma_wait3A_205 = tpu.memref_squeeze %dma_wait3A_204 : memref<1x1x48xf32, #tpu.memory_space<hbm>> -> memref<48xf32, #tpu.memory_space<hbm>>
        tpu.wait_dma2 semaphore(%run_scoped3A : memref<!tpu.dma_semaphore, #tpu.memory_space<semaphore_mem>>) src(%dma_wait3A_205 : memref<48xf32, #tpu.memory_space<hbm>>) dst(%arg17 : memref<48xf32, #tpu.memory_space<vmem>>)
        tpu.yield
      }) : () -> ()
      %get3A = arith.constant 0 : index
      %get3A_68 = tpu.vector_load %arg17[%get3A] {strides = array<i32>} : memref<48xf32, #tpu.memory_space<vmem>>, vector<16xf32>,
      %mul3A_69 = vector.broadcast %convert_element_type3A_67 : f32 to vector<16xf32>
      %mul3A_70 = arith.mulf %get3A_68, %mul3A_69 : vector<16xf32>
      %convert_element_type3A_71 = arith.fptosi %mul3A_70 : vector<16xf32> to vector<16xi32>
      %jit3A_72 = arith.constant 0 : i32
      %jit3A_73 = arith.constant 2047 : i32
      %max3A = vector.broadcast %jit3A_72 : i32 to vector<16xi32>
      %max3A_74 = arith.maxsi %max3A, %convert_element_type3A_71 : vector<16xi32>
      %min3A = vector.broadcast %jit3A_73 : i32 to vector<16xi32>
      %min3A_75 = arith.minsi %min3A, %max3A_74 : vector<16xi32>
      %gather3A = tpu.vector_load_idx %arg16[%min3A_75] : memref<2064xi32, #tpu.memory_space<vmem>>[vector<16xi32>], vector<16xi32>,
      %jit3A_76 = arith.constant 0 : i32
      %jit3A_77 = arith.constant 16383 : i32
      %max3A_78 = vector.broadcast %jit3A_76 : i32 to vector<16xi32>
      %max3A_79 = arith.maxsi %max3A_78, %gather3A : vector<16xi32>
      %min3A_80 = vector.broadcast %jit3A_77 : i32 to vector<16xi32>
      %min3A_81 = arith.minsi %min3A_80, %max3A_79 : vector<16xi32>
      %swap3A_82 = arith.constant 0 : index
      %swap3A_83 = tpu.vector_load %arg18[%swap3A_82] {strides = array<i32>} : memref<48xi32, #tpu.memory_space<vmem>>, vector<16xi32>,
      tpu.vector_store %arg18[%swap3A_82], %min3A_81 {strides = array<i32>} : memref<48xi32, #tpu.memory_space<vmem>>, vector<16xi32>,
      %get3A_84 = arith.constant 16 : index
      %get3A_85 = tpu.vector_load %arg17[%get3A_84] {strides = array<i32>} : memref<48xf32, #tpu.memory_space<vmem>>, vector<16xf32>,
      %mul3A_86 = vector.broadcast %convert_element_type3A_67 : f32 to vector<16xf32>
      %mul3A_87 = arith.mulf %get3A_85, %mul3A_86 : vector<16xf32>
      %convert_element_type3A_88 = arith.fptosi %mul3A_87 : vector<16xf32> to vector<16xi32>
      %jit3A_89 = arith.constant 0 : i32
      %jit3A_90 = arith.constant 2047 : i32
      %max3A_91 = vector.broadcast %jit3A_89 : i32 to vector<16xi32>
      %max3A_92 = arith.maxsi %max3A_91, %convert_element_type3A_88 : vector<16xi32>
      %min3A_93 = vector.broadcast %jit3A_90 : i32 to vector<16xi32>
      %min3A_94 = arith.minsi %min3A_93, %max3A_92 : vector<16xi32>
      %gather3A_95 = tpu.vector_load_idx %arg16[%min3A_94] : memref<2064xi32, #tpu.memory_space<vmem>>[vector<16xi32>], vector<16xi32>,
      %jit3A_96 = arith.constant 0 : i32
      %jit3A_97 = arith.constant 16383 : i32
      %max3A_98 = vector.broadcast %jit3A_96 : i32 to vector<16xi32>
      %max3A_99 = arith.maxsi %max3A_98, %gather3A_95 : vector<16xi32>
      %min3A_100 = vector.broadcast %jit3A_97 : i32 to vector<16xi32>
      %min3A_101 = arith.minsi %min3A_100, %max3A_99 : vector<16xi32>
      %swap3A_102 = arith.constant 16 : index
      %swap3A_103 = tpu.vector_load %arg18[%swap3A_102] {strides = array<i32>} : memref<48xi32, #tpu.memory_space<vmem>>, vector<16xi32>,
      tpu.vector_store %arg18[%swap3A_102], %min3A_101 {strides = array<i32>} : memref<48xi32, #tpu.memory_space<vmem>>, vector<16xi32>,
      %get3A_104 = arith.constant 32 : index
      %get3A_105 = tpu.vector_load %arg17[%get3A_104] {strides = array<i32>} : memref<48xf32, #tpu.memory_space<vmem>>, vector<16xf32>,
      %mul3A_106 = vector.broadcast %convert_element_type3A_67 : f32 to vector<16xf32>
      %mul3A_107 = arith.mulf %get3A_105, %mul3A_106 : vector<16xf32>
      %convert_element_type3A_108 = arith.fptosi %mul3A_107 : vector<16xf32> to vector<16xi32>
      %jit3A_109 = arith.constant 0 : i32
      %jit3A_110 = arith.constant 2047 : i32
      %max3A_111 = vector.broadcast %jit3A_109 : i32 to vector<16xi32>
      %max3A_112 = arith.maxsi %max3A_111, %convert_element_type3A_108 : vector<16xi32>
      %min3A_113 = vector.broadcast %jit3A_110 : i32 to vector<16xi32>
      %min3A_114 = arith.minsi %min3A_113, %max3A_112 : vector<16xi32>
      %gather3A_115 = tpu.vector_load_idx %arg16[%min3A_114] : memref<2064xi32, #tpu.memory_space<vmem>>[vector<16xi32>], vector<16xi32>,
      %jit3A_116 = arith.constant 0 : i32
      %jit3A_117 = arith.constant 16383 : i32
      %max3A_118 = vector.broadcast %jit3A_116 : i32 to vector<16xi32>
      %max3A_119 = arith.maxsi %max3A_118, %gather3A_115 : vector<16xi32>
      %min3A_120 = vector.broadcast %jit3A_117 : i32 to vector<16xi32>
      %min3A_121 = arith.minsi %min3A_120, %max3A_119 : vector<16xi32>
      %swap3A_122 = arith.constant 32 : index
      %swap3A_123 = tpu.vector_load %arg18[%swap3A_122] {strides = array<i32>} : memref<48xi32, #tpu.memory_space<vmem>>, vector<16xi32>,
      tpu.vector_store %arg18[%swap3A_122], %min3A_121 {strides = array<i32>} : memref<48xi32, #tpu.memory_space<vmem>>, vector<16xi32>,
      %dma_start3A = arith.constant 0 : i32
      %dma_start3A_124 = arith.constant 0 : i32
      %dma_start3A_125 = tpu.memref_slice %arg2[%dma_start3A, %dma_start3A_124] : memref<16384x64xf32, #tpu.memory_space<hbm>> -> memref<16384x64xf32, #tpu.memory_space<hbm>>
      tpu.enqueue_indirect_dma source(%dma_start3A_125 : memref<16384x64xf32, #tpu.memory_space<hbm>>) target(%arg19 : memref<48x64xf32, #tpu.memory_space<vmem>>) offsets(%arg18 : memref<48xi32, #tpu.memory_space<vmem>>) semaphore(%arg21 : memref<!tpu.dma_semaphore, #tpu.memory_space<semaphore_mem>>)
      %dma_wait3A = arith.constant 0 : i32
      %dma_wait3A_126 = arith.constant 0 : i32
      %dma_wait3A_127 = tpu.memref_slice %arg2[%dma_wait3A, %dma_wait3A_126] : memref<16384x64xf32, #tpu.memory_space<hbm>> -> memref<16384x64xf32, #tpu.memory_space<hbm>>
      tpu.wait_indirect_dma semaphore(%arg21 : memref<!tpu.dma_semaphore, #tpu.memory_space<semaphore_mem>>) src(%dma_wait3A_127 : memref<16384x64xf32, #tpu.memory_space<hbm>>) dst(%arg19 : memref<48x64xf32, #tpu.memory_space<vmem>>)
      "tpu.region"() ({
        %run_scoped3A = tpu.sem_alloc : memref<!tpu.dma_semaphore, #tpu.memory_space<semaphore_mem>>
        %dma_start3A_194 = arith.constant 0 : i32
        %dma_start3A_195 = arith.constant 0 : i32
        %dma_start3A_196 = tpu.memref_slice %arg11[%select_n3A, %sub3A_50, %dma_start3A_194, %dma_start3A_195] : memref<4x20x48x64xf32, #tpu.memory_space<hbm>> -> memref<1x1x48x64xf32, #tpu.memory_space<hbm>>
        %dma_start3A_197 = tpu.memref_squeeze %dma_start3A_196 : memref<1x1x48x64xf32, #tpu.memory_space<hbm>> -> memref<48x64xf32, #tpu.memory_space<hbm>>
        %dma_start3A_198 = arith.constant 0 : i32
        %dma_start3A_199 = arith.constant 0 : i32
        %dma_start3A_200 = tpu.memref_slice %arg11[%select_n3A, %sub3A_50, %dma_start3A_198, %dma_start3A_199] : memref<4x20x48x64xf32, #tpu.memory_space<hbm>> -> memref<1x1x48x64xf32, #tpu.memory_space<hbm>>
        %dma_start3A_201 = tpu.memref_squeeze %dma_start3A_200 : memref<1x1x48x64xf32, #tpu.memory_space<hbm>> -> memref<48x64xf32, #tpu.memory_space<hbm>>
        tpu.enqueue_dma source(%arg19 : memref<48x64xf32, #tpu.memory_space<vmem>>) target(%dma_start3A_201 : memref<48x64xf32, #tpu.memory_space<hbm>>) target_semaphore(%run_scoped3A : memref<!tpu.dma_semaphore, #tpu.memory_space<semaphore_mem>>)
        %dma_wait3A_202 = arith.constant 0 : i32
        %dma_wait3A_203 = arith.constant 0 : i32
        %dma_wait3A_204 = tpu.memref_slice %arg11[%select_n3A, %sub3A_50, %dma_wait3A_202, %dma_wait3A_203] : memref<4x20x48x64xf32, #tpu.memory_space<hbm>> -> memref<1x1x48x64xf32, #tpu.memory_space<hbm>>
        %dma_wait3A_205 = tpu.memref_squeeze %dma_wait3A_204 : memref<1x1x48x64xf32, #tpu.memory_space<hbm>> -> memref<48x64xf32, #tpu.memory_space<hbm>>
        %dma_wait3A_206 = arith.constant 0 : i32
        %dma_wait3A_207 = arith.constant 0 : i32
        %dma_wait3A_208 = tpu.memref_slice %arg11[%select_n3A, %sub3A_50, %dma_wait3A_206, %dma_wait3A_207] : memref<4x20x48x64xf32, #tpu.memory_space<hbm>> -> memref<1x1x48x64xf32, #tpu.memory_space<hbm>>
        %dma_wait3A_209 = tpu.memref_squeeze %dma_wait3A_208 : memref<1x1x48x64xf32, #tpu.memory_space<hbm>> -> memref<48x64xf32, #tpu.memory_space<hbm>>
        tpu.wait_dma2 semaphore(%run_scoped3A : memref<!tpu.dma_semaphore, #tpu.memory_space<semaphore_mem>>) src(%arg19 : memref<48x64xf32, #tpu.memory_space<vmem>>) dst(%dma_wait3A_209 : memref<48x64xf32, #tpu.memory_space<hbm>>)
        tpu.yield
      }) : () -> ()
      "tpu.region"() ({
        %run_scoped3A = tpu.sem_alloc : memref<!tpu.dma_semaphore, #tpu.memory_space<semaphore_mem>>
        %dma_start3A_194 = arith.constant 0 : i32
        %dma_start3A_195 = tpu.memref_slice %arg7[%select_n3A, %sub3A_50, %dma_start3A_194] : memref<4x20x48xf32, #tpu.memory_space<hbm>> -> memref<1x1x48xf32, #tpu.memory_space<hbm>>
        %dma_start3A_196 = tpu.memref_squeeze %dma_start3A_195 : memref<1x1x48xf32, #tpu.memory_space<hbm>> -> memref<48xf32, #tpu.memory_space<hbm>>
        %dma_start3A_197 = arith.constant 0 : i32
        %dma_start3A_198 = tpu.memref_slice %arg7[%select_n3A, %sub3A_50, %dma_start3A_197] : memref<4x20x48xf32, #tpu.memory_space<hbm>> -> memref<1x1x48xf32, #tpu.memory_space<hbm>>
        %dma_start3A_199 = tpu.memref_squeeze %dma_start3A_198 : memref<1x1x48xf32, #tpu.memory_space<hbm>> -> memref<48xf32, #tpu.memory_space<hbm>>
        tpu.enqueue_dma source(%dma_start3A_199 : memref<48xf32, #tpu.memory_space<hbm>>) target(%arg17 : memref<48xf32, #tpu.memory_space<vmem>>) target_semaphore(%run_scoped3A : memref<!tpu.dma_semaphore, #tpu.memory_space<semaphore_mem>>)
        %dma_wait3A_200 = arith.constant 0 : i32
        %dma_wait3A_201 = tpu.memref_slice %arg7[%select_n3A, %sub3A_50, %dma_wait3A_200] : memref<4x20x48xf32, #tpu.memory_space<hbm>> -> memref<1x1x48xf32, #tpu.memory_space<hbm>>
        %dma_wait3A_202 = tpu.memref_squeeze %dma_wait3A_201 : memref<1x1x48xf32, #tpu.memory_space<hbm>> -> memref<48xf32, #tpu.memory_space<hbm>>
        %dma_wait3A_203 = arith.constant 0 : i32
        %dma_wait3A_204 = tpu.memref_slice %arg7[%select_n3A, %sub3A_50, %dma_wait3A_203] : memref<4x20x48xf32, #tpu.memory_space<hbm>> -> memref<1x1x48xf32, #tpu.memory_space<hbm>>
        %dma_wait3A_205 = tpu.memref_squeeze %dma_wait3A_204 : memref<1x1x48xf32, #tpu.memory_space<hbm>> -> memref<48xf32, #tpu.memory_space<hbm>>
        tpu.wait_dma2 semaphore(%run_scoped3A : memref<!tpu.dma_semaphore, #tpu.memory_space<semaphore_mem>>) src(%dma_wait3A_205 : memref<48xf32, #tpu.memory_space<hbm>>) dst(%arg17 : memref<48xf32, #tpu.memory_space<vmem>>)
        tpu.yield
      }) : () -> ()
      %get3A_128 = arith.constant 0 : index
      %get3A_129 = tpu.vector_load %arg17[%get3A_128] {strides = array<i32>} : memref<48xf32, #tpu.memory_space<vmem>>, vector<16xf32>,
      %mul3A_130 = vector.broadcast %convert_element_type3A_67 : f32 to vector<16xf32>
      %mul3A_131 = arith.mulf %get3A_129, %mul3A_130 : vector<16xf32>
      %convert_element_type3A_132 = arith.fptosi %mul3A_131 : vector<16xf32> to vector<16xi32>
      %jit3A_133 = arith.constant 0 : i32
      %jit3A_134 = arith.constant 2047 : i32
      %max3A_135 = vector.broadcast %jit3A_133 : i32 to vector<16xi32>
      %max3A_136 = arith.maxsi %max3A_135, %convert_element_type3A_132 : vector<16xi32>
      %min3A_137 = vector.broadcast %jit3A_134 : i32 to vector<16xi32>
      %min3A_138 = arith.minsi %min3A_137, %max3A_136 : vector<16xi32>
      %gather3A_139 = tpu.vector_load_idx %arg16[%min3A_138] : memref<2064xi32, #tpu.memory_space<vmem>>[vector<16xi32>], vector<16xi32>,
      %jit3A_140 = arith.constant 0 : i32
      %jit3A_141 = arith.constant 16383 : i32
      %max3A_142 = vector.broadcast %jit3A_140 : i32 to vector<16xi32>
      %max3A_143 = arith.maxsi %max3A_142, %gather3A_139 : vector<16xi32>
      %min3A_144 = vector.broadcast %jit3A_141 : i32 to vector<16xi32>
      %min3A_145 = arith.minsi %min3A_144, %max3A_143 : vector<16xi32>
      %swap3A_146 = arith.constant 0 : index
      %swap3A_147 = tpu.vector_load %arg18[%swap3A_146] {strides = array<i32>} : memref<48xi32, #tpu.memory_space<vmem>>, vector<16xi32>,
      tpu.vector_store %arg18[%swap3A_146], %min3A_145 {strides = array<i32>} : memref<48xi32, #tpu.memory_space<vmem>>, vector<16xi32>,
      %get3A_148 = arith.constant 16 : index
      %get3A_149 = tpu.vector_load %arg17[%get3A_148] {strides = array<i32>} : memref<48xf32, #tpu.memory_space<vmem>>, vector<16xf32>,
      %mul3A_150 = vector.broadcast %convert_element_type3A_67 : f32 to vector<16xf32>
      %mul3A_151 = arith.mulf %get3A_149, %mul3A_150 : vector<16xf32>
      %convert_element_type3A_152 = arith.fptosi %mul3A_151 : vector<16xf32> to vector<16xi32>
      %jit3A_153 = arith.constant 0 : i32
      %jit3A_154 = arith.constant 2047 : i32
      %max3A_155 = vector.broadcast %jit3A_153 : i32 to vector<16xi32>
      %max3A_156 = arith.maxsi %max3A_155, %convert_element_type3A_152 : vector<16xi32>
      %min3A_157 = vector.broadcast %jit3A_154 : i32 to vector<16xi32>
      %min3A_158 = arith.minsi %min3A_157, %max3A_156 : vector<16xi32>
      %gather3A_159 = tpu.vector_load_idx %arg16[%min3A_158] : memref<2064xi32, #tpu.memory_space<vmem>>[vector<16xi32>], vector<16xi32>,
      %jit3A_160 = arith.constant 0 : i32
      %jit3A_161 = arith.constant 16383 : i32
      %max3A_162 = vector.broadcast %jit3A_160 : i32 to vector<16xi32>
      %max3A_163 = arith.maxsi %max3A_162, %gather3A_159 : vector<16xi32>
      %min3A_164 = vector.broadcast %jit3A_161 : i32 to vector<16xi32>
      %min3A_165 = arith.minsi %min3A_164, %max3A_163 : vector<16xi32>
      %swap3A_166 = arith.constant 16 : index
      %swap3A_167 = tpu.vector_load %arg18[%swap3A_166] {strides = array<i32>} : memref<48xi32, #tpu.memory_space<vmem>>, vector<16xi32>,
      tpu.vector_store %arg18[%swap3A_166], %min3A_165 {strides = array<i32>} : memref<48xi32, #tpu.memory_space<vmem>>, vector<16xi32>,
      %get3A_168 = arith.constant 32 : index
      %get3A_169 = tpu.vector_load %arg17[%get3A_168] {strides = array<i32>} : memref<48xf32, #tpu.memory_space<vmem>>, vector<16xf32>,
      %mul3A_170 = vector.broadcast %convert_element_type3A_67 : f32 to vector<16xf32>
      %mul3A_171 = arith.mulf %get3A_169, %mul3A_170 : vector<16xf32>
      %convert_element_type3A_172 = arith.fptosi %mul3A_171 : vector<16xf32> to vector<16xi32>
      %jit3A_173 = arith.constant 0 : i32
      %jit3A_174 = arith.constant 2047 : i32
      %max3A_175 = vector.broadcast %jit3A_173 : i32 to vector<16xi32>
      %max3A_176 = arith.maxsi %max3A_175, %convert_element_type3A_172 : vector<16xi32>
      %min3A_177 = vector.broadcast %jit3A_174 : i32 to vector<16xi32>
      %min3A_178 = arith.minsi %min3A_177, %max3A_176 : vector<16xi32>
      %gather3A_179 = tpu.vector_load_idx %arg16[%min3A_178] : memref<2064xi32, #tpu.memory_space<vmem>>[vector<16xi32>], vector<16xi32>,
      %jit3A_180 = arith.constant 0 : i32
      %jit3A_181 = arith.constant 16383 : i32
      %max3A_182 = vector.broadcast %jit3A_180 : i32 to vector<16xi32>
      %max3A_183 = arith.maxsi %max3A_182, %gather3A_179 : vector<16xi32>
      %min3A_184 = vector.broadcast %jit3A_181 : i32 to vector<16xi32>
      %min3A_185 = arith.minsi %min3A_184, %max3A_183 : vector<16xi32>
      %swap3A_186 = arith.constant 32 : index
      %swap3A_187 = tpu.vector_load %arg18[%swap3A_186] {strides = array<i32>} : memref<48xi32, #tpu.memory_space<vmem>>, vector<16xi32>,
      tpu.vector_store %arg18[%swap3A_186], %min3A_185 {strides = array<i32>} : memref<48xi32, #tpu.memory_space<vmem>>, vector<16xi32>,
      %dma_start3A_188 = arith.constant 0 : i32
      %dma_start3A_189 = arith.constant 0 : i32
      %dma_start3A_190 = tpu.memref_slice %arg3[%dma_start3A_188, %dma_start3A_189] : memref<16384x64xf32, #tpu.memory_space<hbm>> -> memref<16384x64xf32, #tpu.memory_space<hbm>>
      tpu.enqueue_indirect_dma source(%dma_start3A_190 : memref<16384x64xf32, #tpu.memory_space<hbm>>) target(%arg19 : memref<48x64xf32, #tpu.memory_space<vmem>>) offsets(%arg18 : memref<48xi32, #tpu.memory_space<vmem>>) semaphore(%arg21 : memref<!tpu.dma_semaphore, #tpu.memory_space<semaphore_mem>>)
      %dma_wait3A_191 = arith.constant 0 : i32
      %dma_wait3A_192 = arith.constant 0 : i32
      %dma_wait3A_193 = tpu.memref_slice %arg3[%dma_wait3A_191, %dma_wait3A_192] : memref<16384x64xf32, #tpu.memory_space<hbm>> -> memref<16384x64xf32, #tpu.memory_space<hbm>>
      tpu.wait_indirect_dma semaphore(%arg21 : memref<!tpu.dma_semaphore, #tpu.memory_space<semaphore_mem>>) src(%dma_wait3A_193 : memref<16384x64xf32, #tpu.memory_space<hbm>>) dst(%arg19 : memref<48x64xf32, #tpu.memory_space<vmem>>)
      "tpu.region"() ({
        %run_scoped3A = tpu.sem_alloc : memref<!tpu.dma_semaphore, #tpu.memory_space<semaphore_mem>>
        %dma_start3A_194 = arith.constant 0 : i32
        %dma_start3A_195 = arith.constant 0 : i32
        %dma_start3A_196 = tpu.memref_slice %arg12[%select_n3A, %sub3A_50, %dma_start3A_194, %dma_start3A_195] : memref<4x20x48x64xf32, #tpu.memory_space<hbm>> -> memref<1x1x48x64xf32, #tpu.memory_space<hbm>>
        %dma_start3A_197 = tpu.memref_squeeze %dma_start3A_196 : memref<1x1x48x64xf32, #tpu.memory_space<hbm>> -> memref<48x64xf32, #tpu.memory_space<hbm>>
        %dma_start3A_198 = arith.constant 0 : i32
        %dma_start3A_199 = arith.constant 0 : i32
        %dma_start3A_200 = tpu.memref_slice %arg12[%select_n3A, %sub3A_50, %dma_start3A_198, %dma_start3A_199] : memref<4x20x48x64xf32, #tpu.memory_space<hbm>> -> memref<1x1x48x64xf32, #tpu.memory_space<hbm>>
        %dma_start3A_201 = tpu.memref_squeeze %dma_start3A_200 : memref<1x1x48x64xf32, #tpu.memory_space<hbm>> -> memref<48x64xf32, #tpu.memory_space<hbm>>
        tpu.enqueue_dma source(%arg19 : memref<48x64xf32, #tpu.memory_space<vmem>>) target(%dma_start3A_201 : memref<48x64xf32, #tpu.memory_space<hbm>>) target_semaphore(%run_scoped3A : memref<!tpu.dma_semaphore, #tpu.memory_space<semaphore_mem>>)
        %dma_wait3A_202 = arith.constant 0 : i32
        %dma_wait3A_203 = arith.constant 0 : i32
        %dma_wait3A_204 = tpu.memref_slice %arg12[%select_n3A, %sub3A_50, %dma_wait3A_202, %dma_wait3A_203] : memref<4x20x48x64xf32, #tpu.memory_space<hbm>> -> memref<1x1x48x64xf32, #tpu.memory_space<hbm>>
        %dma_wait3A_205 = tpu.memref_squeeze %dma_wait3A_204 : memref<1x1x48x64xf32, #tpu.memory_space<hbm>> -> memref<48x64xf32, #tpu.memory_space<hbm>>
        %dma_wait3A_206 = arith.constant 0 : i32
        %dma_wait3A_207 = arith.constant 0 : i32
        %dma_wait3A_208 = tpu.memref_slice %arg12[%select_n3A, %sub3A_50, %dma_wait3A_206, %dma_wait3A_207] : memref<4x20x48x64xf32, #tpu.memory_space<hbm>> -> memref<1x1x48x64xf32, #tpu.memory_space<hbm>>
        %dma_wait3A_209 = tpu.memref_squeeze %dma_wait3A_208 : memref<1x1x48x64xf32, #tpu.memory_space<hbm>> -> memref<48x64xf32, #tpu.memory_space<hbm>>
        tpu.wait_dma2 semaphore(%run_scoped3A : memref<!tpu.dma_semaphore, #tpu.memory_space<semaphore_mem>>) src(%arg19 : memref<48x64xf32, #tpu.memory_space<vmem>>) dst(%dma_wait3A_209 : memref<48x64xf32, #tpu.memory_space<hbm>>)
        tpu.yield
      }) : () -> ()
    } else {
    }
    %add3A_17 = arith.constant 32 : i32
    %add3A_18 = arith.addi %add3A, %add3A_17 : i32
    %lt3A_19 = arith.constant 80 : i32
    %lt3A_20 = arith.cmpi slt, %add3A_18, %lt3A_19 : i32
    %convert_element_type3A_21 = arith.extui %lt3A_20 : i1 to i32
    %cond3A_22 = arith.constant 0 : i32
    %cond3A_23 = arith.cmpi ne, %convert_element_type3A_21, %cond3A_22 : i32
    scf.if %cond3A_23 {
      %jit3A = arith.constant 20 : i32
      %div3A = arith.divsi %add3A_18, %jit3A : i32
      %sign3A = arith.constant 0 : i32
      %sign3A_31 = arith.cmpi sgt, %add3A_18, %sign3A : i32
      %sign3A_32 = arith.extui %sign3A_31 : i1 to i32
      %sign3A_33 = arith.constant 0 : i32
      %sign3A_34 = arith.cmpi slt, %add3A_18, %sign3A_33 : i32
      %sign3A_35 = arith.extui %sign3A_34 : i1 to i32
      %sign3A_36 = arith.subi %sign3A_32, %sign3A_35 : i32
      %sign3A_37 = arith.constant 0 : i32
      %sign3A_38 = arith.cmpi sgt, %jit3A, %sign3A_37 : i32
      %sign3A_39 = arith.extui %sign3A_38 : i1 to i32
      %sign3A_40 = arith.constant 0 : i32
      %sign3A_41 = arith.cmpi slt, %jit3A, %sign3A_40 : i32
      %sign3A_42 = arith.extui %sign3A_41 : i1 to i32
      %sign3A_43 = arith.subi %sign3A_39, %sign3A_42 : i32
      %ne3A = arith.cmpi ne, %sign3A_36, %sign3A_43 : i32
      %rem3A_44 = arith.remsi %add3A_18, %jit3A : i32
      %ne3A_45 = arith.constant 0 : i32
      %ne3A_46 = arith.cmpi ne, %rem3A_44, %ne3A_45 : i32
      %and3A = arith.andi %ne3A, %ne3A_46 : i1
      %sub3A = arith.constant 1 : i32
      %sub3A_47 = arith.subi %div3A, %sub3A : i32
      %select_n3A = arith.select %and3A, %sub3A_47, %div3A : i32
      %mul3A_48 = arith.constant 20 : i32
      %mul3A_49 = arith.muli %select_n3A, %mul3A_48 : i32
      %sub3A_50 = arith.subi %add3A_18, %mul3A_49 : i32
      "tpu.region"() ({
        %run_scoped3A = tpu.sem_alloc : memref<!tpu.dma_semaphore, #tpu.memory_space<semaphore_mem>>
        %dma_start3A_194 = arith.constant 0 : i32
        %dma_start3A_195 = tpu.memref_slice %arg4[%select_n3A, %dma_start3A_194] : memref<4x2048xi32, #tpu.memory_space<hbm>> -> memref<1x2048xi32, #tpu.memory_space<hbm>>
        %dma_start3A_196 = tpu.memref_squeeze %dma_start3A_195 : memref<1x2048xi32, #tpu.memory_space<hbm>> -> memref<2048xi32, #tpu.memory_space<hbm>>
        %dma_start3A_197 = arith.constant 0 : i32
        %dma_start3A_198 = tpu.memref_slice %arg4[%select_n3A, %dma_start3A_197] : memref<4x2048xi32, #tpu.memory_space<hbm>> -> memref<1x2048xi32, #tpu.memory_space<hbm>>
        %dma_start3A_199 = tpu.memref_squeeze %dma_start3A_198 : memref<1x2048xi32, #tpu.memory_space<hbm>> -> memref<2048xi32, #tpu.memory_space<hbm>>
        tpu.enqueue_dma source(%dma_start3A_199 : memref<2048xi32, #tpu.memory_space<hbm>>) target(%arg15 : memref<2048xi32, #tpu.memory_space<vmem>>) target_semaphore(%run_scoped3A : memref<!tpu.dma_semaphore, #tpu.memory_space<semaphore_mem>>)
        %dma_wait3A_200 = arith.constant 0 : i32
        %dma_wait3A_201 = tpu.memref_slice %arg4[%select_n3A, %dma_wait3A_200] : memref<4x2048xi32, #tpu.memory_space<hbm>> -> memref<1x2048xi32, #tpu.memory_space<hbm>>
        %dma_wait3A_202 = tpu.memref_squeeze %dma_wait3A_201 : memref<1x2048xi32, #tpu.memory_space<hbm>> -> memref<2048xi32, #tpu.memory_space<hbm>>
        %dma_wait3A_203 = arith.constant 0 : i32
        %dma_wait3A_204 = tpu.memref_slice %arg4[%select_n3A, %dma_wait3A_203] : memref<4x2048xi32, #tpu.memory_space<hbm>> -> memref<1x2048xi32, #tpu.memory_space<hbm>>
        %dma_wait3A_205 = tpu.memref_squeeze %dma_wait3A_204 : memref<1x2048xi32, #tpu.memory_space<hbm>> -> memref<2048xi32, #tpu.memory_space<hbm>>
        tpu.wait_dma2 semaphore(%run_scoped3A : memref<!tpu.dma_semaphore, #tpu.memory_space<semaphore_mem>>) src(%dma_wait3A_205 : memref<2048xi32, #tpu.memory_space<hbm>>) dst(%arg15 : memref<2048xi32, #tpu.memory_space<vmem>>)
        tpu.yield
      }) : () -> ()
      %broadcast_in_dim3A = arith.constant 0 : i32
      %broadcast_in_dim3A_51 = vector.broadcast %broadcast_in_dim3A : i32 to vector<16xi32>
      %add3A_52 = vector.broadcast %sub3A_50 : i32 to vector<16xi32>
      %add3A_53 = arith.addi %broadcast_in_dim3A_51, %add3A_52 : vector<16xi32>
      %mul3A_54 = arith.constant 4096 : i32
      %mul3A_55 = arith.muli %select_n3A, %mul3A_54 : i32
      %scan3A = arith.constant 0 : i32
      %scan3A_56 = arith.constant 0 : i32
      %scan3A_57 = arith.constant 128 : i32
      %scan3A_58 = arith.addi %scan3A_56, %scan3A_57 : i32
      %scan3A_59 = arith.constant 1 : i32
      %scan3A_60 = scf.for %scan3A_194 = %scan3A_56 to %scan3A_58 step %scan3A_59 iter_args(%scan3A_195 = %scan3A) -> (i32)  : i32 {
        %mul3A_196 = arith.constant 16 : i32
        %mul3A_197 = arith.muli %scan3A_194, %mul3A_196 : i32
        %get3A_198 = arith.index_cast %mul3A_197 : i32 to index
        %get3A_199 = tpu.vector_load %arg15[%get3A_198] {strides = array<i32>} : memref<2048xi32, #tpu.memory_space<vmem>>, vector<16xi32>,
        %iota3A = tpu.iota {dimensions = array<i32: 0>} : vector<16xi32>
        %sub3A_200 = arith.subi %get3A_199, %add3A_53 : vector<16xi32>
        %abs3A = math.absi %sub3A_200 : vector<16xi32>
        %min3A_201 = arith.constant 1 : i32
        %min3A_202 = vector.broadcast %min3A_201 : i32 to vector<16xi32>
        %min3A_203 = arith.minsi %abs3A, %min3A_202 : vector<16xi32>
        %sub3A_204 = arith.constant 1 : i32
        %sub3A_205 = vector.broadcast %sub3A_204 : i32 to vector<16xi32>
        %sub3A_206 = arith.subi %sub3A_205, %min3A_203 : vector<16xi32>
        %broadcast_in_dim3A_207 = arith.constant true
        %broadcast_in_dim3A_208 = vector.broadcast %broadcast_in_dim3A_207 : i1 to vector<16xi1>
        %masked_cumsum3A = tpu.scan <sum>, %sub3A_206 masked %broadcast_in_dim3A_208 : vector<16xi32>, vector<16xi1> -> vector<16xi32>
        %add3A_209 = vector.broadcast %scan3A_195 : i32 to vector<16xi32>
        %add3A_210 = arith.addi %add3A_209, %masked_cumsum3A : vector<16xi32>
        %sub3A_211 = arith.constant 1 : i32
        %sub3A_212 = vector.broadcast %sub3A_211 : i32 to vector<16xi32>
        %sub3A_213 = arith.subi %add3A_210, %sub3A_212 : vector<16xi32>
        %mul3A_214 = arith.muli %sub3A_206, %sub3A_213 : vector<16xi32>
        %sub3A_215 = arith.constant 1 : i32
        %sub3A_216 = vector.broadcast %sub3A_215 : i32 to vector<16xi32>
        %sub3A_217 = arith.subi %sub3A_216, %sub3A_206 : vector<16xi32>
        %add3A_218 = arith.constant 2048 : i32
        %add3A_219 = vector.broadcast %add3A_218 : i32 to vector<16xi32>
        %add3A_220 = arith.addi %add3A_219, %iota3A : vector<16xi32>
        %mul3A_221 = arith.muli %sub3A_217, %add3A_220 : vector<16xi32>
        %add3A_222 = arith.addi %mul3A_214, %mul3A_221 : vector<16xi32>
        %mul3A_223 = arith.constant 16 : i32
        %mul3A_224 = arith.muli %scan3A_194, %mul3A_223 : i32
        %add3A_225 = arith.addi %mul3A_224, %mul3A_55 : i32
        %add3A_226 = vector.broadcast %add3A_225 : i32 to vector<16xi32>
        %add3A_227 = arith.addi %iota3A, %add3A_226 : vector<16xi32>
        tpu.vector_store_idx %arg16[%add3A_222], %add3A_227 : memref<2064xi32, #tpu.memory_space<vmem>>[vector<16xi32>], vector<16xi32>,
        %reduce_max3A = arith.constant true
        %reduce_max3A_228 = vector.broadcast %reduce_max3A : i1 to vector<16xi1>
        %reduce_max3A_229 = arith.constant -2147483648 : i32
        %reduce_max3A_230 = vector.broadcast %reduce_max3A_229 : i32 to vector<16xi32>
        %reduce_max3A_231 = arith.xori %masked_cumsum3A, %reduce_max3A_230 : vector<16xi32>
        %reduce_max3A_232 = tpu.scan <max>, %reduce_max3A_231 masked %reduce_max3A_228 : vector<16xi32>, vector<16xi1> -> vector<16xi32>
        %reduce_max3A_233 = arith.xori %reduce_max3A_232, %reduce_max3A_230 : vector<16xi32>
        %reduce_max3A_234 = vector.extract %reduce_max3A_233[15] : i32 from vector<16xi32>
        %add3A_235 = arith.addi %scan3A_195, %reduce_max3A_234 : i32
        scf.yield %add3A_235 : i32
      }
      %scan3A_61 = arith.constant 128 : i32
      %broadcast_in_dim3A_62 = arith.constant 0 : i32
      %broadcast_in_dim3A_63 = vector.broadcast %broadcast_in_dim3A_62 : i32 to vector<16xi32>
      %add3A_64 = vector.broadcast %scan3A_60 : i32 to vector<16xi32>
      %add3A_65 = arith.addi %broadcast_in_dim3A_63, %add3A_64 : vector<16xi32>
      %swap3A = arith.constant 0 : index
      %swap3A_66 = tpu.vector_load %arg20[%swap3A] {strides = array<i32>} : memref<16xi32, #tpu.memory_space<vmem>>, vector<16xi32>,
      tpu.vector_store %arg20[%swap3A], %add3A_65 {strides = array<i32>} : memref<16xi32, #tpu.memory_space<vmem>>, vector<16xi32>,
      "tpu.region"() ({
        %run_scoped3A = tpu.sem_alloc : memref<!tpu.dma_semaphore, #tpu.memory_space<semaphore_mem>>
        %dma_start3A_194 = arith.constant 0 : i32
        %dma_start3A_195 = tpu.memref_slice %arg10[%select_n3A, %sub3A_50, %dma_start3A_194] : memref<4x20x16xi32, #tpu.memory_space<hbm>> -> memref<1x1x16xi32, #tpu.memory_space<hbm>>
        %dma_start3A_196 = tpu.memref_squeeze %dma_start3A_195 : memref<1x1x16xi32, #tpu.memory_space<hbm>> -> memref<16xi32, #tpu.memory_space<hbm>>
        %dma_start3A_197 = arith.constant 0 : i32
        %dma_start3A_198 = tpu.memref_slice %arg10[%select_n3A, %sub3A_50, %dma_start3A_197] : memref<4x20x16xi32, #tpu.memory_space<hbm>> -> memref<1x1x16xi32, #tpu.memory_space<hbm>>
        %dma_start3A_199 = tpu.memref_squeeze %dma_start3A_198 : memref<1x1x16xi32, #tpu.memory_space<hbm>> -> memref<16xi32, #tpu.memory_space<hbm>>
        tpu.enqueue_dma source(%arg20 : memref<16xi32, #tpu.memory_space<vmem>>) target(%dma_start3A_199 : memref<16xi32, #tpu.memory_space<hbm>>) target_semaphore(%run_scoped3A : memref<!tpu.dma_semaphore, #tpu.memory_space<semaphore_mem>>)
        %dma_wait3A_200 = arith.constant 0 : i32
        %dma_wait3A_201 = tpu.memref_slice %arg10[%select_n3A, %sub3A_50, %dma_wait3A_200] : memref<4x20x16xi32, #tpu.memory_space<hbm>> -> memref<1x1x16xi32, #tpu.memory_space<hbm>>
        %dma_wait3A_202 = tpu.memref_squeeze %dma_wait3A_201 : memref<1x1x16xi32, #tpu.memory_space<hbm>> -> memref<16xi32, #tpu.memory_space<hbm>>
        %dma_wait3A_203 = arith.constant 0 : i32
        %dma_wait3A_204 = tpu.memref_slice %arg10[%select_n3A, %sub3A_50, %dma_wait3A_203] : memref<4x20x16xi32, #tpu.memory_space<hbm>> -> memref<1x1x16xi32, #tpu.memory_space<hbm>>
        %dma_wait3A_205 = tpu.memref_squeeze %dma_wait3A_204 : memref<1x1x16xi32, #tpu.memory_space<hbm>> -> memref<16xi32, #tpu.memory_space<hbm>>
        tpu.wait_dma2 semaphore(%run_scoped3A : memref<!tpu.dma_semaphore, #tpu.memory_space<semaphore_mem>>) src(%arg20 : memref<16xi32, #tpu.memory_space<vmem>>) dst(%dma_wait3A_205 : memref<16xi32, #tpu.memory_space<hbm>>)
        tpu.yield
      }) : () -> ()
      %convert_element_type3A_67 = arith.sitofp %scan3A_60 : i32 to f32
      "tpu.region"() ({
        %run_scoped3A = tpu.sem_alloc : memref<!tpu.dma_semaphore, #tpu.memory_space<semaphore_mem>>
        %dma_start3A_194 = arith.constant 0 : i32
        %dma_start3A_195 = tpu.memref_slice %arg6[%select_n3A, %sub3A_50, %dma_start3A_194] : memref<4x20x48xf32, #tpu.memory_space<hbm>> -> memref<1x1x48xf32, #tpu.memory_space<hbm>>
        %dma_start3A_196 = tpu.memref_squeeze %dma_start3A_195 : memref<1x1x48xf32, #tpu.memory_space<hbm>> -> memref<48xf32, #tpu.memory_space<hbm>>
        %dma_start3A_197 = arith.constant 0 : i32
        %dma_start3A_198 = tpu.memref_slice %arg6[%select_n3A, %sub3A_50, %dma_start3A_197] : memref<4x20x48xf32, #tpu.memory_space<hbm>> -> memref<1x1x48xf32, #tpu.memory_space<hbm>>
        %dma_start3A_199 = tpu.memref_squeeze %dma_start3A_198 : memref<1x1x48xf32, #tpu.memory_space<hbm>> -> memref<48xf32, #tpu.memory_space<hbm>>
        tpu.enqueue_dma source(%dma_start3A_199 : memref<48xf32, #tpu.memory_space<hbm>>) target(%arg17 : memref<48xf32, #tpu.memory_space<vmem>>) target_semaphore(%run_scoped3A : memref<!tpu.dma_semaphore, #tpu.memory_space<semaphore_mem>>)
        %dma_wait3A_200 = arith.constant 0 : i32
        %dma_wait3A_201 = tpu.memref_slice %arg6[%select_n3A, %sub3A_50, %dma_wait3A_200] : memref<4x20x48xf32, #tpu.memory_space<hbm>> -> memref<1x1x48xf32, #tpu.memory_space<hbm>>
        %dma_wait3A_202 = tpu.memref_squeeze %dma_wait3A_201 : memref<1x1x48xf32, #tpu.memory_space<hbm>> -> memref<48xf32, #tpu.memory_space<hbm>>
        %dma_wait3A_203 = arith.constant 0 : i32
        %dma_wait3A_204 = tpu.memref_slice %arg6[%select_n3A, %sub3A_50, %dma_wait3A_203] : memref<4x20x48xf32, #tpu.memory_space<hbm>> -> memref<1x1x48xf32, #tpu.memory_space<hbm>>
        %dma_wait3A_205 = tpu.memref_squeeze %dma_wait3A_204 : memref<1x1x48xf32, #tpu.memory_space<hbm>> -> memref<48xf32, #tpu.memory_space<hbm>>
        tpu.wait_dma2 semaphore(%run_scoped3A : memref<!tpu.dma_semaphore, #tpu.memory_space<semaphore_mem>>) src(%dma_wait3A_205 : memref<48xf32, #tpu.memory_space<hbm>>) dst(%arg17 : memref<48xf32, #tpu.memory_space<vmem>>)
        tpu.yield
      }) : () -> ()
      %get3A = arith.constant 0 : index
      %get3A_68 = tpu.vector_load %arg17[%get3A] {strides = array<i32>} : memref<48xf32, #tpu.memory_space<vmem>>, vector<16xf32>,
      %mul3A_69 = vector.broadcast %convert_element_type3A_67 : f32 to vector<16xf32>
      %mul3A_70 = arith.mulf %get3A_68, %mul3A_69 : vector<16xf32>
      %convert_element_type3A_71 = arith.fptosi %mul3A_70 : vector<16xf32> to vector<16xi32>
      %jit3A_72 = arith.constant 0 : i32
      %jit3A_73 = arith.constant 2047 : i32
      %max3A = vector.broadcast %jit3A_72 : i32 to vector<16xi32>
      %max3A_74 = arith.maxsi %max3A, %convert_element_type3A_71 : vector<16xi32>
      %min3A = vector.broadcast %jit3A_73 : i32 to vector<16xi32>
      %min3A_75 = arith.minsi %min3A, %max3A_74 : vector<16xi32>
      %gather3A = tpu.vector_load_idx %arg16[%min3A_75] : memref<2064xi32, #tpu.memory_space<vmem>>[vector<16xi32>], vector<16xi32>,
      %jit3A_76 = arith.constant 0 : i32
      %jit3A_77 = arith.constant 16383 : i32
      %max3A_78 = vector.broadcast %jit3A_76 : i32 to vector<16xi32>
      %max3A_79 = arith.maxsi %max3A_78, %gather3A : vector<16xi32>
      %min3A_80 = vector.broadcast %jit3A_77 : i32 to vector<16xi32>
      %min3A_81 = arith.minsi %min3A_80, %max3A_79 : vector<16xi32>
      %swap3A_82 = arith.constant 0 : index
      %swap3A_83 = tpu.vector_load %arg18[%swap3A_82] {strides = array<i32>} : memref<48xi32, #tpu.memory_space<vmem>>, vector<16xi32>,
      tpu.vector_store %arg18[%swap3A_82], %min3A_81 {strides = array<i32>} : memref<48xi32, #tpu.memory_space<vmem>>, vector<16xi32>,
      %get3A_84 = arith.constant 16 : index
      %get3A_85 = tpu.vector_load %arg17[%get3A_84] {strides = array<i32>} : memref<48xf32, #tpu.memory_space<vmem>>, vector<16xf32>,
      %mul3A_86 = vector.broadcast %convert_element_type3A_67 : f32 to vector<16xf32>
      %mul3A_87 = arith.mulf %get3A_85, %mul3A_86 : vector<16xf32>
      %convert_element_type3A_88 = arith.fptosi %mul3A_87 : vector<16xf32> to vector<16xi32>
      %jit3A_89 = arith.constant 0 : i32
      %jit3A_90 = arith.constant 2047 : i32
      %max3A_91 = vector.broadcast %jit3A_89 : i32 to vector<16xi32>
      %max3A_92 = arith.maxsi %max3A_91, %convert_element_type3A_88 : vector<16xi32>
      %min3A_93 = vector.broadcast %jit3A_90 : i32 to vector<16xi32>
      %min3A_94 = arith.minsi %min3A_93, %max3A_92 : vector<16xi32>
      %gather3A_95 = tpu.vector_load_idx %arg16[%min3A_94] : memref<2064xi32, #tpu.memory_space<vmem>>[vector<16xi32>], vector<16xi32>,
      %jit3A_96 = arith.constant 0 : i32
      %jit3A_97 = arith.constant 16383 : i32
      %max3A_98 = vector.broadcast %jit3A_96 : i32 to vector<16xi32>
      %max3A_99 = arith.maxsi %max3A_98, %gather3A_95 : vector<16xi32>
      %min3A_100 = vector.broadcast %jit3A_97 : i32 to vector<16xi32>
      %min3A_101 = arith.minsi %min3A_100, %max3A_99 : vector<16xi32>
      %swap3A_102 = arith.constant 16 : index
      %swap3A_103 = tpu.vector_load %arg18[%swap3A_102] {strides = array<i32>} : memref<48xi32, #tpu.memory_space<vmem>>, vector<16xi32>,
      tpu.vector_store %arg18[%swap3A_102], %min3A_101 {strides = array<i32>} : memref<48xi32, #tpu.memory_space<vmem>>, vector<16xi32>,
      %get3A_104 = arith.constant 32 : index
      %get3A_105 = tpu.vector_load %arg17[%get3A_104] {strides = array<i32>} : memref<48xf32, #tpu.memory_space<vmem>>, vector<16xf32>,
      %mul3A_106 = vector.broadcast %convert_element_type3A_67 : f32 to vector<16xf32>
      %mul3A_107 = arith.mulf %get3A_105, %mul3A_106 : vector<16xf32>
      %convert_element_type3A_108 = arith.fptosi %mul3A_107 : vector<16xf32> to vector<16xi32>
      %jit3A_109 = arith.constant 0 : i32
      %jit3A_110 = arith.constant 2047 : i32
      %max3A_111 = vector.broadcast %jit3A_109 : i32 to vector<16xi32>
      %max3A_112 = arith.maxsi %max3A_111, %convert_element_type3A_108 : vector<16xi32>
      %min3A_113 = vector.broadcast %jit3A_110 : i32 to vector<16xi32>
      %min3A_114 = arith.minsi %min3A_113, %max3A_112 : vector<16xi32>
      %gather3A_115 = tpu.vector_load_idx %arg16[%min3A_114] : memref<2064xi32, #tpu.memory_space<vmem>>[vector<16xi32>], vector<16xi32>,
      %jit3A_116 = arith.constant 0 : i32
      %jit3A_117 = arith.constant 16383 : i32
      %max3A_118 = vector.broadcast %jit3A_116 : i32 to vector<16xi32>
      %max3A_119 = arith.maxsi %max3A_118, %gather3A_115 : vector<16xi32>
      %min3A_120 = vector.broadcast %jit3A_117 : i32 to vector<16xi32>
      %min3A_121 = arith.minsi %min3A_120, %max3A_119 : vector<16xi32>
      %swap3A_122 = arith.constant 32 : index
      %swap3A_123 = tpu.vector_load %arg18[%swap3A_122] {strides = array<i32>} : memref<48xi32, #tpu.memory_space<vmem>>, vector<16xi32>,
      tpu.vector_store %arg18[%swap3A_122], %min3A_121 {strides = array<i32>} : memref<48xi32, #tpu.memory_space<vmem>>, vector<16xi32>,
      %dma_start3A = arith.constant 0 : i32
      %dma_start3A_124 = arith.constant 0 : i32
      %dma_start3A_125 = tpu.memref_slice %arg2[%dma_start3A, %dma_start3A_124] : memref<16384x64xf32, #tpu.memory_space<hbm>> -> memref<16384x64xf32, #tpu.memory_space<hbm>>
      tpu.enqueue_indirect_dma source(%dma_start3A_125 : memref<16384x64xf32, #tpu.memory_space<hbm>>) target(%arg19 : memref<48x64xf32, #tpu.memory_space<vmem>>) offsets(%arg18 : memref<48xi32, #tpu.memory_space<vmem>>) semaphore(%arg21 : memref<!tpu.dma_semaphore, #tpu.memory_space<semaphore_mem>>)
      %dma_wait3A = arith.constant 0 : i32
      %dma_wait3A_126 = arith.constant 0 : i32
      %dma_wait3A_127 = tpu.memref_slice %arg2[%dma_wait3A, %dma_wait3A_126] : memref<16384x64xf32, #tpu.memory_space<hbm>> -> memref<16384x64xf32, #tpu.memory_space<hbm>>
      tpu.wait_indirect_dma semaphore(%arg21 : memref<!tpu.dma_semaphore, #tpu.memory_space<semaphore_mem>>) src(%dma_wait3A_127 : memref<16384x64xf32, #tpu.memory_space<hbm>>) dst(%arg19 : memref<48x64xf32, #tpu.memory_space<vmem>>)
      "tpu.region"() ({
        %run_scoped3A = tpu.sem_alloc : memref<!tpu.dma_semaphore, #tpu.memory_space<semaphore_mem>>
        %dma_start3A_194 = arith.constant 0 : i32
        %dma_start3A_195 = arith.constant 0 : i32
        %dma_start3A_196 = tpu.memref_slice %arg11[%select_n3A, %sub3A_50, %dma_start3A_194, %dma_start3A_195] : memref<4x20x48x64xf32, #tpu.memory_space<hbm>> -> memref<1x1x48x64xf32, #tpu.memory_space<hbm>>
        %dma_start3A_197 = tpu.memref_squeeze %dma_start3A_196 : memref<1x1x48x64xf32, #tpu.memory_space<hbm>> -> memref<48x64xf32, #tpu.memory_space<hbm>>
        %dma_start3A_198 = arith.constant 0 : i32
        %dma_start3A_199 = arith.constant 0 : i32
        %dma_start3A_200 = tpu.memref_slice %arg11[%select_n3A, %sub3A_50, %dma_start3A_198, %dma_start3A_199] : memref<4x20x48x64xf32, #tpu.memory_space<hbm>> -> memref<1x1x48x64xf32, #tpu.memory_space<hbm>>
        %dma_start3A_201 = tpu.memref_squeeze %dma_start3A_200 : memref<1x1x48x64xf32, #tpu.memory_space<hbm>> -> memref<48x64xf32, #tpu.memory_space<hbm>>
        tpu.enqueue_dma source(%arg19 : memref<48x64xf32, #tpu.memory_space<vmem>>) target(%dma_start3A_201 : memref<48x64xf32, #tpu.memory_space<hbm>>) target_semaphore(%run_scoped3A : memref<!tpu.dma_semaphore, #tpu.memory_space<semaphore_mem>>)
        %dma_wait3A_202 = arith.constant 0 : i32
        %dma_wait3A_203 = arith.constant 0 : i32
        %dma_wait3A_204 = tpu.memref_slice %arg11[%select_n3A, %sub3A_50, %dma_wait3A_202, %dma_wait3A_203] : memref<4x20x48x64xf32, #tpu.memory_space<hbm>> -> memref<1x1x48x64xf32, #tpu.memory_space<hbm>>
        %dma_wait3A_205 = tpu.memref_squeeze %dma_wait3A_204 : memref<1x1x48x64xf32, #tpu.memory_space<hbm>> -> memref<48x64xf32, #tpu.memory_space<hbm>>
        %dma_wait3A_206 = arith.constant 0 : i32
        %dma_wait3A_207 = arith.constant 0 : i32
        %dma_wait3A_208 = tpu.memref_slice %arg11[%select_n3A, %sub3A_50, %dma_wait3A_206, %dma_wait3A_207] : memref<4x20x48x64xf32, #tpu.memory_space<hbm>> -> memref<1x1x48x64xf32, #tpu.memory_space<hbm>>
        %dma_wait3A_209 = tpu.memref_squeeze %dma_wait3A_208 : memref<1x1x48x64xf32, #tpu.memory_space<hbm>> -> memref<48x64xf32, #tpu.memory_space<hbm>>
        tpu.wait_dma2 semaphore(%run_scoped3A : memref<!tpu.dma_semaphore, #tpu.memory_space<semaphore_mem>>) src(%arg19 : memref<48x64xf32, #tpu.memory_space<vmem>>) dst(%dma_wait3A_209 : memref<48x64xf32, #tpu.memory_space<hbm>>)
        tpu.yield
      }) : () -> ()
      "tpu.region"() ({
        %run_scoped3A = tpu.sem_alloc : memref<!tpu.dma_semaphore, #tpu.memory_space<semaphore_mem>>
        %dma_start3A_194 = arith.constant 0 : i32
        %dma_start3A_195 = tpu.memref_slice %arg7[%select_n3A, %sub3A_50, %dma_start3A_194] : memref<4x20x48xf32, #tpu.memory_space<hbm>> -> memref<1x1x48xf32, #tpu.memory_space<hbm>>
        %dma_start3A_196 = tpu.memref_squeeze %dma_start3A_195 : memref<1x1x48xf32, #tpu.memory_space<hbm>> -> memref<48xf32, #tpu.memory_space<hbm>>
        %dma_start3A_197 = arith.constant 0 : i32
        %dma_start3A_198 = tpu.memref_slice %arg7[%select_n3A, %sub3A_50, %dma_start3A_197] : memref<4x20x48xf32, #tpu.memory_space<hbm>> -> memref<1x1x48xf32, #tpu.memory_space<hbm>>
        %dma_start3A_199 = tpu.memref_squeeze %dma_start3A_198 : memref<1x1x48xf32, #tpu.memory_space<hbm>> -> memref<48xf32, #tpu.memory_space<hbm>>
        tpu.enqueue_dma source(%dma_start3A_199 : memref<48xf32, #tpu.memory_space<hbm>>) target(%arg17 : memref<48xf32, #tpu.memory_space<vmem>>) target_semaphore(%run_scoped3A : memref<!tpu.dma_semaphore, #tpu.memory_space<semaphore_mem>>)
        %dma_wait3A_200 = arith.constant 0 : i32
        %dma_wait3A_201 = tpu.memref_slice %arg7[%select_n3A, %sub3A_50, %dma_wait3A_200] : memref<4x20x48xf32, #tpu.memory_space<hbm>> -> memref<1x1x48xf32, #tpu.memory_space<hbm>>
        %dma_wait3A_202 = tpu.memref_squeeze %dma_wait3A_201 : memref<1x1x48xf32, #tpu.memory_space<hbm>> -> memref<48xf32, #tpu.memory_space<hbm>>
        %dma_wait3A_203 = arith.constant 0 : i32
        %dma_wait3A_204 = tpu.memref_slice %arg7[%select_n3A, %sub3A_50, %dma_wait3A_203] : memref<4x20x48xf32, #tpu.memory_space<hbm>> -> memref<1x1x48xf32, #tpu.memory_space<hbm>>
        %dma_wait3A_205 = tpu.memref_squeeze %dma_wait3A_204 : memref<1x1x48xf32, #tpu.memory_space<hbm>> -> memref<48xf32, #tpu.memory_space<hbm>>
        tpu.wait_dma2 semaphore(%run_scoped3A : memref<!tpu.dma_semaphore, #tpu.memory_space<semaphore_mem>>) src(%dma_wait3A_205 : memref<48xf32, #tpu.memory_space<hbm>>) dst(%arg17 : memref<48xf32, #tpu.memory_space<vmem>>)
        tpu.yield
      }) : () -> ()
      %get3A_128 = arith.constant 0 : index
      %get3A_129 = tpu.vector_load %arg17[%get3A_128] {strides = array<i32>} : memref<48xf32, #tpu.memory_space<vmem>>, vector<16xf32>,
      %mul3A_130 = vector.broadcast %convert_element_type3A_67 : f32 to vector<16xf32>
      %mul3A_131 = arith.mulf %get3A_129, %mul3A_130 : vector<16xf32>
      %convert_element_type3A_132 = arith.fptosi %mul3A_131 : vector<16xf32> to vector<16xi32>
      %jit3A_133 = arith.constant 0 : i32
      %jit3A_134 = arith.constant 2047 : i32
      %max3A_135 = vector.broadcast %jit3A_133 : i32 to vector<16xi32>
      %max3A_136 = arith.maxsi %max3A_135, %convert_element_type3A_132 : vector<16xi32>
      %min3A_137 = vector.broadcast %jit3A_134 : i32 to vector<16xi32>
      %min3A_138 = arith.minsi %min3A_137, %max3A_136 : vector<16xi32>
      %gather3A_139 = tpu.vector_load_idx %arg16[%min3A_138] : memref<2064xi32, #tpu.memory_space<vmem>>[vector<16xi32>], vector<16xi32>,
      %jit3A_140 = arith.constant 0 : i32
      %jit3A_141 = arith.constant 16383 : i32
      %max3A_142 = vector.broadcast %jit3A_140 : i32 to vector<16xi32>
      %max3A_143 = arith.maxsi %max3A_142, %gather3A_139 : vector<16xi32>
      %min3A_144 = vector.broadcast %jit3A_141 : i32 to vector<16xi32>
      %min3A_145 = arith.minsi %min3A_144, %max3A_143 : vector<16xi32>
      %swap3A_146 = arith.constant 0 : index
      %swap3A_147 = tpu.vector_load %arg18[%swap3A_146] {strides = array<i32>} : memref<48xi32, #tpu.memory_space<vmem>>, vector<16xi32>,
      tpu.vector_store %arg18[%swap3A_146], %min3A_145 {strides = array<i32>} : memref<48xi32, #tpu.memory_space<vmem>>, vector<16xi32>,
      %get3A_148 = arith.constant 16 : index
      %get3A_149 = tpu.vector_load %arg17[%get3A_148] {strides = array<i32>} : memref<48xf32, #tpu.memory_space<vmem>>, vector<16xf32>,
      %mul3A_150 = vector.broadcast %convert_element_type3A_67 : f32 to vector<16xf32>
      %mul3A_151 = arith.mulf %get3A_149, %mul3A_150 : vector<16xf32>
      %convert_element_type3A_152 = arith.fptosi %mul3A_151 : vector<16xf32> to vector<16xi32>
      %jit3A_153 = arith.constant 0 : i32
      %jit3A_154 = arith.constant 2047 : i32
      %max3A_155 = vector.broadcast %jit3A_153 : i32 to vector<16xi32>
      %max3A_156 = arith.maxsi %max3A_155, %convert_element_type3A_152 : vector<16xi32>
      %min3A_157 = vector.broadcast %jit3A_154 : i32 to vector<16xi32>
      %min3A_158 = arith.minsi %min3A_157, %max3A_156 : vector<16xi32>
      %gather3A_159 = tpu.vector_load_idx %arg16[%min3A_158] : memref<2064xi32, #tpu.memory_space<vmem>>[vector<16xi32>], vector<16xi32>,
      %jit3A_160 = arith.constant 0 : i32
      %jit3A_161 = arith.constant 16383 : i32
      %max3A_162 = vector.broadcast %jit3A_160 : i32 to vector<16xi32>
      %max3A_163 = arith.maxsi %max3A_162, %gather3A_159 : vector<16xi32>
      %min3A_164 = vector.broadcast %jit3A_161 : i32 to vector<16xi32>
      %min3A_165 = arith.minsi %min3A_164, %max3A_163 : vector<16xi32>
      %swap3A_166 = arith.constant 16 : index
      %swap3A_167 = tpu.vector_load %arg18[%swap3A_166] {strides = array<i32>} : memref<48xi32, #tpu.memory_space<vmem>>, vector<16xi32>,
      tpu.vector_store %arg18[%swap3A_166], %min3A_165 {strides = array<i32>} : memref<48xi32, #tpu.memory_space<vmem>>, vector<16xi32>,
      %get3A_168 = arith.constant 32 : index
      %get3A_169 = tpu.vector_load %arg17[%get3A_168] {strides = array<i32>} : memref<48xf32, #tpu.memory_space<vmem>>, vector<16xf32>,
      %mul3A_170 = vector.broadcast %convert_element_type3A_67 : f32 to vector<16xf32>
      %mul3A_171 = arith.mulf %get3A_169, %mul3A_170 : vector<16xf32>
      %convert_element_type3A_172 = arith.fptosi %mul3A_171 : vector<16xf32> to vector<16xi32>
      %jit3A_173 = arith.constant 0 : i32
      %jit3A_174 = arith.constant 2047 : i32
      %max3A_175 = vector.broadcast %jit3A_173 : i32 to vector<16xi32>
      %max3A_176 = arith.maxsi %max3A_175, %convert_element_type3A_172 : vector<16xi32>
      %min3A_177 = vector.broadcast %jit3A_174 : i32 to vector<16xi32>
      %min3A_178 = arith.minsi %min3A_177, %max3A_176 : vector<16xi32>
      %gather3A_179 = tpu.vector_load_idx %arg16[%min3A_178] : memref<2064xi32, #tpu.memory_space<vmem>>[vector<16xi32>], vector<16xi32>,
      %jit3A_180 = arith.constant 0 : i32
      %jit3A_181 = arith.constant 16383 : i32
      %max3A_182 = vector.broadcast %jit3A_180 : i32 to vector<16xi32>
      %max3A_183 = arith.maxsi %max3A_182, %gather3A_179 : vector<16xi32>
      %min3A_184 = vector.broadcast %jit3A_181 : i32 to vector<16xi32>
      %min3A_185 = arith.minsi %min3A_184, %max3A_183 : vector<16xi32>
      %swap3A_186 = arith.constant 32 : index
      %swap3A_187 = tpu.vector_load %arg18[%swap3A_186] {strides = array<i32>} : memref<48xi32, #tpu.memory_space<vmem>>, vector<16xi32>,
      tpu.vector_store %arg18[%swap3A_186], %min3A_185 {strides = array<i32>} : memref<48xi32, #tpu.memory_space<vmem>>, vector<16xi32>,
      %dma_start3A_188 = arith.constant 0 : i32
      %dma_start3A_189 = arith.constant 0 : i32
      %dma_start3A_190 = tpu.memref_slice %arg3[%dma_start3A_188, %dma_start3A_189] : memref<16384x64xf32, #tpu.memory_space<hbm>> -> memref<16384x64xf32, #tpu.memory_space<hbm>>
      tpu.enqueue_indirect_dma source(%dma_start3A_190 : memref<16384x64xf32, #tpu.memory_space<hbm>>) target(%arg19 : memref<48x64xf32, #tpu.memory_space<vmem>>) offsets(%arg18 : memref<48xi32, #tpu.memory_space<vmem>>) semaphore(%arg21 : memref<!tpu.dma_semaphore, #tpu.memory_space<semaphore_mem>>)
      %dma_wait3A_191 = arith.constant 0 : i32
      %dma_wait3A_192 = arith.constant 0 : i32
      %dma_wait3A_193 = tpu.memref_slice %arg3[%dma_wait3A_191, %dma_wait3A_192] : memref<16384x64xf32, #tpu.memory_space<hbm>> -> memref<16384x64xf32, #tpu.memory_space<hbm>>
      tpu.wait_indirect_dma semaphore(%arg21 : memref<!tpu.dma_semaphore, #tpu.memory_space<semaphore_mem>>) src(%dma_wait3A_193 : memref<16384x64xf32, #tpu.memory_space<hbm>>) dst(%arg19 : memref<48x64xf32, #tpu.memory_space<vmem>>)
      "tpu.region"() ({
        %run_scoped3A = tpu.sem_alloc : memref<!tpu.dma_semaphore, #tpu.memory_space<semaphore_mem>>
        %dma_start3A_194 = arith.constant 0 : i32
        %dma_start3A_195 = arith.constant 0 : i32
        %dma_start3A_196 = tpu.memref_slice %arg12[%select_n3A, %sub3A_50, %dma_start3A_194, %dma_start3A_195] : memref<4x20x48x64xf32, #tpu.memory_space<hbm>> -> memref<1x1x48x64xf32, #tpu.memory_space<hbm>>
        %dma_start3A_197 = tpu.memref_squeeze %dma_start3A_196 : memref<1x1x48x64xf32, #tpu.memory_space<hbm>> -> memref<48x64xf32, #tpu.memory_space<hbm>>
        %dma_start3A_198 = arith.constant 0 : i32
        %dma_start3A_199 = arith.constant 0 : i32
        %dma_start3A_200 = tpu.memref_slice %arg12[%select_n3A, %sub3A_50, %dma_start3A_198, %dma_start3A_199] : memref<4x20x48x64xf32, #tpu.memory_space<hbm>> -> memref<1x1x48x64xf32, #tpu.memory_space<hbm>>
        %dma_start3A_201 = tpu.memref_squeeze %dma_start3A_200 : memref<1x1x48x64xf32, #tpu.memory_space<hbm>> -> memref<48x64xf32, #tpu.memory_space<hbm>>
        tpu.enqueue_dma source(%arg19 : memref<48x64xf32, #tpu.memory_space<vmem>>) target(%dma_start3A_201 : memref<48x64xf32, #tpu.memory_space<hbm>>) target_semaphore(%run_scoped3A : memref<!tpu.dma_semaphore, #tpu.memory_space<semaphore_mem>>)
        %dma_wait3A_202 = arith.constant 0 : i32
        %dma_wait3A_203 = arith.constant 0 : i32
        %dma_wait3A_204 = tpu.memref_slice %arg12[%select_n3A, %sub3A_50, %dma_wait3A_202, %dma_wait3A_203] : memref<4x20x48x64xf32, #tpu.memory_space<hbm>> -> memref<1x1x48x64xf32, #tpu.memory_space<hbm>>
        %dma_wait3A_205 = tpu.memref_squeeze %dma_wait3A_204 : memref<1x1x48x64xf32, #tpu.memory_space<hbm>> -> memref<48x64xf32, #tpu.memory_space<hbm>>
        %dma_wait3A_206 = arith.constant 0 : i32
        %dma_wait3A_207 = arith.constant 0 : i32
        %dma_wait3A_208 = tpu.memref_slice %arg12[%select_n3A, %sub3A_50, %dma_wait3A_206, %dma_wait3A_207] : memref<4x20x48x64xf32, #tpu.memory_space<hbm>> -> memref<1x1x48x64xf32, #tpu.memory_space<hbm>>
        %dma_wait3A_209 = tpu.memref_squeeze %dma_wait3A_208 : memref<1x1x48x64xf32, #tpu.memory_space<hbm>> -> memref<48x64xf32, #tpu.memory_space<hbm>>
        tpu.wait_dma2 semaphore(%run_scoped3A : memref<!tpu.dma_semaphore, #tpu.memory_space<semaphore_mem>>) src(%arg19 : memref<48x64xf32, #tpu.memory_space<vmem>>) dst(%dma_wait3A_209 : memref<48x64xf32, #tpu.memory_space<hbm>>)
        tpu.yield
      }) : () -> ()
    } else {
    }
    %add3A_24 = arith.constant 64 : i32
    %add3A_25 = arith.addi %add3A, %add3A_24 : i32
    %lt3A_26 = arith.constant 80 : i32
    %lt3A_27 = arith.cmpi slt, %add3A_25, %lt3A_26 : i32
    %convert_element_type3A_28 = arith.extui %lt3A_27 : i1 to i32
    %cond3A_29 = arith.constant 0 : i32
    %cond3A_30 = arith.cmpi ne, %convert_element_type3A_28, %cond3A_29 : i32
    scf.if %cond3A_30 {
      %jit3A = arith.constant 20 : i32
      %div3A = arith.divsi %add3A_25, %jit3A : i32
      %sign3A = arith.constant 0 : i32
      %sign3A_31 = arith.cmpi sgt, %add3A_25, %sign3A : i32
      %sign3A_32 = arith.extui %sign3A_31 : i1 to i32
      %sign3A_33 = arith.constant 0 : i32
      %sign3A_34 = arith.cmpi slt, %add3A_25, %sign3A_33 : i32
      %sign3A_35 = arith.extui %sign3A_34 : i1 to i32
      %sign3A_36 = arith.subi %sign3A_32, %sign3A_35 : i32
      %sign3A_37 = arith.constant 0 : i32
      %sign3A_38 = arith.cmpi sgt, %jit3A, %sign3A_37 : i32
      %sign3A_39 = arith.extui %sign3A_38 : i1 to i32
      %sign3A_40 = arith.constant 0 : i32
      %sign3A_41 = arith.cmpi slt, %jit3A, %sign3A_40 : i32
      %sign3A_42 = arith.extui %sign3A_41 : i1 to i32
      %sign3A_43 = arith.subi %sign3A_39, %sign3A_42 : i32
      %ne3A = arith.cmpi ne, %sign3A_36, %sign3A_43 : i32
      %rem3A_44 = arith.remsi %add3A_25, %jit3A : i32
      %ne3A_45 = arith.constant 0 : i32
      %ne3A_46 = arith.cmpi ne, %rem3A_44, %ne3A_45 : i32
      %and3A = arith.andi %ne3A, %ne3A_46 : i1
      %sub3A = arith.constant 1 : i32
      %sub3A_47 = arith.subi %div3A, %sub3A : i32
      %select_n3A = arith.select %and3A, %sub3A_47, %div3A : i32
      %mul3A_48 = arith.constant 20 : i32
      %mul3A_49 = arith.muli %select_n3A, %mul3A_48 : i32
      %sub3A_50 = arith.subi %add3A_25, %mul3A_49 : i32
      "tpu.region"() ({
        %run_scoped3A = tpu.sem_alloc : memref<!tpu.dma_semaphore, #tpu.memory_space<semaphore_mem>>
        %dma_start3A_194 = arith.constant 0 : i32
        %dma_start3A_195 = tpu.memref_slice %arg4[%select_n3A, %dma_start3A_194] : memref<4x2048xi32, #tpu.memory_space<hbm>> -> memref<1x2048xi32, #tpu.memory_space<hbm>>
        %dma_start3A_196 = tpu.memref_squeeze %dma_start3A_195 : memref<1x2048xi32, #tpu.memory_space<hbm>> -> memref<2048xi32, #tpu.memory_space<hbm>>
        %dma_start3A_197 = arith.constant 0 : i32
        %dma_start3A_198 = tpu.memref_slice %arg4[%select_n3A, %dma_start3A_197] : memref<4x2048xi32, #tpu.memory_space<hbm>> -> memref<1x2048xi32, #tpu.memory_space<hbm>>
        %dma_start3A_199 = tpu.memref_squeeze %dma_start3A_198 : memref<1x2048xi32, #tpu.memory_space<hbm>> -> memref<2048xi32, #tpu.memory_space<hbm>>
        tpu.enqueue_dma source(%dma_start3A_199 : memref<2048xi32, #tpu.memory_space<hbm>>) target(%arg15 : memref<2048xi32, #tpu.memory_space<vmem>>) target_semaphore(%run_scoped3A : memref<!tpu.dma_semaphore, #tpu.memory_space<semaphore_mem>>)
        %dma_wait3A_200 = arith.constant 0 : i32
        %dma_wait3A_201 = tpu.memref_slice %arg4[%select_n3A, %dma_wait3A_200] : memref<4x2048xi32, #tpu.memory_space<hbm>> -> memref<1x2048xi32, #tpu.memory_space<hbm>>
        %dma_wait3A_202 = tpu.memref_squeeze %dma_wait3A_201 : memref<1x2048xi32, #tpu.memory_space<hbm>> -> memref<2048xi32, #tpu.memory_space<hbm>>
        %dma_wait3A_203 = arith.constant 0 : i32
        %dma_wait3A_204 = tpu.memref_slice %arg4[%select_n3A, %dma_wait3A_203] : memref<4x2048xi32, #tpu.memory_space<hbm>> -> memref<1x2048xi32, #tpu.memory_space<hbm>>
        %dma_wait3A_205 = tpu.memref_squeeze %dma_wait3A_204 : memref<1x2048xi32, #tpu.memory_space<hbm>> -> memref<2048xi32, #tpu.memory_space<hbm>>
        tpu.wait_dma2 semaphore(%run_scoped3A : memref<!tpu.dma_semaphore, #tpu.memory_space<semaphore_mem>>) src(%dma_wait3A_205 : memref<2048xi32, #tpu.memory_space<hbm>>) dst(%arg15 : memref<2048xi32, #tpu.memory_space<vmem>>)
        tpu.yield
      }) : () -> ()
      %broadcast_in_dim3A = arith.constant 0 : i32
      %broadcast_in_dim3A_51 = vector.broadcast %broadcast_in_dim3A : i32 to vector<16xi32>
      %add3A_52 = vector.broadcast %sub3A_50 : i32 to vector<16xi32>
      %add3A_53 = arith.addi %broadcast_in_dim3A_51, %add3A_52 : vector<16xi32>
      %mul3A_54 = arith.constant 4096 : i32
      %mul3A_55 = arith.muli %select_n3A, %mul3A_54 : i32
      %scan3A = arith.constant 0 : i32
      %scan3A_56 = arith.constant 0 : i32
      %scan3A_57 = arith.constant 128 : i32
      %scan3A_58 = arith.addi %scan3A_56, %scan3A_57 : i32
      %scan3A_59 = arith.constant 1 : i32
      %scan3A_60 = scf.for %scan3A_194 = %scan3A_56 to %scan3A_58 step %scan3A_59 iter_args(%scan3A_195 = %scan3A) -> (i32)  : i32 {
        %mul3A_196 = arith.constant 16 : i32
        %mul3A_197 = arith.muli %scan3A_194, %mul3A_196 : i32
        %get3A_198 = arith.index_cast %mul3A_197 : i32 to index
        %get3A_199 = tpu.vector_load %arg15[%get3A_198] {strides = array<i32>} : memref<2048xi32, #tpu.memory_space<vmem>>, vector<16xi32>,
        %iota3A = tpu.iota {dimensions = array<i32: 0>} : vector<16xi32>
        %sub3A_200 = arith.subi %get3A_199, %add3A_53 : vector<16xi32>
        %abs3A = math.absi %sub3A_200 : vector<16xi32>
        %min3A_201 = arith.constant 1 : i32
        %min3A_202 = vector.broadcast %min3A_201 : i32 to vector<16xi32>
        %min3A_203 = arith.minsi %abs3A, %min3A_202 : vector<16xi32>
        %sub3A_204 = arith.constant 1 : i32
        %sub3A_205 = vector.broadcast %sub3A_204 : i32 to vector<16xi32>
        %sub3A_206 = arith.subi %sub3A_205, %min3A_203 : vector<16xi32>
        %broadcast_in_dim3A_207 = arith.constant true
        %broadcast_in_dim3A_208 = vector.broadcast %broadcast_in_dim3A_207 : i1 to vector<16xi1>
        %masked_cumsum3A = tpu.scan <sum>, %sub3A_206 masked %broadcast_in_dim3A_208 : vector<16xi32>, vector<16xi1> -> vector<16xi32>
        %add3A_209 = vector.broadcast %scan3A_195 : i32 to vector<16xi32>
        %add3A_210 = arith.addi %add3A_209, %masked_cumsum3A : vector<16xi32>
        %sub3A_211 = arith.constant 1 : i32
        %sub3A_212 = vector.broadcast %sub3A_211 : i32 to vector<16xi32>
        %sub3A_213 = arith.subi %add3A_210, %sub3A_212 : vector<16xi32>
        %mul3A_214 = arith.muli %sub3A_206, %sub3A_213 : vector<16xi32>
        %sub3A_215 = arith.constant 1 : i32
        %sub3A_216 = vector.broadcast %sub3A_215 : i32 to vector<16xi32>
        %sub3A_217 = arith.subi %sub3A_216, %sub3A_206 : vector<16xi32>
        %add3A_218 = arith.constant 2048 : i32
        %add3A_219 = vector.broadcast %add3A_218 : i32 to vector<16xi32>
        %add3A_220 = arith.addi %add3A_219, %iota3A : vector<16xi32>
        %mul3A_221 = arith.muli %sub3A_217, %add3A_220 : vector<16xi32>
        %add3A_222 = arith.addi %mul3A_214, %mul3A_221 : vector<16xi32>
        %mul3A_223 = arith.constant 16 : i32
        %mul3A_224 = arith.muli %scan3A_194, %mul3A_223 : i32
        %add3A_225 = arith.addi %mul3A_224, %mul3A_55 : i32
        %add3A_226 = vector.broadcast %add3A_225 : i32 to vector<16xi32>
        %add3A_227 = arith.addi %iota3A, %add3A_226 : vector<16xi32>
        tpu.vector_store_idx %arg16[%add3A_222], %add3A_227 : memref<2064xi32, #tpu.memory_space<vmem>>[vector<16xi32>], vector<16xi32>,
        %reduce_max3A = arith.constant true
        %reduce_max3A_228 = vector.broadcast %reduce_max3A : i1 to vector<16xi1>
        %reduce_max3A_229 = arith.constant -2147483648 : i32
        %reduce_max3A_230 = vector.broadcast %reduce_max3A_229 : i32 to vector<16xi32>
        %reduce_max3A_231 = arith.xori %masked_cumsum3A, %reduce_max3A_230 : vector<16xi32>
        %reduce_max3A_232 = tpu.scan <max>, %reduce_max3A_231 masked %reduce_max3A_228 : vector<16xi32>, vector<16xi1> -> vector<16xi32>
        %reduce_max3A_233 = arith.xori %reduce_max3A_232, %reduce_max3A_230 : vector<16xi32>
        %reduce_max3A_234 = vector.extract %reduce_max3A_233[15] : i32 from vector<16xi32>
        %add3A_235 = arith.addi %scan3A_195, %reduce_max3A_234 : i32
        scf.yield %add3A_235 : i32
      }
      %scan3A_61 = arith.constant 128 : i32
      %broadcast_in_dim3A_62 = arith.constant 0 : i32
      %broadcast_in_dim3A_63 = vector.broadcast %broadcast_in_dim3A_62 : i32 to vector<16xi32>
      %add3A_64 = vector.broadcast %scan3A_60 : i32 to vector<16xi32>
      %add3A_65 = arith.addi %broadcast_in_dim3A_63, %add3A_64 : vector<16xi32>
      %swap3A = arith.constant 0 : index
      %swap3A_66 = tpu.vector_load %arg20[%swap3A] {strides = array<i32>} : memref<16xi32, #tpu.memory_space<vmem>>, vector<16xi32>,
      tpu.vector_store %arg20[%swap3A], %add3A_65 {strides = array<i32>} : memref<16xi32, #tpu.memory_space<vmem>>, vector<16xi32>,
      "tpu.region"() ({
        %run_scoped3A = tpu.sem_alloc : memref<!tpu.dma_semaphore, #tpu.memory_space<semaphore_mem>>
        %dma_start3A_194 = arith.constant 0 : i32
        %dma_start3A_195 = tpu.memref_slice %arg10[%select_n3A, %sub3A_50, %dma_start3A_194] : memref<4x20x16xi32, #tpu.memory_space<hbm>> -> memref<1x1x16xi32, #tpu.memory_space<hbm>>
        %dma_start3A_196 = tpu.memref_squeeze %dma_start3A_195 : memref<1x1x16xi32, #tpu.memory_space<hbm>> -> memref<16xi32, #tpu.memory_space<hbm>>
        %dma_start3A_197 = arith.constant 0 : i32
        %dma_start3A_198 = tpu.memref_slice %arg10[%select_n3A, %sub3A_50, %dma_start3A_197] : memref<4x20x16xi32, #tpu.memory_space<hbm>> -> memref<1x1x16xi32, #tpu.memory_space<hbm>>
        %dma_start3A_199 = tpu.memref_squeeze %dma_start3A_198 : memref<1x1x16xi32, #tpu.memory_space<hbm>> -> memref<16xi32, #tpu.memory_space<hbm>>
        tpu.enqueue_dma source(%arg20 : memref<16xi32, #tpu.memory_space<vmem>>) target(%dma_start3A_199 : memref<16xi32, #tpu.memory_space<hbm>>) target_semaphore(%run_scoped3A : memref<!tpu.dma_semaphore, #tpu.memory_space<semaphore_mem>>)
        %dma_wait3A_200 = arith.constant 0 : i32
        %dma_wait3A_201 = tpu.memref_slice %arg10[%select_n3A, %sub3A_50, %dma_wait3A_200] : memref<4x20x16xi32, #tpu.memory_space<hbm>> -> memref<1x1x16xi32, #tpu.memory_space<hbm>>
        %dma_wait3A_202 = tpu.memref_squeeze %dma_wait3A_201 : memref<1x1x16xi32, #tpu.memory_space<hbm>> -> memref<16xi32, #tpu.memory_space<hbm>>
        %dma_wait3A_203 = arith.constant 0 : i32
        %dma_wait3A_204 = tpu.memref_slice %arg10[%select_n3A, %sub3A_50, %dma_wait3A_203] : memref<4x20x16xi32, #tpu.memory_space<hbm>> -> memref<1x1x16xi32, #tpu.memory_space<hbm>>
        %dma_wait3A_205 = tpu.memref_squeeze %dma_wait3A_204 : memref<1x1x16xi32, #tpu.memory_space<hbm>> -> memref<16xi32, #tpu.memory_space<hbm>>
        tpu.wait_dma2 semaphore(%run_scoped3A : memref<!tpu.dma_semaphore, #tpu.memory_space<semaphore_mem>>) src(%arg20 : memref<16xi32, #tpu.memory_space<vmem>>) dst(%dma_wait3A_205 : memref<16xi32, #tpu.memory_space<hbm>>)
        tpu.yield
      }) : () -> ()
      %convert_element_type3A_67 = arith.sitofp %scan3A_60 : i32 to f32
      "tpu.region"() ({
        %run_scoped3A = tpu.sem_alloc : memref<!tpu.dma_semaphore, #tpu.memory_space<semaphore_mem>>
        %dma_start3A_194 = arith.constant 0 : i32
        %dma_start3A_195 = tpu.memref_slice %arg6[%select_n3A, %sub3A_50, %dma_start3A_194] : memref<4x20x48xf32, #tpu.memory_space<hbm>> -> memref<1x1x48xf32, #tpu.memory_space<hbm>>
        %dma_start3A_196 = tpu.memref_squeeze %dma_start3A_195 : memref<1x1x48xf32, #tpu.memory_space<hbm>> -> memref<48xf32, #tpu.memory_space<hbm>>
        %dma_start3A_197 = arith.constant 0 : i32
        %dma_start3A_198 = tpu.memref_slice %arg6[%select_n3A, %sub3A_50, %dma_start3A_197] : memref<4x20x48xf32, #tpu.memory_space<hbm>> -> memref<1x1x48xf32, #tpu.memory_space<hbm>>
        %dma_start3A_199 = tpu.memref_squeeze %dma_start3A_198 : memref<1x1x48xf32, #tpu.memory_space<hbm>> -> memref<48xf32, #tpu.memory_space<hbm>>
        tpu.enqueue_dma source(%dma_start3A_199 : memref<48xf32, #tpu.memory_space<hbm>>) target(%arg17 : memref<48xf32, #tpu.memory_space<vmem>>) target_semaphore(%run_scoped3A : memref<!tpu.dma_semaphore, #tpu.memory_space<semaphore_mem>>)
        %dma_wait3A_200 = arith.constant 0 : i32
        %dma_wait3A_201 = tpu.memref_slice %arg6[%select_n3A, %sub3A_50, %dma_wait3A_200] : memref<4x20x48xf32, #tpu.memory_space<hbm>> -> memref<1x1x48xf32, #tpu.memory_space<hbm>>
        %dma_wait3A_202 = tpu.memref_squeeze %dma_wait3A_201 : memref<1x1x48xf32, #tpu.memory_space<hbm>> -> memref<48xf32, #tpu.memory_space<hbm>>
        %dma_wait3A_203 = arith.constant 0 : i32
        %dma_wait3A_204 = tpu.memref_slice %arg6[%select_n3A, %sub3A_50, %dma_wait3A_203] : memref<4x20x48xf32, #tpu.memory_space<hbm>> -> memref<1x1x48xf32, #tpu.memory_space<hbm>>
        %dma_wait3A_205 = tpu.memref_squeeze %dma_wait3A_204 : memref<1x1x48xf32, #tpu.memory_space<hbm>> -> memref<48xf32, #tpu.memory_space<hbm>>
        tpu.wait_dma2 semaphore(%run_scoped3A : memref<!tpu.dma_semaphore, #tpu.memory_space<semaphore_mem>>) src(%dma_wait3A_205 : memref<48xf32, #tpu.memory_space<hbm>>) dst(%arg17 : memref<48xf32, #tpu.memory_space<vmem>>)
        tpu.yield
      }) : () -> ()
      %get3A = arith.constant 0 : index
      %get3A_68 = tpu.vector_load %arg17[%get3A] {strides = array<i32>} : memref<48xf32, #tpu.memory_space<vmem>>, vector<16xf32>,
      %mul3A_69 = vector.broadcast %convert_element_type3A_67 : f32 to vector<16xf32>
      %mul3A_70 = arith.mulf %get3A_68, %mul3A_69 : vector<16xf32>
      %convert_element_type3A_71 = arith.fptosi %mul3A_70 : vector<16xf32> to vector<16xi32>
      %jit3A_72 = arith.constant 0 : i32
      %jit3A_73 = arith.constant 2047 : i32
      %max3A = vector.broadcast %jit3A_72 : i32 to vector<16xi32>
      %max3A_74 = arith.maxsi %max3A, %convert_element_type3A_71 : vector<16xi32>
      %min3A = vector.broadcast %jit3A_73 : i32 to vector<16xi32>
      %min3A_75 = arith.minsi %min3A, %max3A_74 : vector<16xi32>
      %gather3A = tpu.vector_load_idx %arg16[%min3A_75] : memref<2064xi32, #tpu.memory_space<vmem>>[vector<16xi32>], vector<16xi32>,
      %jit3A_76 = arith.constant 0 : i32
      %jit3A_77 = arith.constant 16383 : i32
      %max3A_78 = vector.broadcast %jit3A_76 : i32 to vector<16xi32>
      %max3A_79 = arith.maxsi %max3A_78, %gather3A : vector<16xi32>
      %min3A_80 = vector.broadcast %jit3A_77 : i32 to vector<16xi32>
      %min3A_81 = arith.minsi %min3A_80, %max3A_79 : vector<16xi32>
      %swap3A_82 = arith.constant 0 : index
      %swap3A_83 = tpu.vector_load %arg18[%swap3A_82] {strides = array<i32>} : memref<48xi32, #tpu.memory_space<vmem>>, vector<16xi32>,
      tpu.vector_store %arg18[%swap3A_82], %min3A_81 {strides = array<i32>} : memref<48xi32, #tpu.memory_space<vmem>>, vector<16xi32>,
      %get3A_84 = arith.constant 16 : index
      %get3A_85 = tpu.vector_load %arg17[%get3A_84] {strides = array<i32>} : memref<48xf32, #tpu.memory_space<vmem>>, vector<16xf32>,
      %mul3A_86 = vector.broadcast %convert_element_type3A_67 : f32 to vector<16xf32>
      %mul3A_87 = arith.mulf %get3A_85, %mul3A_86 : vector<16xf32>
      %convert_element_type3A_88 = arith.fptosi %mul3A_87 : vector<16xf32> to vector<16xi32>
      %jit3A_89 = arith.constant 0 : i32
      %jit3A_90 = arith.constant 2047 : i32
      %max3A_91 = vector.broadcast %jit3A_89 : i32 to vector<16xi32>
      %max3A_92 = arith.maxsi %max3A_91, %convert_element_type3A_88 : vector<16xi32>
      %min3A_93 = vector.broadcast %jit3A_90 : i32 to vector<16xi32>
      %min3A_94 = arith.minsi %min3A_93, %max3A_92 : vector<16xi32>
      %gather3A_95 = tpu.vector_load_idx %arg16[%min3A_94] : memref<2064xi32, #tpu.memory_space<vmem>>[vector<16xi32>], vector<16xi32>,
      %jit3A_96 = arith.constant 0 : i32
      %jit3A_97 = arith.constant 16383 : i32
      %max3A_98 = vector.broadcast %jit3A_96 : i32 to vector<16xi32>
      %max3A_99 = arith.maxsi %max3A_98, %gather3A_95 : vector<16xi32>
      %min3A_100 = vector.broadcast %jit3A_97 : i32 to vector<16xi32>
      %min3A_101 = arith.minsi %min3A_100, %max3A_99 : vector<16xi32>
      %swap3A_102 = arith.constant 16 : index
      %swap3A_103 = tpu.vector_load %arg18[%swap3A_102] {strides = array<i32>} : memref<48xi32, #tpu.memory_space<vmem>>, vector<16xi32>,
      tpu.vector_store %arg18[%swap3A_102], %min3A_101 {strides = array<i32>} : memref<48xi32, #tpu.memory_space<vmem>>, vector<16xi32>,
      %get3A_104 = arith.constant 32 : index
      %get3A_105 = tpu.vector_load %arg17[%get3A_104] {strides = array<i32>} : memref<48xf32, #tpu.memory_space<vmem>>, vector<16xf32>,
      %mul3A_106 = vector.broadcast %convert_element_type3A_67 : f32 to vector<16xf32>
      %mul3A_107 = arith.mulf %get3A_105, %mul3A_106 : vector<16xf32>
      %convert_element_type3A_108 = arith.fptosi %mul3A_107 : vector<16xf32> to vector<16xi32>
      %jit3A_109 = arith.constant 0 : i32
      %jit3A_110 = arith.constant 2047 : i32
      %max3A_111 = vector.broadcast %jit3A_109 : i32 to vector<16xi32>
      %max3A_112 = arith.maxsi %max3A_111, %convert_element_type3A_108 : vector<16xi32>
      %min3A_113 = vector.broadcast %jit3A_110 : i32 to vector<16xi32>
      %min3A_114 = arith.minsi %min3A_113, %max3A_112 : vector<16xi32>
      %gather3A_115 = tpu.vector_load_idx %arg16[%min3A_114] : memref<2064xi32, #tpu.memory_space<vmem>>[vector<16xi32>], vector<16xi32>,
      %jit3A_116 = arith.constant 0 : i32
      %jit3A_117 = arith.constant 16383 : i32
      %max3A_118 = vector.broadcast %jit3A_116 : i32 to vector<16xi32>
      %max3A_119 = arith.maxsi %max3A_118, %gather3A_115 : vector<16xi32>
      %min3A_120 = vector.broadcast %jit3A_117 : i32 to vector<16xi32>
      %min3A_121 = arith.minsi %min3A_120, %max3A_119 : vector<16xi32>
      %swap3A_122 = arith.constant 32 : index
      %swap3A_123 = tpu.vector_load %arg18[%swap3A_122] {strides = array<i32>} : memref<48xi32, #tpu.memory_space<vmem>>, vector<16xi32>,
      tpu.vector_store %arg18[%swap3A_122], %min3A_121 {strides = array<i32>} : memref<48xi32, #tpu.memory_space<vmem>>, vector<16xi32>,
      %dma_start3A = arith.constant 0 : i32
      %dma_start3A_124 = arith.constant 0 : i32
      %dma_start3A_125 = tpu.memref_slice %arg2[%dma_start3A, %dma_start3A_124] : memref<16384x64xf32, #tpu.memory_space<hbm>> -> memref<16384x64xf32, #tpu.memory_space<hbm>>
      tpu.enqueue_indirect_dma source(%dma_start3A_125 : memref<16384x64xf32, #tpu.memory_space<hbm>>) target(%arg19 : memref<48x64xf32, #tpu.memory_space<vmem>>) offsets(%arg18 : memref<48xi32, #tpu.memory_space<vmem>>) semaphore(%arg21 : memref<!tpu.dma_semaphore, #tpu.memory_space<semaphore_mem>>)
      %dma_wait3A = arith.constant 0 : i32
      %dma_wait3A_126 = arith.constant 0 : i32
      %dma_wait3A_127 = tpu.memref_slice %arg2[%dma_wait3A, %dma_wait3A_126] : memref<16384x64xf32, #tpu.memory_space<hbm>> -> memref<16384x64xf32, #tpu.memory_space<hbm>>
      tpu.wait_indirect_dma semaphore(%arg21 : memref<!tpu.dma_semaphore, #tpu.memory_space<semaphore_mem>>) src(%dma_wait3A_127 : memref<16384x64xf32, #tpu.memory_space<hbm>>) dst(%arg19 : memref<48x64xf32, #tpu.memory_space<vmem>>)
      "tpu.region"() ({
        %run_scoped3A = tpu.sem_alloc : memref<!tpu.dma_semaphore, #tpu.memory_space<semaphore_mem>>
        %dma_start3A_194 = arith.constant 0 : i32
        %dma_start3A_195 = arith.constant 0 : i32
        %dma_start3A_196 = tpu.memref_slice %arg11[%select_n3A, %sub3A_50, %dma_start3A_194, %dma_start3A_195] : memref<4x20x48x64xf32, #tpu.memory_space<hbm>> -> memref<1x1x48x64xf32, #tpu.memory_space<hbm>>
        %dma_start3A_197 = tpu.memref_squeeze %dma_start3A_196 : memref<1x1x48x64xf32, #tpu.memory_space<hbm>> -> memref<48x64xf32, #tpu.memory_space<hbm>>
        %dma_start3A_198 = arith.constant 0 : i32
        %dma_start3A_199 = arith.constant 0 : i32
        %dma_start3A_200 = tpu.memref_slice %arg11[%select_n3A, %sub3A_50, %dma_start3A_198, %dma_start3A_199] : memref<4x20x48x64xf32, #tpu.memory_space<hbm>> -> memref<1x1x48x64xf32, #tpu.memory_space<hbm>>
        %dma_start3A_201 = tpu.memref_squeeze %dma_start3A_200 : memref<1x1x48x64xf32, #tpu.memory_space<hbm>> -> memref<48x64xf32, #tpu.memory_space<hbm>>
        tpu.enqueue_dma source(%arg19 : memref<48x64xf32, #tpu.memory_space<vmem>>) target(%dma_start3A_201 : memref<48x64xf32, #tpu.memory_space<hbm>>) target_semaphore(%run_scoped3A : memref<!tpu.dma_semaphore, #tpu.memory_space<semaphore_mem>>)
        %dma_wait3A_202 = arith.constant 0 : i32
        %dma_wait3A_203 = arith.constant 0 : i32
        %dma_wait3A_204 = tpu.memref_slice %arg11[%select_n3A, %sub3A_50, %dma_wait3A_202, %dma_wait3A_203] : memref<4x20x48x64xf32, #tpu.memory_space<hbm>> -> memref<1x1x48x64xf32, #tpu.memory_space<hbm>>
        %dma_wait3A_205 = tpu.memref_squeeze %dma_wait3A_204 : memref<1x1x48x64xf32, #tpu.memory_space<hbm>> -> memref<48x64xf32, #tpu.memory_space<hbm>>
        %dma_wait3A_206 = arith.constant 0 : i32
        %dma_wait3A_207 = arith.constant 0 : i32
        %dma_wait3A_208 = tpu.memref_slice %arg11[%select_n3A, %sub3A_50, %dma_wait3A_206, %dma_wait3A_207] : memref<4x20x48x64xf32, #tpu.memory_space<hbm>> -> memref<1x1x48x64xf32, #tpu.memory_space<hbm>>
        %dma_wait3A_209 = tpu.memref_squeeze %dma_wait3A_208 : memref<1x1x48x64xf32, #tpu.memory_space<hbm>> -> memref<48x64xf32, #tpu.memory_space<hbm>>
        tpu.wait_dma2 semaphore(%run_scoped3A : memref<!tpu.dma_semaphore, #tpu.memory_space<semaphore_mem>>) src(%arg19 : memref<48x64xf32, #tpu.memory_space<vmem>>) dst(%dma_wait3A_209 : memref<48x64xf32, #tpu.memory_space<hbm>>)
        tpu.yield
      }) : () -> ()
      "tpu.region"() ({
        %run_scoped3A = tpu.sem_alloc : memref<!tpu.dma_semaphore, #tpu.memory_space<semaphore_mem>>
        %dma_start3A_194 = arith.constant 0 : i32
        %dma_start3A_195 = tpu.memref_slice %arg7[%select_n3A, %sub3A_50, %dma_start3A_194] : memref<4x20x48xf32, #tpu.memory_space<hbm>> -> memref<1x1x48xf32, #tpu.memory_space<hbm>>
        %dma_start3A_196 = tpu.memref_squeeze %dma_start3A_195 : memref<1x1x48xf32, #tpu.memory_space<hbm>> -> memref<48xf32, #tpu.memory_space<hbm>>
        %dma_start3A_197 = arith.constant 0 : i32
        %dma_start3A_198 = tpu.memref_slice %arg7[%select_n3A, %sub3A_50, %dma_start3A_197] : memref<4x20x48xf32, #tpu.memory_space<hbm>> -> memref<1x1x48xf32, #tpu.memory_space<hbm>>
        %dma_start3A_199 = tpu.memref_squeeze %dma_start3A_198 : memref<1x1x48xf32, #tpu.memory_space<hbm>> -> memref<48xf32, #tpu.memory_space<hbm>>
        tpu.enqueue_dma source(%dma_start3A_199 : memref<48xf32, #tpu.memory_space<hbm>>) target(%arg17 : memref<48xf32, #tpu.memory_space<vmem>>) target_semaphore(%run_scoped3A : memref<!tpu.dma_semaphore, #tpu.memory_space<semaphore_mem>>)
        %dma_wait3A_200 = arith.constant 0 : i32
        %dma_wait3A_201 = tpu.memref_slice %arg7[%select_n3A, %sub3A_50, %dma_wait3A_200] : memref<4x20x48xf32, #tpu.memory_space<hbm>> -> memref<1x1x48xf32, #tpu.memory_space<hbm>>
        %dma_wait3A_202 = tpu.memref_squeeze %dma_wait3A_201 : memref<1x1x48xf32, #tpu.memory_space<hbm>> -> memref<48xf32, #tpu.memory_space<hbm>>
        %dma_wait3A_203 = arith.constant 0 : i32
        %dma_wait3A_204 = tpu.memref_slice %arg7[%select_n3A, %sub3A_50, %dma_wait3A_203] : memref<4x20x48xf32, #tpu.memory_space<hbm>> -> memref<1x1x48xf32, #tpu.memory_space<hbm>>
        %dma_wait3A_205 = tpu.memref_squeeze %dma_wait3A_204 : memref<1x1x48xf32, #tpu.memory_space<hbm>> -> memref<48xf32, #tpu.memory_space<hbm>>
        tpu.wait_dma2 semaphore(%run_scoped3A : memref<!tpu.dma_semaphore, #tpu.memory_space<semaphore_mem>>) src(%dma_wait3A_205 : memref<48xf32, #tpu.memory_space<hbm>>) dst(%arg17 : memref<48xf32, #tpu.memory_space<vmem>>)
        tpu.yield
      }) : () -> ()
      %get3A_128 = arith.constant 0 : index
      %get3A_129 = tpu.vector_load %arg17[%get3A_128] {strides = array<i32>} : memref<48xf32, #tpu.memory_space<vmem>>, vector<16xf32>,
      %mul3A_130 = vector.broadcast %convert_element_type3A_67 : f32 to vector<16xf32>
      %mul3A_131 = arith.mulf %get3A_129, %mul3A_130 : vector<16xf32>
      %convert_element_type3A_132 = arith.fptosi %mul3A_131 : vector<16xf32> to vector<16xi32>
      %jit3A_133 = arith.constant 0 : i32
      %jit3A_134 = arith.constant 2047 : i32
      %max3A_135 = vector.broadcast %jit3A_133 : i32 to vector<16xi32>
      %max3A_136 = arith.maxsi %max3A_135, %convert_element_type3A_132 : vector<16xi32>
      %min3A_137 = vector.broadcast %jit3A_134 : i32 to vector<16xi32>
      %min3A_138 = arith.minsi %min3A_137, %max3A_136 : vector<16xi32>
      %gather3A_139 = tpu.vector_load_idx %arg16[%min3A_138] : memref<2064xi32, #tpu.memory_space<vmem>>[vector<16xi32>], vector<16xi32>,
      %jit3A_140 = arith.constant 0 : i32
      %jit3A_141 = arith.constant 16383 : i32
      %max3A_142 = vector.broadcast %jit3A_140 : i32 to vector<16xi32>
      %max3A_143 = arith.maxsi %max3A_142, %gather3A_139 : vector<16xi32>
      %min3A_144 = vector.broadcast %jit3A_141 : i32 to vector<16xi32>
      %min3A_145 = arith.minsi %min3A_144, %max3A_143 : vector<16xi32>
      %swap3A_146 = arith.constant 0 : index
      %swap3A_147 = tpu.vector_load %arg18[%swap3A_146] {strides = array<i32>} : memref<48xi32, #tpu.memory_space<vmem>>, vector<16xi32>,
      tpu.vector_store %arg18[%swap3A_146], %min3A_145 {strides = array<i32>} : memref<48xi32, #tpu.memory_space<vmem>>, vector<16xi32>,
      %get3A_148 = arith.constant 16 : index
      %get3A_149 = tpu.vector_load %arg17[%get3A_148] {strides = array<i32>} : memref<48xf32, #tpu.memory_space<vmem>>, vector<16xf32>,
      %mul3A_150 = vector.broadcast %convert_element_type3A_67 : f32 to vector<16xf32>
      %mul3A_151 = arith.mulf %get3A_149, %mul3A_150 : vector<16xf32>
      %convert_element_type3A_152 = arith.fptosi %mul3A_151 : vector<16xf32> to vector<16xi32>
      %jit3A_153 = arith.constant 0 : i32
      %jit3A_154 = arith.constant 2047 : i32
      %max3A_155 = vector.broadcast %jit3A_153 : i32 to vector<16xi32>
      %max3A_156 = arith.maxsi %max3A_155, %convert_element_type3A_152 : vector<16xi32>
      %min3A_157 = vector.broadcast %jit3A_154 : i32 to vector<16xi32>
      %min3A_158 = arith.minsi %min3A_157, %max3A_156 : vector<16xi32>
      %gather3A_159 = tpu.vector_load_idx %arg16[%min3A_158] : memref<2064xi32, #tpu.memory_space<vmem>>[vector<16xi32>], vector<16xi32>,
      %jit3A_160 = arith.constant 0 : i32
      %jit3A_161 = arith.constant 16383 : i32
      %max3A_162 = vector.broadcast %jit3A_160 : i32 to vector<16xi32>
      %max3A_163 = arith.maxsi %max3A_162, %gather3A_159 : vector<16xi32>
      %min3A_164 = vector.broadcast %jit3A_161 : i32 to vector<16xi32>
      %min3A_165 = arith.minsi %min3A_164, %max3A_163 : vector<16xi32>
      %swap3A_166 = arith.constant 16 : index
      %swap3A_167 = tpu.vector_load %arg18[%swap3A_166] {strides = array<i32>} : memref<48xi32, #tpu.memory_space<vmem>>, vector<16xi32>,
      tpu.vector_store %arg18[%swap3A_166], %min3A_165 {strides = array<i32>} : memref<48xi32, #tpu.memory_space<vmem>>, vector<16xi32>,
      %get3A_168 = arith.constant 32 : index
      %get3A_169 = tpu.vector_load %arg17[%get3A_168] {strides = array<i32>} : memref<48xf32, #tpu.memory_space<vmem>>, vector<16xf32>,
      %mul3A_170 = vector.broadcast %convert_element_type3A_67 : f32 to vector<16xf32>
      %mul3A_171 = arith.mulf %get3A_169, %mul3A_170 : vector<16xf32>
      %convert_element_type3A_172 = arith.fptosi %mul3A_171 : vector<16xf32> to vector<16xi32>
      %jit3A_173 = arith.constant 0 : i32
      %jit3A_174 = arith.constant 2047 : i32
      %max3A_175 = vector.broadcast %jit3A_173 : i32 to vector<16xi32>
      %max3A_176 = arith.maxsi %max3A_175, %convert_element_type3A_172 : vector<16xi32>
      %min3A_177 = vector.broadcast %jit3A_174 : i32 to vector<16xi32>
      %min3A_178 = arith.minsi %min3A_177, %max3A_176 : vector<16xi32>
      %gather3A_179 = tpu.vector_load_idx %arg16[%min3A_178] : memref<2064xi32, #tpu.memory_space<vmem>>[vector<16xi32>], vector<16xi32>,
      %jit3A_180 = arith.constant 0 : i32
      %jit3A_181 = arith.constant 16383 : i32
      %max3A_182 = vector.broadcast %jit3A_180 : i32 to vector<16xi32>
      %max3A_183 = arith.maxsi %max3A_182, %gather3A_179 : vector<16xi32>
      %min3A_184 = vector.broadcast %jit3A_181 : i32 to vector<16xi32>
      %min3A_185 = arith.minsi %min3A_184, %max3A_183 : vector<16xi32>
      %swap3A_186 = arith.constant 32 : index
      %swap3A_187 = tpu.vector_load %arg18[%swap3A_186] {strides = array<i32>} : memref<48xi32, #tpu.memory_space<vmem>>, vector<16xi32>,
      tpu.vector_store %arg18[%swap3A_186], %min3A_185 {strides = array<i32>} : memref<48xi32, #tpu.memory_space<vmem>>, vector<16xi32>,
      %dma_start3A_188 = arith.constant 0 : i32
      %dma_start3A_189 = arith.constant 0 : i32
      %dma_start3A_190 = tpu.memref_slice %arg3[%dma_start3A_188, %dma_start3A_189] : memref<16384x64xf32, #tpu.memory_space<hbm>> -> memref<16384x64xf32, #tpu.memory_space<hbm>>
      tpu.enqueue_indirect_dma source(%dma_start3A_190 : memref<16384x64xf32, #tpu.memory_space<hbm>>) target(%arg19 : memref<48x64xf32, #tpu.memory_space<vmem>>) offsets(%arg18 : memref<48xi32, #tpu.memory_space<vmem>>) semaphore(%arg21 : memref<!tpu.dma_semaphore, #tpu.memory_space<semaphore_mem>>)
      %dma_wait3A_191 = arith.constant 0 : i32
      %dma_wait3A_192 = arith.constant 0 : i32
      %dma_wait3A_193 = tpu.memref_slice %arg3[%dma_wait3A_191, %dma_wait3A_192] : memref<16384x64xf32, #tpu.memory_space<hbm>> -> memref<16384x64xf32, #tpu.memory_space<hbm>>
      tpu.wait_indirect_dma semaphore(%arg21 : memref<!tpu.dma_semaphore, #tpu.memory_space<semaphore_mem>>) src(%dma_wait3A_193 : memref<16384x64xf32, #tpu.memory_space<hbm>>) dst(%arg19 : memref<48x64xf32, #tpu.memory_space<vmem>>)
      "tpu.region"() ({
        %run_scoped3A = tpu.sem_alloc : memref<!tpu.dma_semaphore, #tpu.memory_space<semaphore_mem>>
        %dma_start3A_194 = arith.constant 0 : i32
        %dma_start3A_195 = arith.constant 0 : i32
        %dma_start3A_196 = tpu.memref_slice %arg12[%select_n3A, %sub3A_50, %dma_start3A_194, %dma_start3A_195] : memref<4x20x48x64xf32, #tpu.memory_space<hbm>> -> memref<1x1x48x64xf32, #tpu.memory_space<hbm>>
        %dma_start3A_197 = tpu.memref_squeeze %dma_start3A_196 : memref<1x1x48x64xf32, #tpu.memory_space<hbm>> -> memref<48x64xf32, #tpu.memory_space<hbm>>
        %dma_start3A_198 = arith.constant 0 : i32
        %dma_start3A_199 = arith.constant 0 : i32
        %dma_start3A_200 = tpu.memref_slice %arg12[%select_n3A, %sub3A_50, %dma_start3A_198, %dma_start3A_199] : memref<4x20x48x64xf32, #tpu.memory_space<hbm>> -> memref<1x1x48x64xf32, #tpu.memory_space<hbm>>
        %dma_start3A_201 = tpu.memref_squeeze %dma_start3A_200 : memref<1x1x48x64xf32, #tpu.memory_space<hbm>> -> memref<48x64xf32, #tpu.memory_space<hbm>>
        tpu.enqueue_dma source(%arg19 : memref<48x64xf32, #tpu.memory_space<vmem>>) target(%dma_start3A_201 : memref<48x64xf32, #tpu.memory_space<hbm>>) target_semaphore(%run_scoped3A : memref<!tpu.dma_semaphore, #tpu.memory_space<semaphore_mem>>)
        %dma_wait3A_202 = arith.constant 0 : i32
        %dma_wait3A_203 = arith.constant 0 : i32
        %dma_wait3A_204 = tpu.memref_slice %arg12[%select_n3A, %sub3A_50, %dma_wait3A_202, %dma_wait3A_203] : memref<4x20x48x64xf32, #tpu.memory_space<hbm>> -> memref<1x1x48x64xf32, #tpu.memory_space<hbm>>
        %dma_wait3A_205 = tpu.memref_squeeze %dma_wait3A_204 : memref<1x1x48x64xf32, #tpu.memory_space<hbm>> -> memref<48x64xf32, #tpu.memory_space<hbm>>
        %dma_wait3A_206 = arith.constant 0 : i32
        %dma_wait3A_207 = arith.constant 0 : i32
        %dma_wait3A_208 = tpu.memref_slice %arg12[%select_n3A, %sub3A_50, %dma_wait3A_206, %dma_wait3A_207] : memref<4x20x48x64xf32, #tpu.memory_space<hbm>> -> memref<1x1x48x64xf32, #tpu.memory_space<hbm>>
        %dma_wait3A_209 = tpu.memref_squeeze %dma_wait3A_208 : memref<1x1x48x64xf32, #tpu.memory_space<hbm>> -> memref<48x64xf32, #tpu.memory_space<hbm>>
        tpu.wait_dma2 semaphore(%run_scoped3A : memref<!tpu.dma_semaphore, #tpu.memory_space<semaphore_mem>>) src(%arg19 : memref<48x64xf32, #tpu.memory_space<vmem>>) dst(%dma_wait3A_209 : memref<48x64xf32, #tpu.memory_space<hbm>>)
        tpu.yield
      }) : () -> ()
    } else {
    }
    return
  }
}

module attributes {stable_mosaic.version = 14 : i64} {
  func.func @_tc_body(%arg0: memref<4096x64xf32, #tpu.memory_space<vmem>>, %arg1: memref<4096x64xf32, #tpu.memory_space<vmem>>, %arg2: memref<3840x64xf32, #tpu.memory_space<vmem>>, %arg3: memref<3840x64xf32, #tpu.memory_space<vmem>>, %arg4: memref<4x20x16xi32, #tpu.memory_space<vmem>>, %arg5: memref<4x20x4096xf32, #tpu.memory_space<vmem>>, %arg6: memref<4x4096xi32, #tpu.memory_space<vmem>>, %arg7: memref<1x1xf32, #tpu.memory_space<smem>>) attributes {dimension_semantics = [], scalar_prefetch = 0 : i64, scratch_operands = 0 : i64, tpu.core_type = #tpu.core_type<tc>} {
    %get3A = arith.constant 0 : index
    %get3A_0 = arith.constant 0 : index
    %get3A_1 = arith.constant 0 : index
    %get3A_2 = vector.load %arg5[%get3A, %get3A_0, %get3A_1] : memref<4x20x4096xf32, #tpu.memory_space<vmem>>, vector<1x20x4096xf32>
    %get3A_3 = vector.shape_cast %get3A_2 : vector<1x20x4096xf32> to vector<20x4096xf32>
    %reduce_max3A = arith.constant dense<0xFF800000> : vector<4096xf32>
    %reduce_max3A_4 = vector.multi_reduction <maximumf>, %get3A_3, %reduce_max3A [0] : vector<20x4096xf32> to vector<4096xf32>
    %broadcast_in_dim3A = vector.shape_cast %reduce_max3A_4 : vector<4096xf32> to vector<1x4096xf32>
    %sub3A = vector.broadcast %broadcast_in_dim3A : vector<1x4096xf32> to vector<20x4096xf32>
    %sub3A_5 = arith.subf %get3A_3, %sub3A : vector<20x4096xf32>
    %exp3A = math.exp %sub3A_5 : vector<20x4096xf32>
    %reduce_sum3A = arith.constant dense<0.000000e+00> : vector<4096xf32>
    %reduce_sum3A_6 = vector.multi_reduction <add>, %exp3A, %reduce_sum3A [0] : vector<20x4096xf32> to vector<4096xf32>
    %broadcast_in_dim3A_7 = vector.shape_cast %reduce_sum3A_6 : vector<4096xf32> to vector<1x4096xf32>
    %log3A = math.log %broadcast_in_dim3A_7 : vector<1x4096xf32>
    %add3A = arith.addf %log3A, %broadcast_in_dim3A : vector<1x4096xf32>
    %get3A_8 = arith.constant 0 : index
    %get3A_9 = arith.constant 0 : index
    %get3A_10 = vector.load %arg6[%get3A_8, %get3A_9] : memref<4x4096xi32, #tpu.memory_space<vmem>>, vector<1x4096xi32>
    %iota3A = tpu.iota {dimensions = array<i32: 0>} : vector<20x4096xi32>
    %eq3A = vector.broadcast %get3A_10 : vector<1x4096xi32> to vector<20x4096xi32>
    %eq3A_11 = arith.cmpi eq, %iota3A, %eq3A : vector<20x4096xi32>
    %jit3A = arith.constant 0.000000e+00 : f32
    %broadcast_in_dim3A_12 = vector.broadcast %jit3A : f32 to vector<20x4096xf32>
    %select_n3A = arith.select %eq3A_11, %get3A_3, %broadcast_in_dim3A_12 : vector<20x4096xi1>, vector<20x4096xf32>
    %reduce_sum3A_13 = arith.constant dense<0.000000e+00> : vector<4096xf32>
    %reduce_sum3A_14 = vector.multi_reduction <add>, %select_n3A, %reduce_sum3A_13 [0] : vector<20x4096xf32> to vector<4096xf32>
    %broadcast_in_dim3A_15 = vector.shape_cast %reduce_sum3A_14 : vector<4096xf32> to vector<1x4096xf32>
    %sub3A_16 = arith.subf %add3A, %broadcast_in_dim3A_15 : vector<1x4096xf32>
    %reduce_sum3A_17 = vector.shape_cast %sub3A_16 : vector<1x4096xf32> to vector<1x1x4096xf32>
    %reduce_sum3A_18 = arith.constant dense<0.000000e+00> : vector<1xf32>
    %reduce_sum3A_19 = vector.multi_reduction <add>, %reduce_sum3A_17, %reduce_sum3A_18 [1, 2] : vector<1x1x4096xf32> to vector<1xf32>
    %reduce_sum3A_20 = vector.shape_cast %reduce_sum3A_19 : vector<1xf32> to vector<1x1x1xf32>
    %reduce_sum3A_21 = vector.extract %reduce_sum3A_20[0, 0, 0] : f32 from vector<1x1x1xf32>
    %mul3A = arith.constant 2.000000e-02 : f32
    %mul3A_22 = arith.mulf %mul3A, %reduce_sum3A_21 : f32
    %div3A = arith.constant 1.638400e+04 : f32
    %div3A_23 = arith.divf %mul3A_22, %div3A : f32
    %add3A_24 = arith.constant 0.000000e+00 : f32
    %add3A_25 = arith.addf %add3A_24, %div3A_23 : f32
    %get3A_26 = arith.constant 0 : index
    %get3A_27 = arith.constant 0 : index
    %get3A_28 = vector.load %arg0[%get3A_26, %get3A_27] : memref<4096x64xf32, #tpu.memory_space<vmem>>, vector<1024x64xf32>
    %get3A_29 = arith.constant 0 : index
    %get3A_30 = arith.constant 0 : index
    %get3A_31 = vector.load %arg1[%get3A_29, %get3A_30] : memref<4096x64xf32, #tpu.memory_space<vmem>>, vector<1024x64xf32>
    %mul3A_32 = arith.mulf %get3A_28, %get3A_28 : vector<1024x64xf32>
    %reduce_sum3A_33 = arith.constant dense<0.000000e+00> : vector<1024xf32>
    %reduce_sum3A_34 = vector.multi_reduction <add>, %mul3A_32, %reduce_sum3A_33 [1] : vector<1024x64xf32> to vector<1024xf32>
    %broadcast_in_dim3A_35 = vector.shape_cast %reduce_sum3A_34 : vector<1024xf32> to vector<1024x1xf32>
    %sqrt3A = math.sqrt %broadcast_in_dim3A_35 : vector<1024x1xf32>
    %div3A_36 = vector.broadcast %sqrt3A : vector<1024x1xf32> to vector<1024x64xf32>
    %div3A_37 = arith.divf %get3A_28, %div3A_36 : vector<1024x64xf32>
    %mul3A_38 = arith.mulf %get3A_31, %get3A_31 : vector<1024x64xf32>
    %reduce_sum3A_39 = arith.constant dense<0.000000e+00> : vector<1024xf32>
    %reduce_sum3A_40 = vector.multi_reduction <add>, %mul3A_38, %reduce_sum3A_39 [1] : vector<1024x64xf32> to vector<1024xf32>
    %broadcast_in_dim3A_41 = vector.shape_cast %reduce_sum3A_40 : vector<1024xf32> to vector<1024x1xf32>
    %sqrt3A_42 = math.sqrt %broadcast_in_dim3A_41 : vector<1024x1xf32>
    %div3A_43 = vector.broadcast %sqrt3A_42 : vector<1024x1xf32> to vector<1024x64xf32>
    %div3A_44 = arith.divf %get3A_31, %div3A_43 : vector<1024x64xf32>
    %dot_general3A = arith.constant dense<0.000000e+00> : vector<1024x1024xf32>
    %dot_general3A_45 = tpu.matmul %div3A_37, %div3A_44, %dot_general3A {dimension_numbers = #tpu.dot_dimension_numbers<[1], [1], [0], [0], [0, 0, 1, 0], [], []>, transpose_lhs_hint = false} : vector<1024x64xf32>, vector<1024x64xf32>, vector<1024x1024xf32> -> vector<1024x1024xf32>
    %div3A_46 = arith.constant 7.000000e-02 : f32
    %div3A_47 = vector.broadcast %div3A_46 : f32 to vector<1024x1024xf32>
    %div3A_48 = arith.divf %dot_general3A_45, %div3A_47 : vector<1024x1024xf32>
    %reduce_max3A_49 = arith.constant dense<0xFF800000> : vector<1024xf32>
    %reduce_max3A_50 = vector.multi_reduction <maximumf>, %div3A_48, %reduce_max3A_49 [1] : vector<1024x1024xf32> to vector<1024xf32>
    %broadcast_in_dim3A_51 = vector.shape_cast %reduce_max3A_50 : vector<1024xf32> to vector<1024x1xf32>
    %sub3A_52 = vector.broadcast %broadcast_in_dim3A_51 : vector<1024x1xf32> to vector<1024x1024xf32>
    %sub3A_53 = arith.subf %div3A_48, %sub3A_52 : vector<1024x1024xf32>
    %exp3A_54 = math.exp %sub3A_53 : vector<1024x1024xf32>
    %reduce_sum3A_55 = arith.constant dense<0.000000e+00> : vector<1024xf32>
    %reduce_sum3A_56 = vector.multi_reduction <add>, %exp3A_54, %reduce_sum3A_55 [1] : vector<1024x1024xf32> to vector<1024xf32>
    %broadcast_in_dim3A_57 = vector.shape_cast %reduce_sum3A_56 : vector<1024xf32> to vector<1024x1xf32>
    %log3A_58 = math.log %broadcast_in_dim3A_57 : vector<1024x1xf32>
    %add3A_59 = arith.addf %log3A_58, %broadcast_in_dim3A_51 : vector<1024x1xf32>
    %iota3A_60 = tpu.iota {dimensions = array<i32: 0>} : vector<1024x1024xi32>
    %iota3A_61 = tpu.iota {dimensions = array<i32: 1>} : vector<1024x1024xi32>
    %eq3A_62 = arith.cmpi eq, %iota3A_60, %iota3A_61 : vector<1024x1024xi32>
    %jit3A_63 = arith.constant 0.000000e+00 : f32
    %broadcast_in_dim3A_64 = vector.broadcast %jit3A_63 : f32 to vector<1024x1024xf32>
    %select_n3A_65 = arith.select %eq3A_62, %div3A_48, %broadcast_in_dim3A_64 : vector<1024x1024xi1>, vector<1024x1024xf32>
    %reduce_sum3A_66 = arith.constant dense<0.000000e+00> : vector<1024xf32>
    %reduce_sum3A_67 = vector.multi_reduction <add>, %select_n3A_65, %reduce_sum3A_66 [1] : vector<1024x1024xf32> to vector<1024xf32>
    %broadcast_in_dim3A_68 = vector.shape_cast %reduce_sum3A_67 : vector<1024xf32> to vector<1024x1xf32>
    %sub3A_69 = arith.subf %add3A_59, %broadcast_in_dim3A_68 : vector<1024x1xf32>
    %reduce_sum3A_70 = vector.shape_cast %sub3A_69 : vector<1024x1xf32> to vector<1x1024x1xf32>
    %reduce_sum3A_71 = arith.constant dense<0.000000e+00> : vector<1xf32>
    %reduce_sum3A_72 = vector.multi_reduction <add>, %reduce_sum3A_70, %reduce_sum3A_71 [1, 2] : vector<1x1024x1xf32> to vector<1xf32>
    %reduce_sum3A_73 = vector.shape_cast %reduce_sum3A_72 : vector<1xf32> to vector<1x1x1xf32>
    %reduce_sum3A_74 = vector.extract %reduce_sum3A_73[0, 0, 0] : f32 from vector<1x1x1xf32>
    %mul3A_75 = arith.constant 1.000000e-01 : f32
    %mul3A_76 = arith.mulf %mul3A_75, %reduce_sum3A_74 : f32
    %div3A_77 = arith.constant 4.096000e+03 : f32
    %div3A_78 = arith.divf %mul3A_76, %div3A_77 : f32
    %add3A_79 = arith.addf %add3A_25, %div3A_78 : f32
    %get3A_80 = arith.constant 0 : index
    %get3A_81 = arith.constant 0 : index
    %get3A_82 = arith.constant 0 : index
    %get3A_83 = vector.load %arg4[%get3A_80, %get3A_81, %get3A_82] : memref<4x20x16xi32, #tpu.memory_space<vmem>>, vector<1x20x16xi32>
    %get3A_84 = vector.shape_cast %get3A_83 : vector<1x20x16xi32> to vector<20x16xi32>
    %reduce_min3A = vector.shape_cast %get3A_84 : vector<20x16xi32> to vector<1x20x16xi32>
    %reduce_min3A_85 = arith.constant dense<2147483647> : vector<1xi32>
    %reduce_min3A_86 = vector.multi_reduction <minsi>, %reduce_min3A, %reduce_min3A_85 [1, 2] : vector<1x20x16xi32> to vector<1xi32>
    %reduce_min3A_87 = vector.shape_cast %reduce_min3A_86 : vector<1xi32> to vector<1x1x1xi32>
    %reduce_min3A_88 = vector.extract %reduce_min3A_87[0, 0, 0] : i32 from vector<1x1x1xi32>
    %jit3A_89 = arith.constant 3 : i32
    %div3A_90 = arith.divsi %reduce_min3A_88, %jit3A_89 : i32
    %sign3A = arith.constant 0 : i32
    %sign3A_91 = arith.cmpi sgt, %reduce_min3A_88, %sign3A : i32
    %sign3A_92 = arith.extui %sign3A_91 : i1 to i32
    %sign3A_93 = arith.constant 0 : i32
    %sign3A_94 = arith.cmpi slt, %reduce_min3A_88, %sign3A_93 : i32
    %sign3A_95 = arith.extui %sign3A_94 : i1 to i32
    %sign3A_96 = arith.subi %sign3A_92, %sign3A_95 : i32
    %sign3A_97 = arith.constant 0 : i32
    %sign3A_98 = arith.cmpi sgt, %jit3A_89, %sign3A_97 : i32
    %sign3A_99 = arith.extui %sign3A_98 : i1 to i32
    %sign3A_100 = arith.constant 0 : i32
    %sign3A_101 = arith.cmpi slt, %jit3A_89, %sign3A_100 : i32
    %sign3A_102 = arith.extui %sign3A_101 : i1 to i32
    %sign3A_103 = arith.subi %sign3A_99, %sign3A_102 : i32
    %ne3A = arith.cmpi ne, %sign3A_96, %sign3A_103 : i32
    %rem3A = arith.remsi %reduce_min3A_88, %jit3A_89 : i32
    %ne3A_104 = arith.constant 0 : i32
    %ne3A_105 = arith.cmpi ne, %rem3A, %ne3A_104 : i32
    %and3A = arith.andi %ne3A, %ne3A_105 : i1
    %sub3A_106 = arith.constant 1 : i32
    %sub3A_107 = arith.subi %div3A_90, %sub3A_106 : i32
    %select_n3A_108 = arith.select %and3A, %sub3A_107, %div3A_90 : i32
    %get3A_109 = arith.constant 0 : index
    %get3A_110 = arith.constant 0 : index
    %get3A_111 = vector.load %arg2[%get3A_109, %get3A_110] : memref<3840x64xf32, #tpu.memory_space<vmem>>, vector<960x64xf32>
    %get3A_112 = arith.constant 0 : index
    %get3A_113 = arith.constant 0 : index
    %get3A_114 = vector.load %arg3[%get3A_112, %get3A_113] : memref<3840x64xf32, #tpu.memory_space<vmem>>, vector<960x64xf32>
    %iota3A_115 = tpu.iota {dimensions = array<i32: 0>} : vector<960x960xi32>
    %iota3A_116 = tpu.iota {dimensions = array<i32: 1>} : vector<960x960xi32>
    %rem3A_117 = arith.constant 48 : i32
    %rem3A_118 = vector.broadcast %rem3A_117 : i32 to vector<960x960xi32>
    %rem3A_119 = arith.remsi %iota3A_115, %rem3A_118 : vector<960x960xi32>
    %rem3A_120 = arith.constant 48 : i32
    %rem3A_121 = vector.broadcast %rem3A_120 : i32 to vector<960x960xi32>
    %rem3A_122 = arith.remsi %iota3A_116, %rem3A_121 : vector<960x960xi32>
    %eq3A_123 = arith.cmpi eq, %rem3A_119, %rem3A_122 : vector<960x960xi32>
    %mul3A_124 = arith.mulf %get3A_111, %get3A_111 : vector<960x64xf32>
    %reduce_sum3A_125 = arith.constant dense<0.000000e+00> : vector<960xf32>
    %reduce_sum3A_126 = vector.multi_reduction <add>, %mul3A_124, %reduce_sum3A_125 [1] : vector<960x64xf32> to vector<960xf32>
    %broadcast_in_dim3A_127 = vector.shape_cast %reduce_sum3A_126 : vector<960xf32> to vector<960x1xf32>
    %sqrt3A_128 = math.sqrt %broadcast_in_dim3A_127 : vector<960x1xf32>
    %div3A_129 = vector.broadcast %sqrt3A_128 : vector<960x1xf32> to vector<960x64xf32>
    %div3A_130 = arith.divf %get3A_111, %div3A_129 : vector<960x64xf32>
    %mul3A_131 = arith.mulf %get3A_114, %get3A_114 : vector<960x64xf32>
    %reduce_sum3A_132 = arith.constant dense<0.000000e+00> : vector<960xf32>
    %reduce_sum3A_133 = vector.multi_reduction <add>, %mul3A_131, %reduce_sum3A_132 [1] : vector<960x64xf32> to vector<960xf32>
    %broadcast_in_dim3A_134 = vector.shape_cast %reduce_sum3A_133 : vector<960xf32> to vector<960x1xf32>
    %sqrt3A_135 = math.sqrt %broadcast_in_dim3A_134 : vector<960x1xf32>
    %div3A_136 = vector.broadcast %sqrt3A_135 : vector<960x1xf32> to vector<960x64xf32>
    %div3A_137 = arith.divf %get3A_114, %div3A_136 : vector<960x64xf32>
    %dot_general3A_138 = arith.constant dense<0.000000e+00> : vector<960x960xf32>
    %dot_general3A_139 = tpu.matmul %div3A_130, %div3A_137, %dot_general3A_138 {dimension_numbers = #tpu.dot_dimension_numbers<[1], [1], [0], [0], [0, 0, 1, 0], [], []>, transpose_lhs_hint = false} : vector<960x64xf32>, vector<960x64xf32>, vector<960x960xf32> -> vector<960x960xf32>
    %div3A_140 = arith.constant 7.000000e-02 : f32
    %div3A_141 = vector.broadcast %div3A_140 : f32 to vector<960x960xf32>
    %div3A_142 = arith.divf %dot_general3A_139, %div3A_141 : vector<960x960xf32>
    %jit3A_143 = arith.constant -1.000000e+30 : f32
    %broadcast_in_dim3A_144 = vector.broadcast %jit3A_143 : f32 to vector<960x960xf32>
    %select_n3A_145 = arith.select %eq3A_123, %div3A_142, %broadcast_in_dim3A_144 : vector<960x960xi1>, vector<960x960xf32>
    %reduce_max3A_146 = arith.constant dense<0xFF800000> : vector<960xf32>
    %reduce_max3A_147 = vector.multi_reduction <maximumf>, %select_n3A_145, %reduce_max3A_146 [1] : vector<960x960xf32> to vector<960xf32>
    %broadcast_in_dim3A_148 = vector.shape_cast %reduce_max3A_147 : vector<960xf32> to vector<960x1xf32>
    %sub3A_149 = vector.broadcast %broadcast_in_dim3A_148 : vector<960x1xf32> to vector<960x960xf32>
    %sub3A_150 = arith.subf %select_n3A_145, %sub3A_149 : vector<960x960xf32>
    %exp3A_151 = math.exp %sub3A_150 : vector<960x960xf32>
    %reduce_sum3A_152 = arith.constant dense<0.000000e+00> : vector<960xf32>
    %reduce_sum3A_153 = vector.multi_reduction <add>, %exp3A_151, %reduce_sum3A_152 [1] : vector<960x960xf32> to vector<960xf32>
    %broadcast_in_dim3A_154 = vector.shape_cast %reduce_sum3A_153 : vector<960xf32> to vector<960x1xf32>
    %log3A_155 = math.log %broadcast_in_dim3A_154 : vector<960x1xf32>
    %add3A_156 = arith.addf %log3A_155, %broadcast_in_dim3A_148 : vector<960x1xf32>
    %iota3A_157 = tpu.iota {dimensions = array<i32: 0>} : vector<960x960xi32>
    %iota3A_158 = tpu.iota {dimensions = array<i32: 1>} : vector<960x960xi32>
    %eq3A_159 = arith.cmpi eq, %iota3A_157, %iota3A_158 : vector<960x960xi32>
    %jit3A_160 = arith.constant 0.000000e+00 : f32
    %broadcast_in_dim3A_161 = vector.broadcast %jit3A_160 : f32 to vector<960x960xf32>
    %select_n3A_162 = arith.select %eq3A_159, %div3A_142, %broadcast_in_dim3A_161 : vector<960x960xi1>, vector<960x960xf32>
    %reduce_sum3A_163 = arith.constant dense<0.000000e+00> : vector<960xf32>
    %reduce_sum3A_164 = vector.multi_reduction <add>, %select_n3A_162, %reduce_sum3A_163 [1] : vector<960x960xf32> to vector<960xf32>
    %broadcast_in_dim3A_165 = vector.shape_cast %reduce_sum3A_164 : vector<960xf32> to vector<960x1xf32>
    %sub3A_166 = arith.subf %add3A_156, %broadcast_in_dim3A_165 : vector<960x1xf32>
    %iota3A_167 = tpu.iota {dimensions = array<i32: 0>} : vector<960x1xi32>
    %rem3A_168 = arith.constant 48 : i32
    %rem3A_169 = vector.broadcast %rem3A_168 : i32 to vector<960x1xi32>
    %rem3A_170 = arith.remsi %iota3A_167, %rem3A_169 : vector<960x1xi32>
    %lt3A = vector.broadcast %select_n3A_108 : i32 to vector<960x1xi32>
    %lt3A_171 = arith.cmpi slt, %rem3A_170, %lt3A : vector<960x1xi32>
    %jit3A_172 = arith.constant 0.000000e+00 : f32
    %broadcast_in_dim3A_173 = vector.broadcast %jit3A_172 : f32 to vector<960x1xf32>
    %select_n3A_174 = arith.select %lt3A_171, %sub3A_166, %broadcast_in_dim3A_173 : vector<960x1xi1>, vector<960x1xf32>
    %reduce_sum3A_175 = vector.shape_cast %select_n3A_174 : vector<960x1xf32> to vector<1x960x1xf32>
    %reduce_sum3A_176 = arith.constant dense<0.000000e+00> : vector<1xf32>
    %reduce_sum3A_177 = vector.multi_reduction <add>, %reduce_sum3A_175, %reduce_sum3A_176 [1, 2] : vector<1x960x1xf32> to vector<1xf32>
    %reduce_sum3A_178 = vector.shape_cast %reduce_sum3A_177 : vector<1xf32> to vector<1x1x1xf32>
    %reduce_sum3A_179 = vector.extract %reduce_sum3A_178[0, 0, 0] : f32 from vector<1x1x1xf32>
    %convert_element_type3A = arith.sitofp %select_n3A_108 : i32 to f32
    %mul3A_180 = arith.constant 2.000000e+01 : f32
    %mul3A_181 = arith.mulf %mul3A_180, %convert_element_type3A : f32
    %div3A_182 = arith.divf %reduce_sum3A_179, %mul3A_181 : f32
    %div3A_183 = arith.constant 4.000000e+00 : f32
    %div3A_184 = arith.divf %div3A_182, %div3A_183 : f32
    %add3A_185 = arith.addf %add3A_79, %div3A_184 : f32
    %get3A_186 = arith.constant 1 : index
    %get3A_187 = arith.constant 0 : index
    %get3A_188 = arith.constant 0 : index
    %get3A_189 = vector.load %arg5[%get3A_186, %get3A_187, %get3A_188] : memref<4x20x4096xf32, #tpu.memory_space<vmem>>, vector<1x20x4096xf32>
    %get3A_190 = vector.shape_cast %get3A_189 : vector<1x20x4096xf32> to vector<20x4096xf32>
    %reduce_max3A_191 = arith.constant dense<0xFF800000> : vector<4096xf32>
    %reduce_max3A_192 = vector.multi_reduction <maximumf>, %get3A_190, %reduce_max3A_191 [0] : vector<20x4096xf32> to vector<4096xf32>
    %broadcast_in_dim3A_193 = vector.shape_cast %reduce_max3A_192 : vector<4096xf32> to vector<1x4096xf32>
    %sub3A_194 = vector.broadcast %broadcast_in_dim3A_193 : vector<1x4096xf32> to vector<20x4096xf32>
    %sub3A_195 = arith.subf %get3A_190, %sub3A_194 : vector<20x4096xf32>
    %exp3A_196 = math.exp %sub3A_195 : vector<20x4096xf32>
    %reduce_sum3A_197 = arith.constant dense<0.000000e+00> : vector<4096xf32>
    %reduce_sum3A_198 = vector.multi_reduction <add>, %exp3A_196, %reduce_sum3A_197 [0] : vector<20x4096xf32> to vector<4096xf32>
    %broadcast_in_dim3A_199 = vector.shape_cast %reduce_sum3A_198 : vector<4096xf32> to vector<1x4096xf32>
    %log3A_200 = math.log %broadcast_in_dim3A_199 : vector<1x4096xf32>
    %add3A_201 = arith.addf %log3A_200, %broadcast_in_dim3A_193 : vector<1x4096xf32>
    %get3A_202 = arith.constant 1 : index
    %get3A_203 = arith.constant 0 : index
    %get3A_204 = vector.load %arg6[%get3A_202, %get3A_203] : memref<4x4096xi32, #tpu.memory_space<vmem>>, vector<1x4096xi32>
    %iota3A_205 = tpu.iota {dimensions = array<i32: 0>} : vector<20x4096xi32>
    %eq3A_206 = vector.broadcast %get3A_204 : vector<1x4096xi32> to vector<20x4096xi32>
    %eq3A_207 = arith.cmpi eq, %iota3A_205, %eq3A_206 : vector<20x4096xi32>
    %jit3A_208 = arith.constant 0.000000e+00 : f32
    %broadcast_in_dim3A_209 = vector.broadcast %jit3A_208 : f32 to vector<20x4096xf32>
    %select_n3A_210 = arith.select %eq3A_207, %get3A_190, %broadcast_in_dim3A_209 : vector<20x4096xi1>, vector<20x4096xf32>
    %reduce_sum3A_211 = arith.constant dense<0.000000e+00> : vector<4096xf32>
    %reduce_sum3A_212 = vector.multi_reduction <add>, %select_n3A_210, %reduce_sum3A_211 [0] : vector<20x4096xf32> to vector<4096xf32>
    %broadcast_in_dim3A_213 = vector.shape_cast %reduce_sum3A_212 : vector<4096xf32> to vector<1x4096xf32>
    %sub3A_214 = arith.subf %add3A_201, %broadcast_in_dim3A_213 : vector<1x4096xf32>
    %reduce_sum3A_215 = vector.shape_cast %sub3A_214 : vector<1x4096xf32> to vector<1x1x4096xf32>
    %reduce_sum3A_216 = arith.constant dense<0.000000e+00> : vector<1xf32>
    %reduce_sum3A_217 = vector.multi_reduction <add>, %reduce_sum3A_215, %reduce_sum3A_216 [1, 2] : vector<1x1x4096xf32> to vector<1xf32>
    %reduce_sum3A_218 = vector.shape_cast %reduce_sum3A_217 : vector<1xf32> to vector<1x1x1xf32>
    %reduce_sum3A_219 = vector.extract %reduce_sum3A_218[0, 0, 0] : f32 from vector<1x1x1xf32>
    %mul3A_220 = arith.constant 2.000000e-02 : f32
    %mul3A_221 = arith.mulf %mul3A_220, %reduce_sum3A_219 : f32
    %div3A_222 = arith.constant 1.638400e+04 : f32
    %div3A_223 = arith.divf %mul3A_221, %div3A_222 : f32
    %add3A_224 = arith.addf %add3A_185, %div3A_223 : f32
    %get3A_225 = arith.constant 1024 : index
    %get3A_226 = arith.constant 0 : index
    %get3A_227 = vector.load %arg0[%get3A_225, %get3A_226] : memref<4096x64xf32, #tpu.memory_space<vmem>>, vector<1024x64xf32>
    %get3A_228 = arith.constant 1024 : index
    %get3A_229 = arith.constant 0 : index
    %get3A_230 = vector.load %arg1[%get3A_228, %get3A_229] : memref<4096x64xf32, #tpu.memory_space<vmem>>, vector<1024x64xf32>
    %mul3A_231 = arith.mulf %get3A_227, %get3A_227 : vector<1024x64xf32>
    %reduce_sum3A_232 = arith.constant dense<0.000000e+00> : vector<1024xf32>
    %reduce_sum3A_233 = vector.multi_reduction <add>, %mul3A_231, %reduce_sum3A_232 [1] : vector<1024x64xf32> to vector<1024xf32>
    %broadcast_in_dim3A_234 = vector.shape_cast %reduce_sum3A_233 : vector<1024xf32> to vector<1024x1xf32>
    %sqrt3A_235 = math.sqrt %broadcast_in_dim3A_234 : vector<1024x1xf32>
    %div3A_236 = vector.broadcast %sqrt3A_235 : vector<1024x1xf32> to vector<1024x64xf32>
    %div3A_237 = arith.divf %get3A_227, %div3A_236 : vector<1024x64xf32>
    %mul3A_238 = arith.mulf %get3A_230, %get3A_230 : vector<1024x64xf32>
    %reduce_sum3A_239 = arith.constant dense<0.000000e+00> : vector<1024xf32>
    %reduce_sum3A_240 = vector.multi_reduction <add>, %mul3A_238, %reduce_sum3A_239 [1] : vector<1024x64xf32> to vector<1024xf32>
    %broadcast_in_dim3A_241 = vector.shape_cast %reduce_sum3A_240 : vector<1024xf32> to vector<1024x1xf32>
    %sqrt3A_242 = math.sqrt %broadcast_in_dim3A_241 : vector<1024x1xf32>
    %div3A_243 = vector.broadcast %sqrt3A_242 : vector<1024x1xf32> to vector<1024x64xf32>
    %div3A_244 = arith.divf %get3A_230, %div3A_243 : vector<1024x64xf32>
    %dot_general3A_245 = arith.constant dense<0.000000e+00> : vector<1024x1024xf32>
    %dot_general3A_246 = tpu.matmul %div3A_237, %div3A_244, %dot_general3A_245 {dimension_numbers = #tpu.dot_dimension_numbers<[1], [1], [0], [0], [0, 0, 1, 0], [], []>, transpose_lhs_hint = false} : vector<1024x64xf32>, vector<1024x64xf32>, vector<1024x1024xf32> -> vector<1024x1024xf32>
    %div3A_247 = arith.constant 7.000000e-02 : f32
    %div3A_248 = vector.broadcast %div3A_247 : f32 to vector<1024x1024xf32>
    %div3A_249 = arith.divf %dot_general3A_246, %div3A_248 : vector<1024x1024xf32>
    %reduce_max3A_250 = arith.constant dense<0xFF800000> : vector<1024xf32>
    %reduce_max3A_251 = vector.multi_reduction <maximumf>, %div3A_249, %reduce_max3A_250 [1] : vector<1024x1024xf32> to vector<1024xf32>
    %broadcast_in_dim3A_252 = vector.shape_cast %reduce_max3A_251 : vector<1024xf32> to vector<1024x1xf32>
    %sub3A_253 = vector.broadcast %broadcast_in_dim3A_252 : vector<1024x1xf32> to vector<1024x1024xf32>
    %sub3A_254 = arith.subf %div3A_249, %sub3A_253 : vector<1024x1024xf32>
    %exp3A_255 = math.exp %sub3A_254 : vector<1024x1024xf32>
    %reduce_sum3A_256 = arith.constant dense<0.000000e+00> : vector<1024xf32>
    %reduce_sum3A_257 = vector.multi_reduction <add>, %exp3A_255, %reduce_sum3A_256 [1] : vector<1024x1024xf32> to vector<1024xf32>
    %broadcast_in_dim3A_258 = vector.shape_cast %reduce_sum3A_257 : vector<1024xf32> to vector<1024x1xf32>
    %log3A_259 = math.log %broadcast_in_dim3A_258 : vector<1024x1xf32>
    %add3A_260 = arith.addf %log3A_259, %broadcast_in_dim3A_252 : vector<1024x1xf32>
    %iota3A_261 = tpu.iota {dimensions = array<i32: 0>} : vector<1024x1024xi32>
    %iota3A_262 = tpu.iota {dimensions = array<i32: 1>} : vector<1024x1024xi32>
    %eq3A_263 = arith.cmpi eq, %iota3A_261, %iota3A_262 : vector<1024x1024xi32>
    %jit3A_264 = arith.constant 0.000000e+00 : f32
    %broadcast_in_dim3A_265 = vector.broadcast %jit3A_264 : f32 to vector<1024x1024xf32>
    %select_n3A_266 = arith.select %eq3A_263, %div3A_249, %broadcast_in_dim3A_265 : vector<1024x1024xi1>, vector<1024x1024xf32>
    %reduce_sum3A_267 = arith.constant dense<0.000000e+00> : vector<1024xf32>
    %reduce_sum3A_268 = vector.multi_reduction <add>, %select_n3A_266, %reduce_sum3A_267 [1] : vector<1024x1024xf32> to vector<1024xf32>
    %broadcast_in_dim3A_269 = vector.shape_cast %reduce_sum3A_268 : vector<1024xf32> to vector<1024x1xf32>
    %sub3A_270 = arith.subf %add3A_260, %broadcast_in_dim3A_269 : vector<1024x1xf32>
    %reduce_sum3A_271 = vector.shape_cast %sub3A_270 : vector<1024x1xf32> to vector<1x1024x1xf32>
    %reduce_sum3A_272 = arith.constant dense<0.000000e+00> : vector<1xf32>
    %reduce_sum3A_273 = vector.multi_reduction <add>, %reduce_sum3A_271, %reduce_sum3A_272 [1, 2] : vector<1x1024x1xf32> to vector<1xf32>
    %reduce_sum3A_274 = vector.shape_cast %reduce_sum3A_273 : vector<1xf32> to vector<1x1x1xf32>
    %reduce_sum3A_275 = vector.extract %reduce_sum3A_274[0, 0, 0] : f32 from vector<1x1x1xf32>
    %mul3A_276 = arith.constant 1.000000e-01 : f32
    %mul3A_277 = arith.mulf %mul3A_276, %reduce_sum3A_275 : f32
    %div3A_278 = arith.constant 4.096000e+03 : f32
    %div3A_279 = arith.divf %mul3A_277, %div3A_278 : f32
    %add3A_280 = arith.addf %add3A_224, %div3A_279 : f32
    %get3A_281 = arith.constant 1 : index
    %get3A_282 = arith.constant 0 : index
    %get3A_283 = arith.constant 0 : index
    %get3A_284 = vector.load %arg4[%get3A_281, %get3A_282, %get3A_283] : memref<4x20x16xi32, #tpu.memory_space<vmem>>, vector<1x20x16xi32>
    %get3A_285 = vector.shape_cast %get3A_284 : vector<1x20x16xi32> to vector<20x16xi32>
    %reduce_min3A_286 = vector.shape_cast %get3A_285 : vector<20x16xi32> to vector<1x20x16xi32>
    %reduce_min3A_287 = arith.constant dense<2147483647> : vector<1xi32>
    %reduce_min3A_288 = vector.multi_reduction <minsi>, %reduce_min3A_286, %reduce_min3A_287 [1, 2] : vector<1x20x16xi32> to vector<1xi32>
    %reduce_min3A_289 = vector.shape_cast %reduce_min3A_288 : vector<1xi32> to vector<1x1x1xi32>
    %reduce_min3A_290 = vector.extract %reduce_min3A_289[0, 0, 0] : i32 from vector<1x1x1xi32>
    %jit3A_291 = arith.constant 3 : i32
    %div3A_292 = arith.divsi %reduce_min3A_290, %jit3A_291 : i32
    %sign3A_293 = arith.constant 0 : i32
    %sign3A_294 = arith.cmpi sgt, %reduce_min3A_290, %sign3A_293 : i32
    %sign3A_295 = arith.extui %sign3A_294 : i1 to i32
    %sign3A_296 = arith.constant 0 : i32
    %sign3A_297 = arith.cmpi slt, %reduce_min3A_290, %sign3A_296 : i32
    %sign3A_298 = arith.extui %sign3A_297 : i1 to i32
    %sign3A_299 = arith.subi %sign3A_295, %sign3A_298 : i32
    %sign3A_300 = arith.constant 0 : i32
    %sign3A_301 = arith.cmpi sgt, %jit3A_291, %sign3A_300 : i32
    %sign3A_302 = arith.extui %sign3A_301 : i1 to i32
    %sign3A_303 = arith.constant 0 : i32
    %sign3A_304 = arith.cmpi slt, %jit3A_291, %sign3A_303 : i32
    %sign3A_305 = arith.extui %sign3A_304 : i1 to i32
    %sign3A_306 = arith.subi %sign3A_302, %sign3A_305 : i32
    %ne3A_307 = arith.cmpi ne, %sign3A_299, %sign3A_306 : i32
    %rem3A_308 = arith.remsi %reduce_min3A_290, %jit3A_291 : i32
    %ne3A_309 = arith.constant 0 : i32
    %ne3A_310 = arith.cmpi ne, %rem3A_308, %ne3A_309 : i32
    %and3A_311 = arith.andi %ne3A_307, %ne3A_310 : i1
    %sub3A_312 = arith.constant 1 : i32
    %sub3A_313 = arith.subi %div3A_292, %sub3A_312 : i32
    %select_n3A_314 = arith.select %and3A_311, %sub3A_313, %div3A_292 : i32
    %get3A_315 = arith.constant 960 : index
    %get3A_316 = arith.constant 0 : index
    %get3A_317 = vector.load %arg2[%get3A_315, %get3A_316] : memref<3840x64xf32, #tpu.memory_space<vmem>>, vector<960x64xf32>
    %get3A_318 = arith.constant 960 : index
    %get3A_319 = arith.constant 0 : index
    %get3A_320 = vector.load %arg3[%get3A_318, %get3A_319] : memref<3840x64xf32, #tpu.memory_space<vmem>>, vector<960x64xf32>
    %iota3A_321 = tpu.iota {dimensions = array<i32: 0>} : vector<960x960xi32>
    %iota3A_322 = tpu.iota {dimensions = array<i32: 1>} : vector<960x960xi32>
    %rem3A_323 = arith.constant 48 : i32
    %rem3A_324 = vector.broadcast %rem3A_323 : i32 to vector<960x960xi32>
    %rem3A_325 = arith.remsi %iota3A_321, %rem3A_324 : vector<960x960xi32>
    %rem3A_326 = arith.constant 48 : i32
    %rem3A_327 = vector.broadcast %rem3A_326 : i32 to vector<960x960xi32>
    %rem3A_328 = arith.remsi %iota3A_322, %rem3A_327 : vector<960x960xi32>
    %eq3A_329 = arith.cmpi eq, %rem3A_325, %rem3A_328 : vector<960x960xi32>
    %mul3A_330 = arith.mulf %get3A_317, %get3A_317 : vector<960x64xf32>
    %reduce_sum3A_331 = arith.constant dense<0.000000e+00> : vector<960xf32>
    %reduce_sum3A_332 = vector.multi_reduction <add>, %mul3A_330, %reduce_sum3A_331 [1] : vector<960x64xf32> to vector<960xf32>
    %broadcast_in_dim3A_333 = vector.shape_cast %reduce_sum3A_332 : vector<960xf32> to vector<960x1xf32>
    %sqrt3A_334 = math.sqrt %broadcast_in_dim3A_333 : vector<960x1xf32>
    %div3A_335 = vector.broadcast %sqrt3A_334 : vector<960x1xf32> to vector<960x64xf32>
    %div3A_336 = arith.divf %get3A_317, %div3A_335 : vector<960x64xf32>
    %mul3A_337 = arith.mulf %get3A_320, %get3A_320 : vector<960x64xf32>
    %reduce_sum3A_338 = arith.constant dense<0.000000e+00> : vector<960xf32>
    %reduce_sum3A_339 = vector.multi_reduction <add>, %mul3A_337, %reduce_sum3A_338 [1] : vector<960x64xf32> to vector<960xf32>
    %broadcast_in_dim3A_340 = vector.shape_cast %reduce_sum3A_339 : vector<960xf32> to vector<960x1xf32>
    %sqrt3A_341 = math.sqrt %broadcast_in_dim3A_340 : vector<960x1xf32>
    %div3A_342 = vector.broadcast %sqrt3A_341 : vector<960x1xf32> to vector<960x64xf32>
    %div3A_343 = arith.divf %get3A_320, %div3A_342 : vector<960x64xf32>
    %dot_general3A_344 = arith.constant dense<0.000000e+00> : vector<960x960xf32>
    %dot_general3A_345 = tpu.matmul %div3A_336, %div3A_343, %dot_general3A_344 {dimension_numbers = #tpu.dot_dimension_numbers<[1], [1], [0], [0], [0, 0, 1, 0], [], []>, transpose_lhs_hint = false} : vector<960x64xf32>, vector<960x64xf32>, vector<960x960xf32> -> vector<960x960xf32>
    %div3A_346 = arith.constant 7.000000e-02 : f32
    %div3A_347 = vector.broadcast %div3A_346 : f32 to vector<960x960xf32>
    %div3A_348 = arith.divf %dot_general3A_345, %div3A_347 : vector<960x960xf32>
    %jit3A_349 = arith.constant -1.000000e+30 : f32
    %broadcast_in_dim3A_350 = vector.broadcast %jit3A_349 : f32 to vector<960x960xf32>
    %select_n3A_351 = arith.select %eq3A_329, %div3A_348, %broadcast_in_dim3A_350 : vector<960x960xi1>, vector<960x960xf32>
    %reduce_max3A_352 = arith.constant dense<0xFF800000> : vector<960xf32>
    %reduce_max3A_353 = vector.multi_reduction <maximumf>, %select_n3A_351, %reduce_max3A_352 [1] : vector<960x960xf32> to vector<960xf32>
    %broadcast_in_dim3A_354 = vector.shape_cast %reduce_max3A_353 : vector<960xf32> to vector<960x1xf32>
    %sub3A_355 = vector.broadcast %broadcast_in_dim3A_354 : vector<960x1xf32> to vector<960x960xf32>
    %sub3A_356 = arith.subf %select_n3A_351, %sub3A_355 : vector<960x960xf32>
    %exp3A_357 = math.exp %sub3A_356 : vector<960x960xf32>
    %reduce_sum3A_358 = arith.constant dense<0.000000e+00> : vector<960xf32>
    %reduce_sum3A_359 = vector.multi_reduction <add>, %exp3A_357, %reduce_sum3A_358 [1] : vector<960x960xf32> to vector<960xf32>
    %broadcast_in_dim3A_360 = vector.shape_cast %reduce_sum3A_359 : vector<960xf32> to vector<960x1xf32>
    %log3A_361 = math.log %broadcast_in_dim3A_360 : vector<960x1xf32>
    %add3A_362 = arith.addf %log3A_361, %broadcast_in_dim3A_354 : vector<960x1xf32>
    %iota3A_363 = tpu.iota {dimensions = array<i32: 0>} : vector<960x960xi32>
    %iota3A_364 = tpu.iota {dimensions = array<i32: 1>} : vector<960x960xi32>
    %eq3A_365 = arith.cmpi eq, %iota3A_363, %iota3A_364 : vector<960x960xi32>
    %jit3A_366 = arith.constant 0.000000e+00 : f32
    %broadcast_in_dim3A_367 = vector.broadcast %jit3A_366 : f32 to vector<960x960xf32>
    %select_n3A_368 = arith.select %eq3A_365, %div3A_348, %broadcast_in_dim3A_367 : vector<960x960xi1>, vector<960x960xf32>
    %reduce_sum3A_369 = arith.constant dense<0.000000e+00> : vector<960xf32>
    %reduce_sum3A_370 = vector.multi_reduction <add>, %select_n3A_368, %reduce_sum3A_369 [1] : vector<960x960xf32> to vector<960xf32>
    %broadcast_in_dim3A_371 = vector.shape_cast %reduce_sum3A_370 : vector<960xf32> to vector<960x1xf32>
    %sub3A_372 = arith.subf %add3A_362, %broadcast_in_dim3A_371 : vector<960x1xf32>
    %iota3A_373 = tpu.iota {dimensions = array<i32: 0>} : vector<960x1xi32>
    %rem3A_374 = arith.constant 48 : i32
    %rem3A_375 = vector.broadcast %rem3A_374 : i32 to vector<960x1xi32>
    %rem3A_376 = arith.remsi %iota3A_373, %rem3A_375 : vector<960x1xi32>
    %lt3A_377 = vector.broadcast %select_n3A_314 : i32 to vector<960x1xi32>
    %lt3A_378 = arith.cmpi slt, %rem3A_376, %lt3A_377 : vector<960x1xi32>
    %jit3A_379 = arith.constant 0.000000e+00 : f32
    %broadcast_in_dim3A_380 = vector.broadcast %jit3A_379 : f32 to vector<960x1xf32>
    %select_n3A_381 = arith.select %lt3A_378, %sub3A_372, %broadcast_in_dim3A_380 : vector<960x1xi1>, vector<960x1xf32>
    %reduce_sum3A_382 = vector.shape_cast %select_n3A_381 : vector<960x1xf32> to vector<1x960x1xf32>
    %reduce_sum3A_383 = arith.constant dense<0.000000e+00> : vector<1xf32>
    %reduce_sum3A_384 = vector.multi_reduction <add>, %reduce_sum3A_382, %reduce_sum3A_383 [1, 2] : vector<1x960x1xf32> to vector<1xf32>
    %reduce_sum3A_385 = vector.shape_cast %reduce_sum3A_384 : vector<1xf32> to vector<1x1x1xf32>
    %reduce_sum3A_386 = vector.extract %reduce_sum3A_385[0, 0, 0] : f32 from vector<1x1x1xf32>
    %convert_element_type3A_387 = arith.sitofp %select_n3A_314 : i32 to f32
    %mul3A_388 = arith.constant 2.000000e+01 : f32
    %mul3A_389 = arith.mulf %mul3A_388, %convert_element_type3A_387 : f32
    %div3A_390 = arith.divf %reduce_sum3A_386, %mul3A_389 : f32
    %div3A_391 = arith.constant 4.000000e+00 : f32
    %div3A_392 = arith.divf %div3A_390, %div3A_391 : f32
    %add3A_393 = arith.addf %add3A_280, %div3A_392 : f32
    %get3A_394 = arith.constant 2 : index
    %get3A_395 = arith.constant 0 : index
    %get3A_396 = arith.constant 0 : index
    %get3A_397 = vector.load %arg5[%get3A_394, %get3A_395, %get3A_396] : memref<4x20x4096xf32, #tpu.memory_space<vmem>>, vector<1x20x4096xf32>
    %get3A_398 = vector.shape_cast %get3A_397 : vector<1x20x4096xf32> to vector<20x4096xf32>
    %reduce_max3A_399 = arith.constant dense<0xFF800000> : vector<4096xf32>
    %reduce_max3A_400 = vector.multi_reduction <maximumf>, %get3A_398, %reduce_max3A_399 [0] : vector<20x4096xf32> to vector<4096xf32>
    %broadcast_in_dim3A_401 = vector.shape_cast %reduce_max3A_400 : vector<4096xf32> to vector<1x4096xf32>
    %sub3A_402 = vector.broadcast %broadcast_in_dim3A_401 : vector<1x4096xf32> to vector<20x4096xf32>
    %sub3A_403 = arith.subf %get3A_398, %sub3A_402 : vector<20x4096xf32>
    %exp3A_404 = math.exp %sub3A_403 : vector<20x4096xf32>
    %reduce_sum3A_405 = arith.constant dense<0.000000e+00> : vector<4096xf32>
    %reduce_sum3A_406 = vector.multi_reduction <add>, %exp3A_404, %reduce_sum3A_405 [0] : vector<20x4096xf32> to vector<4096xf32>
    %broadcast_in_dim3A_407 = vector.shape_cast %reduce_sum3A_406 : vector<4096xf32> to vector<1x4096xf32>
    %log3A_408 = math.log %broadcast_in_dim3A_407 : vector<1x4096xf32>
    %add3A_409 = arith.addf %log3A_408, %broadcast_in_dim3A_401 : vector<1x4096xf32>
    %get3A_410 = arith.constant 2 : index
    %get3A_411 = arith.constant 0 : index
    %get3A_412 = vector.load %arg6[%get3A_410, %get3A_411] : memref<4x4096xi32, #tpu.memory_space<vmem>>, vector<1x4096xi32>
    %iota3A_413 = tpu.iota {dimensions = array<i32: 0>} : vector<20x4096xi32>
    %eq3A_414 = vector.broadcast %get3A_412 : vector<1x4096xi32> to vector<20x4096xi32>
    %eq3A_415 = arith.cmpi eq, %iota3A_413, %eq3A_414 : vector<20x4096xi32>
    %jit3A_416 = arith.constant 0.000000e+00 : f32
    %broadcast_in_dim3A_417 = vector.broadcast %jit3A_416 : f32 to vector<20x4096xf32>
    %select_n3A_418 = arith.select %eq3A_415, %get3A_398, %broadcast_in_dim3A_417 : vector<20x4096xi1>, vector<20x4096xf32>
    %reduce_sum3A_419 = arith.constant dense<0.000000e+00> : vector<4096xf32>
    %reduce_sum3A_420 = vector.multi_reduction <add>, %select_n3A_418, %reduce_sum3A_419 [0] : vector<20x4096xf32> to vector<4096xf32>
    %broadcast_in_dim3A_421 = vector.shape_cast %reduce_sum3A_420 : vector<4096xf32> to vector<1x4096xf32>
    %sub3A_422 = arith.subf %add3A_409, %broadcast_in_dim3A_421 : vector<1x4096xf32>
    %reduce_sum3A_423 = vector.shape_cast %sub3A_422 : vector<1x4096xf32> to vector<1x1x4096xf32>
    %reduce_sum3A_424 = arith.constant dense<0.000000e+00> : vector<1xf32>
    %reduce_sum3A_425 = vector.multi_reduction <add>, %reduce_sum3A_423, %reduce_sum3A_424 [1, 2] : vector<1x1x4096xf32> to vector<1xf32>
    %reduce_sum3A_426 = vector.shape_cast %reduce_sum3A_425 : vector<1xf32> to vector<1x1x1xf32>
    %reduce_sum3A_427 = vector.extract %reduce_sum3A_426[0, 0, 0] : f32 from vector<1x1x1xf32>
    %mul3A_428 = arith.constant 2.000000e-02 : f32
    %mul3A_429 = arith.mulf %mul3A_428, %reduce_sum3A_427 : f32
    %div3A_430 = arith.constant 1.638400e+04 : f32
    %div3A_431 = arith.divf %mul3A_429, %div3A_430 : f32
    %add3A_432 = arith.addf %add3A_393, %div3A_431 : f32
    %get3A_433 = arith.constant 2048 : index
    %get3A_434 = arith.constant 0 : index
    %get3A_435 = vector.load %arg0[%get3A_433, %get3A_434] : memref<4096x64xf32, #tpu.memory_space<vmem>>, vector<1024x64xf32>
    %get3A_436 = arith.constant 2048 : index
    %get3A_437 = arith.constant 0 : index
    %get3A_438 = vector.load %arg1[%get3A_436, %get3A_437] : memref<4096x64xf32, #tpu.memory_space<vmem>>, vector<1024x64xf32>
    %mul3A_439 = arith.mulf %get3A_435, %get3A_435 : vector<1024x64xf32>
    %reduce_sum3A_440 = arith.constant dense<0.000000e+00> : vector<1024xf32>
    %reduce_sum3A_441 = vector.multi_reduction <add>, %mul3A_439, %reduce_sum3A_440 [1] : vector<1024x64xf32> to vector<1024xf32>
    %broadcast_in_dim3A_442 = vector.shape_cast %reduce_sum3A_441 : vector<1024xf32> to vector<1024x1xf32>
    %sqrt3A_443 = math.sqrt %broadcast_in_dim3A_442 : vector<1024x1xf32>
    %div3A_444 = vector.broadcast %sqrt3A_443 : vector<1024x1xf32> to vector<1024x64xf32>
    %div3A_445 = arith.divf %get3A_435, %div3A_444 : vector<1024x64xf32>
    %mul3A_446 = arith.mulf %get3A_438, %get3A_438 : vector<1024x64xf32>
    %reduce_sum3A_447 = arith.constant dense<0.000000e+00> : vector<1024xf32>
    %reduce_sum3A_448 = vector.multi_reduction <add>, %mul3A_446, %reduce_sum3A_447 [1] : vector<1024x64xf32> to vector<1024xf32>
    %broadcast_in_dim3A_449 = vector.shape_cast %reduce_sum3A_448 : vector<1024xf32> to vector<1024x1xf32>
    %sqrt3A_450 = math.sqrt %broadcast_in_dim3A_449 : vector<1024x1xf32>
    %div3A_451 = vector.broadcast %sqrt3A_450 : vector<1024x1xf32> to vector<1024x64xf32>
    %div3A_452 = arith.divf %get3A_438, %div3A_451 : vector<1024x64xf32>
    %dot_general3A_453 = arith.constant dense<0.000000e+00> : vector<1024x1024xf32>
    %dot_general3A_454 = tpu.matmul %div3A_445, %div3A_452, %dot_general3A_453 {dimension_numbers = #tpu.dot_dimension_numbers<[1], [1], [0], [0], [0, 0, 1, 0], [], []>, transpose_lhs_hint = false} : vector<1024x64xf32>, vector<1024x64xf32>, vector<1024x1024xf32> -> vector<1024x1024xf32>
    %div3A_455 = arith.constant 7.000000e-02 : f32
    %div3A_456 = vector.broadcast %div3A_455 : f32 to vector<1024x1024xf32>
    %div3A_457 = arith.divf %dot_general3A_454, %div3A_456 : vector<1024x1024xf32>
    %reduce_max3A_458 = arith.constant dense<0xFF800000> : vector<1024xf32>
    %reduce_max3A_459 = vector.multi_reduction <maximumf>, %div3A_457, %reduce_max3A_458 [1] : vector<1024x1024xf32> to vector<1024xf32>
    %broadcast_in_dim3A_460 = vector.shape_cast %reduce_max3A_459 : vector<1024xf32> to vector<1024x1xf32>
    %sub3A_461 = vector.broadcast %broadcast_in_dim3A_460 : vector<1024x1xf32> to vector<1024x1024xf32>
    %sub3A_462 = arith.subf %div3A_457, %sub3A_461 : vector<1024x1024xf32>
    %exp3A_463 = math.exp %sub3A_462 : vector<1024x1024xf32>
    %reduce_sum3A_464 = arith.constant dense<0.000000e+00> : vector<1024xf32>
    %reduce_sum3A_465 = vector.multi_reduction <add>, %exp3A_463, %reduce_sum3A_464 [1] : vector<1024x1024xf32> to vector<1024xf32>
    %broadcast_in_dim3A_466 = vector.shape_cast %reduce_sum3A_465 : vector<1024xf32> to vector<1024x1xf32>
    %log3A_467 = math.log %broadcast_in_dim3A_466 : vector<1024x1xf32>
    %add3A_468 = arith.addf %log3A_467, %broadcast_in_dim3A_460 : vector<1024x1xf32>
    %iota3A_469 = tpu.iota {dimensions = array<i32: 0>} : vector<1024x1024xi32>
    %iota3A_470 = tpu.iota {dimensions = array<i32: 1>} : vector<1024x1024xi32>
    %eq3A_471 = arith.cmpi eq, %iota3A_469, %iota3A_470 : vector<1024x1024xi32>
    %jit3A_472 = arith.constant 0.000000e+00 : f32
    %broadcast_in_dim3A_473 = vector.broadcast %jit3A_472 : f32 to vector<1024x1024xf32>
    %select_n3A_474 = arith.select %eq3A_471, %div3A_457, %broadcast_in_dim3A_473 : vector<1024x1024xi1>, vector<1024x1024xf32>
    %reduce_sum3A_475 = arith.constant dense<0.000000e+00> : vector<1024xf32>
    %reduce_sum3A_476 = vector.multi_reduction <add>, %select_n3A_474, %reduce_sum3A_475 [1] : vector<1024x1024xf32> to vector<1024xf32>
    %broadcast_in_dim3A_477 = vector.shape_cast %reduce_sum3A_476 : vector<1024xf32> to vector<1024x1xf32>
    %sub3A_478 = arith.subf %add3A_468, %broadcast_in_dim3A_477 : vector<1024x1xf32>
    %reduce_sum3A_479 = vector.shape_cast %sub3A_478 : vector<1024x1xf32> to vector<1x1024x1xf32>
    %reduce_sum3A_480 = arith.constant dense<0.000000e+00> : vector<1xf32>
    %reduce_sum3A_481 = vector.multi_reduction <add>, %reduce_sum3A_479, %reduce_sum3A_480 [1, 2] : vector<1x1024x1xf32> to vector<1xf32>
    %reduce_sum3A_482 = vector.shape_cast %reduce_sum3A_481 : vector<1xf32> to vector<1x1x1xf32>
    %reduce_sum3A_483 = vector.extract %reduce_sum3A_482[0, 0, 0] : f32 from vector<1x1x1xf32>
    %mul3A_484 = arith.constant 1.000000e-01 : f32
    %mul3A_485 = arith.mulf %mul3A_484, %reduce_sum3A_483 : f32
    %div3A_486 = arith.constant 4.096000e+03 : f32
    %div3A_487 = arith.divf %mul3A_485, %div3A_486 : f32
    %add3A_488 = arith.addf %add3A_432, %div3A_487 : f32
    %get3A_489 = arith.constant 2 : index
    %get3A_490 = arith.constant 0 : index
    %get3A_491 = arith.constant 0 : index
    %get3A_492 = vector.load %arg4[%get3A_489, %get3A_490, %get3A_491] : memref<4x20x16xi32, #tpu.memory_space<vmem>>, vector<1x20x16xi32>
    %get3A_493 = vector.shape_cast %get3A_492 : vector<1x20x16xi32> to vector<20x16xi32>
    %reduce_min3A_494 = vector.shape_cast %get3A_493 : vector<20x16xi32> to vector<1x20x16xi32>
    %reduce_min3A_495 = arith.constant dense<2147483647> : vector<1xi32>
    %reduce_min3A_496 = vector.multi_reduction <minsi>, %reduce_min3A_494, %reduce_min3A_495 [1, 2] : vector<1x20x16xi32> to vector<1xi32>
    %reduce_min3A_497 = vector.shape_cast %reduce_min3A_496 : vector<1xi32> to vector<1x1x1xi32>
    %reduce_min3A_498 = vector.extract %reduce_min3A_497[0, 0, 0] : i32 from vector<1x1x1xi32>
    %jit3A_499 = arith.constant 3 : i32
    %div3A_500 = arith.divsi %reduce_min3A_498, %jit3A_499 : i32
    %sign3A_501 = arith.constant 0 : i32
    %sign3A_502 = arith.cmpi sgt, %reduce_min3A_498, %sign3A_501 : i32
    %sign3A_503 = arith.extui %sign3A_502 : i1 to i32
    %sign3A_504 = arith.constant 0 : i32
    %sign3A_505 = arith.cmpi slt, %reduce_min3A_498, %sign3A_504 : i32
    %sign3A_506 = arith.extui %sign3A_505 : i1 to i32
    %sign3A_507 = arith.subi %sign3A_503, %sign3A_506 : i32
    %sign3A_508 = arith.constant 0 : i32
    %sign3A_509 = arith.cmpi sgt, %jit3A_499, %sign3A_508 : i32
    %sign3A_510 = arith.extui %sign3A_509 : i1 to i32
    %sign3A_511 = arith.constant 0 : i32
    %sign3A_512 = arith.cmpi slt, %jit3A_499, %sign3A_511 : i32
    %sign3A_513 = arith.extui %sign3A_512 : i1 to i32
    %sign3A_514 = arith.subi %sign3A_510, %sign3A_513 : i32
    %ne3A_515 = arith.cmpi ne, %sign3A_507, %sign3A_514 : i32
    %rem3A_516 = arith.remsi %reduce_min3A_498, %jit3A_499 : i32
    %ne3A_517 = arith.constant 0 : i32
    %ne3A_518 = arith.cmpi ne, %rem3A_516, %ne3A_517 : i32
    %and3A_519 = arith.andi %ne3A_515, %ne3A_518 : i1
    %sub3A_520 = arith.constant 1 : i32
    %sub3A_521 = arith.subi %div3A_500, %sub3A_520 : i32
    %select_n3A_522 = arith.select %and3A_519, %sub3A_521, %div3A_500 : i32
    %get3A_523 = arith.constant 1920 : index
    %get3A_524 = arith.constant 0 : index
    %get3A_525 = vector.load %arg2[%get3A_523, %get3A_524] : memref<3840x64xf32, #tpu.memory_space<vmem>>, vector<960x64xf32>
    %get3A_526 = arith.constant 1920 : index
    %get3A_527 = arith.constant 0 : index
    %get3A_528 = vector.load %arg3[%get3A_526, %get3A_527] : memref<3840x64xf32, #tpu.memory_space<vmem>>, vector<960x64xf32>
    %iota3A_529 = tpu.iota {dimensions = array<i32: 0>} : vector<960x960xi32>
    %iota3A_530 = tpu.iota {dimensions = array<i32: 1>} : vector<960x960xi32>
    %rem3A_531 = arith.constant 48 : i32
    %rem3A_532 = vector.broadcast %rem3A_531 : i32 to vector<960x960xi32>
    %rem3A_533 = arith.remsi %iota3A_529, %rem3A_532 : vector<960x960xi32>
    %rem3A_534 = arith.constant 48 : i32
    %rem3A_535 = vector.broadcast %rem3A_534 : i32 to vector<960x960xi32>
    %rem3A_536 = arith.remsi %iota3A_530, %rem3A_535 : vector<960x960xi32>
    %eq3A_537 = arith.cmpi eq, %rem3A_533, %rem3A_536 : vector<960x960xi32>
    %mul3A_538 = arith.mulf %get3A_525, %get3A_525 : vector<960x64xf32>
    %reduce_sum3A_539 = arith.constant dense<0.000000e+00> : vector<960xf32>
    %reduce_sum3A_540 = vector.multi_reduction <add>, %mul3A_538, %reduce_sum3A_539 [1] : vector<960x64xf32> to vector<960xf32>
    %broadcast_in_dim3A_541 = vector.shape_cast %reduce_sum3A_540 : vector<960xf32> to vector<960x1xf32>
    %sqrt3A_542 = math.sqrt %broadcast_in_dim3A_541 : vector<960x1xf32>
    %div3A_543 = vector.broadcast %sqrt3A_542 : vector<960x1xf32> to vector<960x64xf32>
    %div3A_544 = arith.divf %get3A_525, %div3A_543 : vector<960x64xf32>
    %mul3A_545 = arith.mulf %get3A_528, %get3A_528 : vector<960x64xf32>
    %reduce_sum3A_546 = arith.constant dense<0.000000e+00> : vector<960xf32>
    %reduce_sum3A_547 = vector.multi_reduction <add>, %mul3A_545, %reduce_sum3A_546 [1] : vector<960x64xf32> to vector<960xf32>
    %broadcast_in_dim3A_548 = vector.shape_cast %reduce_sum3A_547 : vector<960xf32> to vector<960x1xf32>
    %sqrt3A_549 = math.sqrt %broadcast_in_dim3A_548 : vector<960x1xf32>
    %div3A_550 = vector.broadcast %sqrt3A_549 : vector<960x1xf32> to vector<960x64xf32>
    %div3A_551 = arith.divf %get3A_528, %div3A_550 : vector<960x64xf32>
    %dot_general3A_552 = arith.constant dense<0.000000e+00> : vector<960x960xf32>
    %dot_general3A_553 = tpu.matmul %div3A_544, %div3A_551, %dot_general3A_552 {dimension_numbers = #tpu.dot_dimension_numbers<[1], [1], [0], [0], [0, 0, 1, 0], [], []>, transpose_lhs_hint = false} : vector<960x64xf32>, vector<960x64xf32>, vector<960x960xf32> -> vector<960x960xf32>
    %div3A_554 = arith.constant 7.000000e-02 : f32
    %div3A_555 = vector.broadcast %div3A_554 : f32 to vector<960x960xf32>
    %div3A_556 = arith.divf %dot_general3A_553, %div3A_555 : vector<960x960xf32>
    %jit3A_557 = arith.constant -1.000000e+30 : f32
    %broadcast_in_dim3A_558 = vector.broadcast %jit3A_557 : f32 to vector<960x960xf32>
    %select_n3A_559 = arith.select %eq3A_537, %div3A_556, %broadcast_in_dim3A_558 : vector<960x960xi1>, vector<960x960xf32>
    %reduce_max3A_560 = arith.constant dense<0xFF800000> : vector<960xf32>
    %reduce_max3A_561 = vector.multi_reduction <maximumf>, %select_n3A_559, %reduce_max3A_560 [1] : vector<960x960xf32> to vector<960xf32>
    %broadcast_in_dim3A_562 = vector.shape_cast %reduce_max3A_561 : vector<960xf32> to vector<960x1xf32>
    %sub3A_563 = vector.broadcast %broadcast_in_dim3A_562 : vector<960x1xf32> to vector<960x960xf32>
    %sub3A_564 = arith.subf %select_n3A_559, %sub3A_563 : vector<960x960xf32>
    %exp3A_565 = math.exp %sub3A_564 : vector<960x960xf32>
    %reduce_sum3A_566 = arith.constant dense<0.000000e+00> : vector<960xf32>
    %reduce_sum3A_567 = vector.multi_reduction <add>, %exp3A_565, %reduce_sum3A_566 [1] : vector<960x960xf32> to vector<960xf32>
    %broadcast_in_dim3A_568 = vector.shape_cast %reduce_sum3A_567 : vector<960xf32> to vector<960x1xf32>
    %log3A_569 = math.log %broadcast_in_dim3A_568 : vector<960x1xf32>
    %add3A_570 = arith.addf %log3A_569, %broadcast_in_dim3A_562 : vector<960x1xf32>
    %iota3A_571 = tpu.iota {dimensions = array<i32: 0>} : vector<960x960xi32>
    %iota3A_572 = tpu.iota {dimensions = array<i32: 1>} : vector<960x960xi32>
    %eq3A_573 = arith.cmpi eq, %iota3A_571, %iota3A_572 : vector<960x960xi32>
    %jit3A_574 = arith.constant 0.000000e+00 : f32
    %broadcast_in_dim3A_575 = vector.broadcast %jit3A_574 : f32 to vector<960x960xf32>
    %select_n3A_576 = arith.select %eq3A_573, %div3A_556, %broadcast_in_dim3A_575 : vector<960x960xi1>, vector<960x960xf32>
    %reduce_sum3A_577 = arith.constant dense<0.000000e+00> : vector<960xf32>
    %reduce_sum3A_578 = vector.multi_reduction <add>, %select_n3A_576, %reduce_sum3A_577 [1] : vector<960x960xf32> to vector<960xf32>
    %broadcast_in_dim3A_579 = vector.shape_cast %reduce_sum3A_578 : vector<960xf32> to vector<960x1xf32>
    %sub3A_580 = arith.subf %add3A_570, %broadcast_in_dim3A_579 : vector<960x1xf32>
    %iota3A_581 = tpu.iota {dimensions = array<i32: 0>} : vector<960x1xi32>
    %rem3A_582 = arith.constant 48 : i32
    %rem3A_583 = vector.broadcast %rem3A_582 : i32 to vector<960x1xi32>
    %rem3A_584 = arith.remsi %iota3A_581, %rem3A_583 : vector<960x1xi32>
    %lt3A_585 = vector.broadcast %select_n3A_522 : i32 to vector<960x1xi32>
    %lt3A_586 = arith.cmpi slt, %rem3A_584, %lt3A_585 : vector<960x1xi32>
    %jit3A_587 = arith.constant 0.000000e+00 : f32
    %broadcast_in_dim3A_588 = vector.broadcast %jit3A_587 : f32 to vector<960x1xf32>
    %select_n3A_589 = arith.select %lt3A_586, %sub3A_580, %broadcast_in_dim3A_588 : vector<960x1xi1>, vector<960x1xf32>
    %reduce_sum3A_590 = vector.shape_cast %select_n3A_589 : vector<960x1xf32> to vector<1x960x1xf32>
    %reduce_sum3A_591 = arith.constant dense<0.000000e+00> : vector<1xf32>
    %reduce_sum3A_592 = vector.multi_reduction <add>, %reduce_sum3A_590, %reduce_sum3A_591 [1, 2] : vector<1x960x1xf32> to vector<1xf32>
    %reduce_sum3A_593 = vector.shape_cast %reduce_sum3A_592 : vector<1xf32> to vector<1x1x1xf32>
    %reduce_sum3A_594 = vector.extract %reduce_sum3A_593[0, 0, 0] : f32 from vector<1x1x1xf32>
    %convert_element_type3A_595 = arith.sitofp %select_n3A_522 : i32 to f32
    %mul3A_596 = arith.constant 2.000000e+01 : f32
    %mul3A_597 = arith.mulf %mul3A_596, %convert_element_type3A_595 : f32
    %div3A_598 = arith.divf %reduce_sum3A_594, %mul3A_597 : f32
    %div3A_599 = arith.constant 4.000000e+00 : f32
    %div3A_600 = arith.divf %div3A_598, %div3A_599 : f32
    %add3A_601 = arith.addf %add3A_488, %div3A_600 : f32
    %get3A_602 = arith.constant 3 : index
    %get3A_603 = arith.constant 0 : index
    %get3A_604 = arith.constant 0 : index
    %get3A_605 = vector.load %arg5[%get3A_602, %get3A_603, %get3A_604] : memref<4x20x4096xf32, #tpu.memory_space<vmem>>, vector<1x20x4096xf32>
    %get3A_606 = vector.shape_cast %get3A_605 : vector<1x20x4096xf32> to vector<20x4096xf32>
    %reduce_max3A_607 = arith.constant dense<0xFF800000> : vector<4096xf32>
    %reduce_max3A_608 = vector.multi_reduction <maximumf>, %get3A_606, %reduce_max3A_607 [0] : vector<20x4096xf32> to vector<4096xf32>
    %broadcast_in_dim3A_609 = vector.shape_cast %reduce_max3A_608 : vector<4096xf32> to vector<1x4096xf32>
    %sub3A_610 = vector.broadcast %broadcast_in_dim3A_609 : vector<1x4096xf32> to vector<20x4096xf32>
    %sub3A_611 = arith.subf %get3A_606, %sub3A_610 : vector<20x4096xf32>
    %exp3A_612 = math.exp %sub3A_611 : vector<20x4096xf32>
    %reduce_sum3A_613 = arith.constant dense<0.000000e+00> : vector<4096xf32>
    %reduce_sum3A_614 = vector.multi_reduction <add>, %exp3A_612, %reduce_sum3A_613 [0] : vector<20x4096xf32> to vector<4096xf32>
    %broadcast_in_dim3A_615 = vector.shape_cast %reduce_sum3A_614 : vector<4096xf32> to vector<1x4096xf32>
    %log3A_616 = math.log %broadcast_in_dim3A_615 : vector<1x4096xf32>
    %add3A_617 = arith.addf %log3A_616, %broadcast_in_dim3A_609 : vector<1x4096xf32>
    %get3A_618 = arith.constant 3 : index
    %get3A_619 = arith.constant 0 : index
    %get3A_620 = vector.load %arg6[%get3A_618, %get3A_619] : memref<4x4096xi32, #tpu.memory_space<vmem>>, vector<1x4096xi32>
    %iota3A_621 = tpu.iota {dimensions = array<i32: 0>} : vector<20x4096xi32>
    %eq3A_622 = vector.broadcast %get3A_620 : vector<1x4096xi32> to vector<20x4096xi32>
    %eq3A_623 = arith.cmpi eq, %iota3A_621, %eq3A_622 : vector<20x4096xi32>
    %jit3A_624 = arith.constant 0.000000e+00 : f32
    %broadcast_in_dim3A_625 = vector.broadcast %jit3A_624 : f32 to vector<20x4096xf32>
    %select_n3A_626 = arith.select %eq3A_623, %get3A_606, %broadcast_in_dim3A_625 : vector<20x4096xi1>, vector<20x4096xf32>
    %reduce_sum3A_627 = arith.constant dense<0.000000e+00> : vector<4096xf32>
    %reduce_sum3A_628 = vector.multi_reduction <add>, %select_n3A_626, %reduce_sum3A_627 [0] : vector<20x4096xf32> to vector<4096xf32>
    %broadcast_in_dim3A_629 = vector.shape_cast %reduce_sum3A_628 : vector<4096xf32> to vector<1x4096xf32>
    %sub3A_630 = arith.subf %add3A_617, %broadcast_in_dim3A_629 : vector<1x4096xf32>
    %reduce_sum3A_631 = vector.shape_cast %sub3A_630 : vector<1x4096xf32> to vector<1x1x4096xf32>
    %reduce_sum3A_632 = arith.constant dense<0.000000e+00> : vector<1xf32>
    %reduce_sum3A_633 = vector.multi_reduction <add>, %reduce_sum3A_631, %reduce_sum3A_632 [1, 2] : vector<1x1x4096xf32> to vector<1xf32>
    %reduce_sum3A_634 = vector.shape_cast %reduce_sum3A_633 : vector<1xf32> to vector<1x1x1xf32>
    %reduce_sum3A_635 = vector.extract %reduce_sum3A_634[0, 0, 0] : f32 from vector<1x1x1xf32>
    %mul3A_636 = arith.constant 2.000000e-02 : f32
    %mul3A_637 = arith.mulf %mul3A_636, %reduce_sum3A_635 : f32
    %div3A_638 = arith.constant 1.638400e+04 : f32
    %div3A_639 = arith.divf %mul3A_637, %div3A_638 : f32
    %add3A_640 = arith.addf %add3A_601, %div3A_639 : f32
    %get3A_641 = arith.constant 3072 : index
    %get3A_642 = arith.constant 0 : index
    %get3A_643 = vector.load %arg0[%get3A_641, %get3A_642] : memref<4096x64xf32, #tpu.memory_space<vmem>>, vector<1024x64xf32>
    %get3A_644 = arith.constant 3072 : index
    %get3A_645 = arith.constant 0 : index
    %get3A_646 = vector.load %arg1[%get3A_644, %get3A_645] : memref<4096x64xf32, #tpu.memory_space<vmem>>, vector<1024x64xf32>
    %mul3A_647 = arith.mulf %get3A_643, %get3A_643 : vector<1024x64xf32>
    %reduce_sum3A_648 = arith.constant dense<0.000000e+00> : vector<1024xf32>
    %reduce_sum3A_649 = vector.multi_reduction <add>, %mul3A_647, %reduce_sum3A_648 [1] : vector<1024x64xf32> to vector<1024xf32>
    %broadcast_in_dim3A_650 = vector.shape_cast %reduce_sum3A_649 : vector<1024xf32> to vector<1024x1xf32>
    %sqrt3A_651 = math.sqrt %broadcast_in_dim3A_650 : vector<1024x1xf32>
    %div3A_652 = vector.broadcast %sqrt3A_651 : vector<1024x1xf32> to vector<1024x64xf32>
    %div3A_653 = arith.divf %get3A_643, %div3A_652 : vector<1024x64xf32>
    %mul3A_654 = arith.mulf %get3A_646, %get3A_646 : vector<1024x64xf32>
    %reduce_sum3A_655 = arith.constant dense<0.000000e+00> : vector<1024xf32>
    %reduce_sum3A_656 = vector.multi_reduction <add>, %mul3A_654, %reduce_sum3A_655 [1] : vector<1024x64xf32> to vector<1024xf32>
    %broadcast_in_dim3A_657 = vector.shape_cast %reduce_sum3A_656 : vector<1024xf32> to vector<1024x1xf32>
    %sqrt3A_658 = math.sqrt %broadcast_in_dim3A_657 : vector<1024x1xf32>
    %div3A_659 = vector.broadcast %sqrt3A_658 : vector<1024x1xf32> to vector<1024x64xf32>
    %div3A_660 = arith.divf %get3A_646, %div3A_659 : vector<1024x64xf32>
    %dot_general3A_661 = arith.constant dense<0.000000e+00> : vector<1024x1024xf32>
    %dot_general3A_662 = tpu.matmul %div3A_653, %div3A_660, %dot_general3A_661 {dimension_numbers = #tpu.dot_dimension_numbers<[1], [1], [0], [0], [0, 0, 1, 0], [], []>, transpose_lhs_hint = false} : vector<1024x64xf32>, vector<1024x64xf32>, vector<1024x1024xf32> -> vector<1024x1024xf32>
    %div3A_663 = arith.constant 7.000000e-02 : f32
    %div3A_664 = vector.broadcast %div3A_663 : f32 to vector<1024x1024xf32>
    %div3A_665 = arith.divf %dot_general3A_662, %div3A_664 : vector<1024x1024xf32>
    %reduce_max3A_666 = arith.constant dense<0xFF800000> : vector<1024xf32>
    %reduce_max3A_667 = vector.multi_reduction <maximumf>, %div3A_665, %reduce_max3A_666 [1] : vector<1024x1024xf32> to vector<1024xf32>
    %broadcast_in_dim3A_668 = vector.shape_cast %reduce_max3A_667 : vector<1024xf32> to vector<1024x1xf32>
    %sub3A_669 = vector.broadcast %broadcast_in_dim3A_668 : vector<1024x1xf32> to vector<1024x1024xf32>
    %sub3A_670 = arith.subf %div3A_665, %sub3A_669 : vector<1024x1024xf32>
    %exp3A_671 = math.exp %sub3A_670 : vector<1024x1024xf32>
    %reduce_sum3A_672 = arith.constant dense<0.000000e+00> : vector<1024xf32>
    %reduce_sum3A_673 = vector.multi_reduction <add>, %exp3A_671, %reduce_sum3A_672 [1] : vector<1024x1024xf32> to vector<1024xf32>
    %broadcast_in_dim3A_674 = vector.shape_cast %reduce_sum3A_673 : vector<1024xf32> to vector<1024x1xf32>
    %log3A_675 = math.log %broadcast_in_dim3A_674 : vector<1024x1xf32>
    %add3A_676 = arith.addf %log3A_675, %broadcast_in_dim3A_668 : vector<1024x1xf32>
    %iota3A_677 = tpu.iota {dimensions = array<i32: 0>} : vector<1024x1024xi32>
    %iota3A_678 = tpu.iota {dimensions = array<i32: 1>} : vector<1024x1024xi32>
    %eq3A_679 = arith.cmpi eq, %iota3A_677, %iota3A_678 : vector<1024x1024xi32>
    %jit3A_680 = arith.constant 0.000000e+00 : f32
    %broadcast_in_dim3A_681 = vector.broadcast %jit3A_680 : f32 to vector<1024x1024xf32>
    %select_n3A_682 = arith.select %eq3A_679, %div3A_665, %broadcast_in_dim3A_681 : vector<1024x1024xi1>, vector<1024x1024xf32>
    %reduce_sum3A_683 = arith.constant dense<0.000000e+00> : vector<1024xf32>
    %reduce_sum3A_684 = vector.multi_reduction <add>, %select_n3A_682, %reduce_sum3A_683 [1] : vector<1024x1024xf32> to vector<1024xf32>
    %broadcast_in_dim3A_685 = vector.shape_cast %reduce_sum3A_684 : vector<1024xf32> to vector<1024x1xf32>
    %sub3A_686 = arith.subf %add3A_676, %broadcast_in_dim3A_685 : vector<1024x1xf32>
    %reduce_sum3A_687 = vector.shape_cast %sub3A_686 : vector<1024x1xf32> to vector<1x1024x1xf32>
    %reduce_sum3A_688 = arith.constant dense<0.000000e+00> : vector<1xf32>
    %reduce_sum3A_689 = vector.multi_reduction <add>, %reduce_sum3A_687, %reduce_sum3A_688 [1, 2] : vector<1x1024x1xf32> to vector<1xf32>
    %reduce_sum3A_690 = vector.shape_cast %reduce_sum3A_689 : vector<1xf32> to vector<1x1x1xf32>
    %reduce_sum3A_691 = vector.extract %reduce_sum3A_690[0, 0, 0] : f32 from vector<1x1x1xf32>
    %mul3A_692 = arith.constant 1.000000e-01 : f32
    %mul3A_693 = arith.mulf %mul3A_692, %reduce_sum3A_691 : f32
    %div3A_694 = arith.constant 4.096000e+03 : f32
    %div3A_695 = arith.divf %mul3A_693, %div3A_694 : f32
    %add3A_696 = arith.addf %add3A_640, %div3A_695 : f32
    %get3A_697 = arith.constant 3 : index
    %get3A_698 = arith.constant 0 : index
    %get3A_699 = arith.constant 0 : index
    %get3A_700 = vector.load %arg4[%get3A_697, %get3A_698, %get3A_699] : memref<4x20x16xi32, #tpu.memory_space<vmem>>, vector<1x20x16xi32>
    %get3A_701 = vector.shape_cast %get3A_700 : vector<1x20x16xi32> to vector<20x16xi32>
    %reduce_min3A_702 = vector.shape_cast %get3A_701 : vector<20x16xi32> to vector<1x20x16xi32>
    %reduce_min3A_703 = arith.constant dense<2147483647> : vector<1xi32>
    %reduce_min3A_704 = vector.multi_reduction <minsi>, %reduce_min3A_702, %reduce_min3A_703 [1, 2] : vector<1x20x16xi32> to vector<1xi32>
    %reduce_min3A_705 = vector.shape_cast %reduce_min3A_704 : vector<1xi32> to vector<1x1x1xi32>
    %reduce_min3A_706 = vector.extract %reduce_min3A_705[0, 0, 0] : i32 from vector<1x1x1xi32>
    %jit3A_707 = arith.constant 3 : i32
    %div3A_708 = arith.divsi %reduce_min3A_706, %jit3A_707 : i32
    %sign3A_709 = arith.constant 0 : i32
    %sign3A_710 = arith.cmpi sgt, %reduce_min3A_706, %sign3A_709 : i32
    %sign3A_711 = arith.extui %sign3A_710 : i1 to i32
    %sign3A_712 = arith.constant 0 : i32
    %sign3A_713 = arith.cmpi slt, %reduce_min3A_706, %sign3A_712 : i32
    %sign3A_714 = arith.extui %sign3A_713 : i1 to i32
    %sign3A_715 = arith.subi %sign3A_711, %sign3A_714 : i32
    %sign3A_716 = arith.constant 0 : i32
    %sign3A_717 = arith.cmpi sgt, %jit3A_707, %sign3A_716 : i32
    %sign3A_718 = arith.extui %sign3A_717 : i1 to i32
    %sign3A_719 = arith.constant 0 : i32
    %sign3A_720 = arith.cmpi slt, %jit3A_707, %sign3A_719 : i32
    %sign3A_721 = arith.extui %sign3A_720 : i1 to i32
    %sign3A_722 = arith.subi %sign3A_718, %sign3A_721 : i32
    %ne3A_723 = arith.cmpi ne, %sign3A_715, %sign3A_722 : i32
    %rem3A_724 = arith.remsi %reduce_min3A_706, %jit3A_707 : i32
    %ne3A_725 = arith.constant 0 : i32
    %ne3A_726 = arith.cmpi ne, %rem3A_724, %ne3A_725 : i32
    %and3A_727 = arith.andi %ne3A_723, %ne3A_726 : i1
    %sub3A_728 = arith.constant 1 : i32
    %sub3A_729 = arith.subi %div3A_708, %sub3A_728 : i32
    %select_n3A_730 = arith.select %and3A_727, %sub3A_729, %div3A_708 : i32
    %get3A_731 = arith.constant 2880 : index
    %get3A_732 = arith.constant 0 : index
    %get3A_733 = vector.load %arg2[%get3A_731, %get3A_732] : memref<3840x64xf32, #tpu.memory_space<vmem>>, vector<960x64xf32>
    %get3A_734 = arith.constant 2880 : index
    %get3A_735 = arith.constant 0 : index
    %get3A_736 = vector.load %arg3[%get3A_734, %get3A_735] : memref<3840x64xf32, #tpu.memory_space<vmem>>, vector<960x64xf32>
    %iota3A_737 = tpu.iota {dimensions = array<i32: 0>} : vector<960x960xi32>
    %iota3A_738 = tpu.iota {dimensions = array<i32: 1>} : vector<960x960xi32>
    %rem3A_739 = arith.constant 48 : i32
    %rem3A_740 = vector.broadcast %rem3A_739 : i32 to vector<960x960xi32>
    %rem3A_741 = arith.remsi %iota3A_737, %rem3A_740 : vector<960x960xi32>
    %rem3A_742 = arith.constant 48 : i32
    %rem3A_743 = vector.broadcast %rem3A_742 : i32 to vector<960x960xi32>
    %rem3A_744 = arith.remsi %iota3A_738, %rem3A_743 : vector<960x960xi32>
    %eq3A_745 = arith.cmpi eq, %rem3A_741, %rem3A_744 : vector<960x960xi32>
    %mul3A_746 = arith.mulf %get3A_733, %get3A_733 : vector<960x64xf32>
    %reduce_sum3A_747 = arith.constant dense<0.000000e+00> : vector<960xf32>
    %reduce_sum3A_748 = vector.multi_reduction <add>, %mul3A_746, %reduce_sum3A_747 [1] : vector<960x64xf32> to vector<960xf32>
    %broadcast_in_dim3A_749 = vector.shape_cast %reduce_sum3A_748 : vector<960xf32> to vector<960x1xf32>
    %sqrt3A_750 = math.sqrt %broadcast_in_dim3A_749 : vector<960x1xf32>
    %div3A_751 = vector.broadcast %sqrt3A_750 : vector<960x1xf32> to vector<960x64xf32>
    %div3A_752 = arith.divf %get3A_733, %div3A_751 : vector<960x64xf32>
    %mul3A_753 = arith.mulf %get3A_736, %get3A_736 : vector<960x64xf32>
    %reduce_sum3A_754 = arith.constant dense<0.000000e+00> : vector<960xf32>
    %reduce_sum3A_755 = vector.multi_reduction <add>, %mul3A_753, %reduce_sum3A_754 [1] : vector<960x64xf32> to vector<960xf32>
    %broadcast_in_dim3A_756 = vector.shape_cast %reduce_sum3A_755 : vector<960xf32> to vector<960x1xf32>
    %sqrt3A_757 = math.sqrt %broadcast_in_dim3A_756 : vector<960x1xf32>
    %div3A_758 = vector.broadcast %sqrt3A_757 : vector<960x1xf32> to vector<960x64xf32>
    %div3A_759 = arith.divf %get3A_736, %div3A_758 : vector<960x64xf32>
    %dot_general3A_760 = arith.constant dense<0.000000e+00> : vector<960x960xf32>
    %dot_general3A_761 = tpu.matmul %div3A_752, %div3A_759, %dot_general3A_760 {dimension_numbers = #tpu.dot_dimension_numbers<[1], [1], [0], [0], [0, 0, 1, 0], [], []>, transpose_lhs_hint = false} : vector<960x64xf32>, vector<960x64xf32>, vector<960x960xf32> -> vector<960x960xf32>
    %div3A_762 = arith.constant 7.000000e-02 : f32
    %div3A_763 = vector.broadcast %div3A_762 : f32 to vector<960x960xf32>
    %div3A_764 = arith.divf %dot_general3A_761, %div3A_763 : vector<960x960xf32>
    %jit3A_765 = arith.constant -1.000000e+30 : f32
    %broadcast_in_dim3A_766 = vector.broadcast %jit3A_765 : f32 to vector<960x960xf32>
    %select_n3A_767 = arith.select %eq3A_745, %div3A_764, %broadcast_in_dim3A_766 : vector<960x960xi1>, vector<960x960xf32>
    %reduce_max3A_768 = arith.constant dense<0xFF800000> : vector<960xf32>
    %reduce_max3A_769 = vector.multi_reduction <maximumf>, %select_n3A_767, %reduce_max3A_768 [1] : vector<960x960xf32> to vector<960xf32>
    %broadcast_in_dim3A_770 = vector.shape_cast %reduce_max3A_769 : vector<960xf32> to vector<960x1xf32>
    %sub3A_771 = vector.broadcast %broadcast_in_dim3A_770 : vector<960x1xf32> to vector<960x960xf32>
    %sub3A_772 = arith.subf %select_n3A_767, %sub3A_771 : vector<960x960xf32>
    %exp3A_773 = math.exp %sub3A_772 : vector<960x960xf32>
    %reduce_sum3A_774 = arith.constant dense<0.000000e+00> : vector<960xf32>
    %reduce_sum3A_775 = vector.multi_reduction <add>, %exp3A_773, %reduce_sum3A_774 [1] : vector<960x960xf32> to vector<960xf32>
    %broadcast_in_dim3A_776 = vector.shape_cast %reduce_sum3A_775 : vector<960xf32> to vector<960x1xf32>
    %log3A_777 = math.log %broadcast_in_dim3A_776 : vector<960x1xf32>
    %add3A_778 = arith.addf %log3A_777, %broadcast_in_dim3A_770 : vector<960x1xf32>
    %iota3A_779 = tpu.iota {dimensions = array<i32: 0>} : vector<960x960xi32>
    %iota3A_780 = tpu.iota {dimensions = array<i32: 1>} : vector<960x960xi32>
    %eq3A_781 = arith.cmpi eq, %iota3A_779, %iota3A_780 : vector<960x960xi32>
    %jit3A_782 = arith.constant 0.000000e+00 : f32
    %broadcast_in_dim3A_783 = vector.broadcast %jit3A_782 : f32 to vector<960x960xf32>
    %select_n3A_784 = arith.select %eq3A_781, %div3A_764, %broadcast_in_dim3A_783 : vector<960x960xi1>, vector<960x960xf32>
    %reduce_sum3A_785 = arith.constant dense<0.000000e+00> : vector<960xf32>
    %reduce_sum3A_786 = vector.multi_reduction <add>, %select_n3A_784, %reduce_sum3A_785 [1] : vector<960x960xf32> to vector<960xf32>
    %broadcast_in_dim3A_787 = vector.shape_cast %reduce_sum3A_786 : vector<960xf32> to vector<960x1xf32>
    %sub3A_788 = arith.subf %add3A_778, %broadcast_in_dim3A_787 : vector<960x1xf32>
    %iota3A_789 = tpu.iota {dimensions = array<i32: 0>} : vector<960x1xi32>
    %rem3A_790 = arith.constant 48 : i32
    %rem3A_791 = vector.broadcast %rem3A_790 : i32 to vector<960x1xi32>
    %rem3A_792 = arith.remsi %iota3A_789, %rem3A_791 : vector<960x1xi32>
    %lt3A_793 = vector.broadcast %select_n3A_730 : i32 to vector<960x1xi32>
    %lt3A_794 = arith.cmpi slt, %rem3A_792, %lt3A_793 : vector<960x1xi32>
    %jit3A_795 = arith.constant 0.000000e+00 : f32
    %broadcast_in_dim3A_796 = vector.broadcast %jit3A_795 : f32 to vector<960x1xf32>
    %select_n3A_797 = arith.select %lt3A_794, %sub3A_788, %broadcast_in_dim3A_796 : vector<960x1xi1>, vector<960x1xf32>
    %reduce_sum3A_798 = vector.shape_cast %select_n3A_797 : vector<960x1xf32> to vector<1x960x1xf32>
    %reduce_sum3A_799 = arith.constant dense<0.000000e+00> : vector<1xf32>
    %reduce_sum3A_800 = vector.multi_reduction <add>, %reduce_sum3A_798, %reduce_sum3A_799 [1, 2] : vector<1x960x1xf32> to vector<1xf32>
    %reduce_sum3A_801 = vector.shape_cast %reduce_sum3A_800 : vector<1xf32> to vector<1x1x1xf32>
    %reduce_sum3A_802 = vector.extract %reduce_sum3A_801[0, 0, 0] : f32 from vector<1x1x1xf32>
    %convert_element_type3A_803 = arith.sitofp %select_n3A_730 : i32 to f32
    %mul3A_804 = arith.constant 2.000000e+01 : f32
    %mul3A_805 = arith.mulf %mul3A_804, %convert_element_type3A_803 : f32
    %div3A_806 = arith.divf %reduce_sum3A_802, %mul3A_805 : f32
    %div3A_807 = arith.constant 4.000000e+00 : f32
    %div3A_808 = arith.divf %div3A_806, %div3A_807 : f32
    %add3A_809 = arith.addf %add3A_696, %div3A_808 : f32
    %swap3A = arith.constant 0 : index
    %swap3A_810 = arith.constant 0 : index
    %swap3A_811 = memref.load %arg7[%swap3A, %swap3A_810] : memref<1x1xf32, #tpu.memory_space<smem>>
    memref.store %add3A_809, %arg7[%swap3A, %swap3A_810] : memref<1x1xf32, #tpu.memory_space<smem>>
    return
  }
}

</mosaic_0001>

<sc_bundles>
// kernel: kernel.4.cloned.1.call-start
scs
__scs_entry_jumppad:
0x0: {  	(pc) =	sbr.rel $0x88, $3  }
0x1: {  	(tag) =	ssettag $0x0;
	lr =	simm.s32 $0x1  }
0x2: {  	[smem:$0x3F9D] =	sst lr;
	_ =	strace $0xD0000000  }
0x3: {  	_ = 	snop  }
0x4: {  	_ = 	snop  }
0x5: {  	_ = 	snop  }
0x6: {  	_ = 	snop  }
0x7: {  	_ = 	snop  }
__scs_overlays_trampoline_lowered:
0x8: {  	[smem:$0x3FAC] =	sst s0  }
0x9: {  	[smem:$0x3FAD] =	sst s1  }
0xa: {  	[smem:$0x3FAE] =	sst s2  }
0xb: {  	[smem:$0x3FAF] =	sst s3  }
0xc: {  	[smem:$0x3FB0] =	sst s4  }
0xd: {  	[smem:$0x3FB1] =	sst s5  }
0xe: {  	[smem:$0x3FB2] =	sst s6  }
0xf: {  	[smem:$0x3FB3] =	sst s7  }
0x10: {  	[smem:$0x3FB4] =	sst s8  }
0x11: {  	[smem:$0x3FB5] =	sst s9;
	s0 =	simm.s32 @!p0 $0x0  }
0x12: {  	s1 =	sld [smem:$0x3F9B];
	s0 =	simm.s32 @p0 $0x1  }
0x13: {  	[smem:$0x3FB6] =	sst s0;
	s0 =	simm.s32 @!p1 $0x0  }
0x14: {  	s2 =	sld [smem:$0x3F9A];
	s0 =	simm.s32 @p1 $0x1  }
0x15: {  	[smem:$0x3FB7] =	sst s0;
	s0 =	simm.s32 @!p2 $0x0  }
0x16: {  	s3 =	sld [smem:$0x3FDB];
	s0 =	simm.s32 @p2 $0x1  }
0x17: {  	s4 =	simm.s32 $0x1BF5;
	[smem:$0x3FB9] =	sst s0  }
0x18: {  	s0 =	sld [smem:$0x3F9C];
	_ =	swait.ge [sflag:s4], $0x0  }
0x19: {  	s7 =	sld [smem:$0x3F9D]  }
0x1a: {  	s8 =	sadd.s32 $0xFFFFE003, lr  }
0x1b: {  	s9 =	sadd.s32 $0xFFFFFEF7, lr;
	s5 =	simm.s32 $0xFFFFFFFF;
	p2 =	slt.u32 s8, $0xFFFFF086  }
0x1c: {  	p1 =	slt.u32 s9, $0xF7A;
	s5 =	simm.s32 @!p2 $0x0  }
0x1d: {  	s5 =	simm.s32 @p1 $0x1;
	p0 =	seq.s32 s7, s2  }
0x1e: {  	s7 =	smul.u32 @!p0 $0xF7A, s2;
	p2 =	seq.s32 @!p0 s5, $0x0  }
0x1f: {  	s9 =	smul.u32 $0xF7A, s1;
	s8 =	simm.s32 @!p0 $0x1BF5;
	p2 =	por !p2, p0  }
0x20: {  	[sflag:s8] =	ssyncset.s32 @!p0 $0xFFFFF086;
	s6 =	sadd.s32 @!p0 s3, s7;
	s7 =	simm.s32 @!p0 $0x108  }
0x21: {  	s3 =	sadd.s32 s3, s9;
	s6 =	sadd.s32 @!p0 $0x88, s6;
	s7 =	simm.s32 @p2 $0x1082  }
0x22: {  	[simem:s7], [sflag:s8] =	dma.local @!p0 [hbm:s6], $0xF7A  }
0x23: {  	s9 =	sor.u32 $0xD0000000, s2;
	s6 =	simm.s32 $0x108;
	_ =	swait.ge @!p0 [sflag:s8], $0x0  }
0x24: {  	s3 =	sadd.s32 $0x88, s3;
	s6 =	simm.s32 @!p1 $0x1082;
	[sflag:s4] =	ssyncset.s32 $0xFFFFF086  }
0x25: {  	[simem:s6], [sflag:s4] =	dma.local [hbm:s3], $0xF7A  }
0x26: {  	[smem:$0x3F9D] =	sst s1;
	(tag) =	ssettag s2;
	_ =	strace s9  }
0x27: {  	s1 =	sld [smem:$0x3FAD]  }
0x28: {  	s2 =	sld [smem:$0x3FAE]  }
0x29: {  	s4 =	sld [smem:$0x3FB0]  }
0x2a: {  	p0 =	seq.s32 s5, $0x0;
	s5 =	sld [smem:$0x3FB1]  }
0x2b: {  	s6 =	sld [smem:$0x3FB2]  }
0x2c: {  	s7 =	sld [smem:$0x3FB3]  }
0x2d: {  	s3 =	simm.s32 $0x108;
	s8 =	sld [smem:$0x3FB4]  }
0x2e: {  	s3 =	simm.s32 @!p0 $0x1082;
	s9 =	sld [smem:$0x3FB5]  }
0x2f: {  	lr =	sadd.s32 s0, s3;
	s0 =	sld [smem:$0x3FAC]  }
0x30: {  	s3 =	sld [smem:$0x3FAF]  }
0x31: {  	[smem:$0x3FB8] =	sst s10  }
0x32: {  	s10 =	sld [smem:$0x3FB6];
	_ =	sdelay $0x3  }
0x33: {  	p0 =	seq.s32 s10, $0x1;
	s10 =	sld [smem:$0x3FB8];
	_ =	sdelay $0x3  }
0x34: {  	[smem:$0x3FB8] =	sst s10  }
0x35: {  	s10 =	sld [smem:$0x3FB7];
	_ =	sdelay $0x3  }
0x36: {  	p1 =	seq.s32 s10, $0x1;
	s10 =	sld [smem:$0x3FB8];
	_ =	sdelay $0x3  }
0x37: {  	[smem:$0x3FB8] =	sst s10  }
0x38: {  	s10 =	sld [smem:$0x3FB9]  }
0x39: {  	_ = 	snop;
	(pc) =	sbr.ind lr, $3  }
0x3a: {  	_ = 	snop  }
0x3b: {  	_ = 	snop  }
0x3c: {  	p2 =	seq.s32 s10, $0x1;
	s10 =	sld [smem:$0x3FB8]  }
0x3d: {  	_ =	shalt  }
0x3e: {  	_ =	shalt  }
0x3f: {  	_ =	shalt  }
0x40: {  	_ =	shalt  }
0x41: {  	_ =	shalt  }
0x42: {  	_ =	shalt  }
0x43: {  	_ =	shalt  }
0x44: {  	_ =	shalt  }
0x45: {  	_ =	shalt  }
0x46: {  	_ =	shalt  }
0x47: {  	_ =	shalt  }
0x48: {  	_ =	shalt  }
0x49: {  	_ =	shalt  }
0x4a: {  	_ =	shalt  }
0x4b: {  	_ =	shalt  }
0x4c: {  	_ =	shalt  }
0x4d: {  	_ =	shalt  }
0x4e: {  	_ =	shalt  }
0x4f: {  	_ =	shalt  }
0x50: {  	_ =	shalt  }
0x51: {  	_ =	shalt  }
0x52: {  	_ =	shalt  }
0x53: {  	_ =	shalt  }
0x54: {  	_ =	shalt  }
0x55: {  	_ =	shalt  }
0x56: {  	_ =	shalt  }
0x57: {  	_ =	shalt  }
0x58: {  	_ =	shalt  }
0x59: {  	_ =	shalt  }
0x5a: {  	_ =	shalt  }
0x5b: {  	_ =	shalt  }
0x5c: {  	_ =	shalt  }
0x5d: {  	_ =	shalt  }
0x5e: {  	_ =	shalt  }
0x5f: {  	_ =	shalt  }
0x60: {  	_ =	shalt  }
0x61: {  	_ =	shalt  }
0x62: {  	_ =	shalt  }
0x63: {  	_ =	shalt  }
0x64: {  	_ =	shalt  }
0x65: {  	_ =	shalt  }
0x66: {  	_ =	shalt  }
0x67: {  	_ =	shalt  }
0x68: {  	_ =	shalt  }
0x69: {  	_ =	shalt  }
0x6a: {  	_ =	shalt  }
0x6b: {  	_ =	shalt  }
0x6c: {  	_ =	shalt  }
0x6d: {  	_ =	shalt  }
0x6e: {  	_ =	shalt  }
0x6f: {  	_ =	shalt  }
0x70: {  	_ =	shalt  }
0x71: {  	_ =	shalt  }
0x72: {  	_ =	shalt  }
0x73: {  	_ =	shalt  }
0x74: {  	_ =	shalt  }
0x75: {  	_ =	shalt  }
0x76: {  	_ =	shalt  }
0x77: {  	_ =	shalt  }
0x78: {  	_ =	shalt  }
0x79: {  	_ =	shalt  }
0x7a: {  	_ =	shalt  }
0x7b: {  	_ =	shalt  }
0x7c: {  	_ =	shalt  }
0x7d: {  	_ =	shalt  }
0x7e: {  	_ =	shalt  }
0x7f: {  	_ =	shalt  }
0x80: {  	_ =	shalt  }
0x81: {  	_ =	shalt  }
0x82: {  	_ =	shalt  }
0x83: {  	_ =	shalt  }
0x84: {  	_ =	shalt  }
0x85: {  	_ =	shalt  }
0x86: {  	_ =	shalt  }
0x87: {  	_ =	shalt  }
.Lfunc_end0:
.L_simem_size_0:
called_computation_lowered:
.L_overlay_start_0:
0x88: {  	s2 =	sld [smem:$0x3FD9]  }
0x89: {  	s3 =	sld [smem:$0x3FFE];
	_ =	sdelay $0x1  }
0x8a: {  	s1 =	srdreg.scid  }
0x8b: {  	s0 =	sand.u32 $0x1, s1  }
0x8c: {  	s16 =	sshll.u32 s0, $0xA;
	s2 =	sadd.s32 s3, s2  }
0x8d: {  	s2 =	sadd.s32 s2, s16  }
0x8e: {  	[smem:$0x3FC4] =	sst s2  }
0x8f: {  	_ = 	snop  }
0x90: {  	(tm) =	ssettm $0x1  }
0x91: {  	s17 =	sld [smem:$0x3FFB];
	_ =	sdelay $0x3  }
0x92: {  	_ =	strace s17  }
0x93: {  	s2 =	sld [smem:$0x3FFC];
	_ =	sdelay $0x3  }
0x94: {  	_ =	strace s2  }
0x95: {  	s2 =	sld [smem:$0x3FFD];
	_ =	sdelay $0x3  }
0x96: {  	_ =	strace s2  }
0x97: {  	_ =	strace $0x8FFFFFFF  }
0x98: {  	s18 =	sld [smem:$0x3FDB];
	_ =	sdelay $0x1  }
0x99: {  	s19 =	simm.s32 $_scs_section_size  }
0x9a: {  	s4 =	simm.s32 $_size__tile_overlayer_lowered;
	s5 =	simm.s32 $_tile_overlayer_lowered  }
0x9b: {  	s22 =	simm.s32 $0x1BFF;
	s21 =	sshll.u32 s5, $0x1;
	s2 =	sadd.s32 s19, s18  }
0x9c: {  	s6 =	simm.s32 $0x0;
	s20 =	sshll.u32 s4, $0x1;
	s4 =	sadd.s32 s21, s2  }
0x9d: {  	[timem:s6], [sflag:s22] =	dma.local [hbm:s4], s20  }
0x9e: {  	_ =	swait.ge [sflag:s22], s20  }
0x9f: {  	s3 =	ssub.s32 $0x0, s20;
	[sflag:s22] =	ssyncset.done $0x0  }
0xa0: {  	[sflag:s22] =	ssyncadd.s32 s3;
	_ =	sdelay $0x1  }
0xa1: {  	s23 =	simm.s32 $0x1B8B  }
0xa2: {  	_ =	swait.ge [sflag:s23], $0x1  }
0xa3: {  	[sflag:s23] =	ssyncset.done $0x0  }
0xa4: {  	s25 =	simm.s32 $0x1B8E;
	s24 =	sld [smem:$0x3FFE];
	[sflag:s23] =	ssyncadd.s32 $0xFFFFFFFF  }
0xa5: {  	s26 =	simm.s32 $execute0_lowered;
	[smem:$0x3FD2] =	sst s25  }
0xa6: {  	s4 =	sshll.u32 s26, $0x1;
	_ =	strace $0x80000046;
	[dreg:$0x1] =	wrdreg $0xFFFFFFFF  }
0xa7: {  	s28 =	simm.s32 $_size_execute0_lowered;
	s2 =	sadd.s32 s2, s4;
	[dreg:$0x0] =	wrdreg $0x0  }
0xa8: {  	s4 =	sshll.u32 s28, $0x1;
	[dreg:$0x2] =	wrdreg s2  }
0xa9: {  	[dreg:$0x3] =	wrdreg s4  }
0xaa: {  	[dreg:$0x4] =	wrdreg $0xC0  }
0xab: {  	_ =	task [dreg:s6], $0x5FFFF  }
0xac: {  	[dreg:$0x1] =	wrdreg $0xFFFFFFFF  }
0xad: {  	[dreg:$0x0] =	wrdreg $0x60  }
0xae: {  	[dreg:$0x2] =	wrdreg s24  }
0xaf: {  	[dreg:$0x3] =	wrdreg $0x9  }
0xb0: {  	_ =	task.clear_ibuf [dreg:s6], $0x4FFFF;
	_ =	strace $0x90000046  }
0xb1: {  	s29 =	simm.s32 $0x9;
	_ =	strace $0x80000048  }
0xb2: {  	_ =	swait.ge [sflag:s29], $0x1  }
0xb3: {  	[sflag:s29] =	ssyncadd.s32 $0xFFFFFFFF  }
0xb4: {  	_ =	strace $0x90000048  }
0xb5: {  	_ =	sfence  }
0xb6: {  	s30 =	sld [smem:$0x0];
	_ =	sdelay $0x2  }
0xb7: {  	s31 =	sshll.u32 s1, $0xD;
	s1 =	sshrl.u32 s1, $0x2  }
0xb8: {  	s3 =	sand.u32 $0x4000, s31;
	s1 =	sadd.s32 s1, s30  }
0xb9: {  	s0 =	sor.u32 s3, s0;
	s1 =	sshll.u32 s1, $0x11  }
0xba: {  	s0 =	sor.u32 s1, s0  }
0xbb: {  	s0 =	sadd.s32 $0x8F2B, s0  }
0xbc: {  	[sflag:s0] =	ssyncadd.remote.s32 $0x1  }
0xbd: {  	_ =	sfence.sel $0xFFFF  }
0xbe: {  	[dreg:$0x0] =	wrdreg $0xFFFFFFFF;
	(pc) =	sbr.abs _section_cstart, $3  }
0xbf: {  	[dreg:$0x1] =	wrdreg $0xFFFFFFFF  }
0xc0: {  	_ =	task.clear_ibuf [dreg:s6], $0x2FFFF;
	_ =	strace $0x9FFFFFFF  }
0xc1: {  	(tm) =	ssettm $0x7FFFFFFF  }
tec
execute0_lowered:
.L_overlay_start_1:
0x0: {  	(tag) =	ssettag $0x1  }
0x1: {  	s0 =	rddreg [dreg:$0x0];
	s1 =	srdreg.scid  }
0x2: {  	s21 =	stileid.u32;
	s2 =	simm.s32 $0x0;
	s10 =	simm.s32 $0x100  }
0x3: {  	s16 =	simm.s32 $0xF000;
	s30 =	simm.s32 $0x100;
	s31 =	simm.s32 $0x2  }
0x4: {  	s1 =	sand.u32 $0x1, s1;
	s3 =	sshll.u32 s21, $0x1;
	[smem:$0x7FF] =	sst s2  }
0x5: {  	s7 =	sadd.s32 $0x40800, s0;
	s12 =	sadd.s32 $0x50C00, s0;
	s13 =	sadd.s32 $0x58400, s0  }
0x6: {  	p0 =	slt.u32 s21, $0x8;
	p1 =	sgt.u32 s21, $0x9;
	s6 =	sor.u32 s1, s3  }
0x7: {  	_ =	strace $0x80000047;
	s1 =	ssub.s32 $0x2, s1;
	s10 =	simm.s32 @!p1 $0x0  }
0x8: {  	s16 =	simm.s32 @!p1 $0x0;
	s3 =	sand.u32 $0xF, s6;
	s8 =	sshll.u32 s6, $0xB  }
0x9: {  	s9 =	sshrl.u32 s1, $0x1;
	s20 =	sadd.s32 s7, s10;
	s10 =	simm.s32 $0x3C0  }
0xa: {  	s4 =	sshll.u32 s3, $0x5;
	s19 =	sadd.s32 s8, s0;
	s3 =	sshll.u32 s3, $0xB  }
0xb: {  	s8 =	sadd.s32 $0x5FC00, s0;
	s1 =	ssub.s32 s1, s9;
	s9 =	simm.s32 $0xFFFFFFEC  }
0xc: {  	[dreg:$0x2] =	wrdreg s20;
	s20 =	sor.u32 $0x20, s6;
	s10 =	simm.s32 @!p1 $0x0  }
0xd: {  	s5 =	sadd.s32 s4, s0;
	s3 =	sadd.s32 s3, s0;
	s15 =	sadd.s32 $0x40C00, s19  }
0xe: {  	s9 =	simm.s32 @!p1 $0x0;
	s11 =	smul.u32 $0xD, s20;
	s28 =	smax.u32 s1, $0x1  }
0xf: {  	s1 =	simm.s32 $0x4100;
	s3 =	sadd.s32 $0x48C00, s3;
	s4 =	sadd.s32 s6, s9  }
0x10: {  	s9 =	simm.s32 $0x140;
	s6 =	sadd.s32 $0x4, s6;
	s14 =	smul.u32 $0x30, s4  }
0x11: {  	s9 =	simm.s32 @!p1 $0x0;
	s22 =	sshll.u32 s4, $0x4;
	s17 =	smul.u32 $0xC00, s4  }
0x12: {  	s18 =	sshrl.u32 s11, $0x8;
	s11 =	sand.u32 $0x300, s11;
	s3 =	smov.u32 @p0 s15  }
0x13: {  	s15 =	sadd.s32 $0x400, s5;
	s9 =	sadd.s32 s9, s22;
	s23 =	smul.u32 $0xFFFFFFEC, s18  }
0x14: {  	v0 =	vmov s4;
	s4 =	simm.s32 $0x0;
	s25 =	smul.u32 $0x140, s18;
	s9 =	sshrl.u32 s9, $0x3  }
0x15: {  	s19 =	sadd.s32 s10, s14;
	s24 =	sadd.s32 s16, s17;
	s9 =	sadd.s32 s8, s9  }
0x16: {  	s10 =	sshrl.u32 s24, $0x3;
	s24 =	sadd.s32 s20, s23;
	s23 =	smul.u32 $0xF000, s18  }
0x17: {  	s7 =	sadd.s32 s7, s11;
	[dreg:$0x3] =	wrdreg s9;
	s9 =	smul.u32 $0x3C0, s18  }
0x18: {  	[dreg:$0x5] =	wrdreg s7;
	s17 =	smul.u32 $0x30, s24;
	s22 =	sshll.u32 s24, $0x4  }
0x19: {  	s26 =	sadd.s32 s12, s10;
	s7 =	sadd.s32 s25, s22;
	s25 =	smul.u32 $0xC00, s24  }
0x1a: {  	s14 =	sshll.u32 s6, $0x1;
	[dreg:$0x4] =	wrdreg s26;
	s26 =	smul.u32 $0xC00, s6  }
0x1b: {  	v2 =	vmov s24;
	s24 =	simm.s32 $0x5140;
	s7 =	sshrl.u32 s7, $0x3;
	s18 =	sadd.s32 s9, s17  }
0x1c: {  	s9 =	sadd.s32 s13, s10;
	s7 =	sadd.s32 s8, s7;
	s11 =	sadd.s32 s23, s25  }
0x1d: {  	s17 =	sshrl.u32 s26, $0x3;
	s8 =	sadd.s32 s14, s8;
	s14 =	simm.s32 $0x1000  }
0x1e: {  	s26 =	smul.u32 $0x30, s6;
	[dreg:$0x6] =	wrdreg s7;
	s7 =	sshrl.u32 s11, $0x3  }
0x1f: {  	s22 =	sadd.s32 $0x5A00, s17;
	s14 =	simm.s32 @!p1 $0x0;
	s10 =	sadd.s32 s12, s7  }
0x20: {  	s11 =	sadd.s32 s13, s7;
	s23 =	sadd.s32 s12, s22;
	s25 =	sadd.s32 s13, s22  }
0x21: {  	s12 =	sshrl.u32 s19, $0x3;
	s7 =	sshrl.u32 s26, $0x3;
	s13 =	sadd.s32 $0x200, s0  }
0x22: {  	s19 =	sshrl.u32 s18, $0x3;
	s26 =	sadd.s32 $0x78, s8;
	[dreg:$0x7] =	wrdreg s23  }
0x23: {  	[dreg:$0x8] =	wrdreg s25;
	s16 =	sadd.s32 s0, s12;
	s17 =	sadd.s32 s13, s12  }
0x24: {  	s7 =	sadd.s32 $0x168, s7;
	s18 =	sadd.s32 s0, s19;
	s19 =	sadd.s32 s13, s19  }
0x25: {  	s25 =	smulhi.u32 $0xCCCCCCD, s20;
	[dreg:$0xc] =	wrdreg s26;
	s12 =	simm.s32 $0x4900  }
0x26: {  	s20 =	simm.s32 $0x5110;
	s22 =	sadd.s32 s13, s7;
	s23 =	sadd.s32 s0, s7  }
.Ltmp0:
0x27: {  	s13 =	simm.s32 $0x5D70;
	[dreg:$0x9] =	wrdreg s22;
	(pc) =	sbr.rel .LBB2_1-.Ltmp0, $4  }
0x28: {  	[dreg:$0xa] =	wrdreg s23;
	s22 =	sadd.s32 $0x20800, s0;
	s23 =	sadd.s32 $0x800, s0  }
0x29: {  	s0 =	sadd.s32 $0x40B00, s0;
	s29 =	sshll.u32 s25, $0xC;
	s25 =	simm.s32 $0x5170  }
0x2a: {  	v1 =	vlaneseq.u32;
	[dreg:$0xb] =	wrdreg s0;
	s26 =	smov.u32 s22;
	s0 =	simm.s32 $0x1  }
0x2b: {  	v4 =	vor.u32 $0x800, v1;
	v3 =	vmov s6;
	s26 =	smov.u32 @p0 s23;
	p0 =	sgt.u32 s21, $0x7;
	s21 =	simm.s32 $0x30  }
.LBB2_8:
0x2c: {  	v5 =	vsub.s32 v5, v3  }
0x2d: {  	v6 =	vsub.s32 $0x0, v5  }
0x2e: {  	v5 =	vmin.u32 v5, v6  }
0x2f: {  	vm0 =	vlt.s32 v5, $0x1  }
0x30: {  	v5 =	vnsel vm0, $0x1, v5  }
0x31: {  	v6 =	vsub.s32 $0x1, v5  }
0x32: {  	(xrf0) =	vadd.scan.msk.s32 $0xffff, v6;
	_ =	sdelay $0x5  }
0x33: {  	v7, _, _ =	vpop (xrf0)  }
0x34: {  	v8 =	vxor.u32 $0x80000000, v7  }
0x35: {  	(xrf0) =	vmax.scan.msk.u32 $0xffff, v8;
	_ =	sdelay $0x5  }
0x36: {  	v8, _, _ =	vpop (xrf0)  }
0x37: {  	(v2sf) =	vpush v8, $0xF;
	_ =	sdelay $0x2  }
0x38: {  	s7 =	spop (v2sf)  }
0x39: {  	s5 =	sadd.s32 s7, s5  }
0x3a: {  	s5 =	sadd.s32 $0x80000000, s5  }
0x3b: {  	v63 =	vmov s5  }
0x3c: {  	v8 =	vadd.s32 $0xFFFFFFFF, v63  }
0x3d: {  	v8 =	vbroadcast v8, $0x0;
	_ =	sdelay $0x1  }
0x3e: {  	v7 =	vadd.s32 v7, v8  }
0x3f: {  	v5 =	vmul.u32 v4, v5;
	v6 =	vmul.u32 v6, v7;
	_ =	sdelay $0x1  }
0x40: {  	v5 =	vadd.s32 v5, v6;
	_ =	sdelay $0x1  }
0x41: {  	s9 =	spop (v2sf)  }
0x42: {  	s5 =	sadd.s32 s9, s5  }
0x43: {  	v6 =	vor.u32 s6, v1;
	s5 =	sadd.s32 $0x80000000, s5  }
0x44: {  	[tilespmem:v5+s12+$0x0] =	vst.idx.msk $0xffff, v6;
	v5 =	vmov s5  }
0x45: {  	s8 =	rddreg [dreg:$0xc];
	[tilespmem:$0x5D70] =	vst v5  }
0x46: {  	[hbm4b:s8+s2] =	stream.linear.scatter [tilespmem:s13], [sflag:$0x2], $0x10, $0x38;
	[tilespmem:$0x5D80] =	vst v63  }
0x47: {  	_ =	swait.ge [sflag:s31], $0x10  }
0x48: {  	[sflag:s31] =	ssyncset.done $0x0  }
0x49: {  	s9 =	rddreg [dreg:$0xa];
	[sflag:s31] =	ssyncadd.s32 $0xFFFFFFF0  }
0x4a: {  	[tilespmem:s20], [sflag:$0x2] =	stream.linear.gather [hbm4b:s9+s2], $0x30, $0x38;
	[tilespmem:$0x5D80] =	vst v63  }
0x4b: {  	_ =	swait.ge [sflag:s31], $0x30  }
0x4c: {  	[sflag:s31] =	ssyncset.done $0x0  }
0x4d: {  	[sflag:s31] =	ssyncadd.s32 $0xFFFFFFD0  }
0x4e: {  	v5 =	vld [tilespmem:$0x5110];
	_ =	sdelay $0x2  }
0x4f: {  	s5 =	scvt.s32.f32 s5;
	_ =	sdelay $0x1  }
0x50: {  	v5 =	vmul.f32 s5, v5;
	_ =	sdelay $0x1  }
0x51: {  	v5 =	vtrunc.f32 v5  }
0x52: {  	v5 =	vcvt.f32.s32 v5  }
0x53: {  	v6 =	vld [tilespmem:$0x5120]  }
0x54: {  	vm4 =	vgt.s32 v5, $0x0  }
0x55: {  	v5 =	vnsel vm4, $0x0, v5  }
0x56: {  	v5 =	vmin.u32 v5, $0x7FF;
	_ =	sdelay $0x1  }
0x57: {  	v6 =	vmul.f32 s5, v6;
	_ =	sdelay $0x1  }
0x58: {  	v6 =	vtrunc.f32 v6  }
0x59: {  	v6 =	vcvt.f32.s32 v6;
	v5 =	vld.idx.msk [tilespmem:v5+s12+$0x0], $0xffff  }
0x5a: {  	v7 =	vld [tilespmem:$0x5130]  }
0x5b: {  	vm5 =	vgt.s32 v6, $0x0  }
0x5c: {  	v6 =	vnsel vm5, $0x0, v6  }
0x5d: {  	v6 =	vmin.u32 v6, $0x7FF  }
0x5e: {  	vm6 =	vgt.s32 v5, $0x0  }
0x5f: {  	v7 =	vmul.f32 s5, v7;
	v5 =	vnsel vm6, $0x0, v5  }
0x60: {  	v5 =	vmin.u32 v5, $0x3FFF  }
0x61: {  	[tilespmem:$0x5140] =	vst v5;
	v5 =	vtrunc.f32 v7  }
0x62: {  	v6 =	vld.idx.msk [tilespmem:v6+s12+$0x0], $0xffff;
	v5 =	vcvt.f32.s32 v5;
	_ =	sdelay $0x1  }
0x63: {  	vm7 =	vgt.s32 v5, $0x0  }
0x64: {  	v5 =	vnsel vm7, $0x0, v5  }
0x65: {  	v5 =	vmin.u32 v5, $0x7FF  }
0x66: {  	vm8 =	vgt.s32 v6, $0x0  }
0x67: {  	v6 =	vnsel vm8, $0x0, v6  }
0x68: {  	v6 =	vmin.u32 v6, $0x3FFF  }
0x69: {  	[tilespmem:$0x5150] =	vst v6  }
0x6a: {  	v5 =	vld.idx.msk [tilespmem:v5+s12+$0x0], $0xffff;
	_ =	sdelay $0x4  }
0x6b: {  	vm9 =	vgt.s32 v5, $0x0  }
0x6c: {  	v5 =	vnsel vm9, $0x0, v5  }
0x6d: {  	v5 =	vmin.u32 v5, $0x3FFF  }
0x6e: {  	[tilespmem:$0x5160] =	vst v5  }
0x6f: {  	[tilespmem:s25], [sflag:$0x1] =	stream.indirect.gather [hbm4b:s23+s21], $0x40, s24, s21, $0xb8;
	[tilespmem:$0x5D80] =	vst v63  }
0x70: {  	_ =	swait.ge [sflag:s0], $0xC00  }
0x71: {  	[sflag:s0] =	ssyncset.done $0x0  }
0x72: {  	s7 =	rddreg [dreg:$0x7];
	[sflag:s0] =	ssyncadd.s32 $0xFFFFF400  }
0x73: {  	[hbm4b:s7+s2] =	stream.linear.scatter [tilespmem:s25], [sflag:$0x2], $0xC00, $0x38;
	[tilespmem:$0x5D80] =	vst v63  }
0x74: {  	_ =	swait.ge [sflag:s31], $0xC00  }
0x75: {  	[sflag:s31] =	ssyncset.done $0x0  }
0x76: {  	s8 =	rddreg [dreg:$0x9];
	[sflag:s31] =	ssyncadd.s32 $0xFFFFF400  }
0x77: {  	[tilespmem:s20], [sflag:$0x2] =	stream.linear.gather [hbm4b:s8+s2], $0x30, $0x38;
	[tilespmem:$0x5D80] =	vst v63  }
0x78: {  	_ =	swait.ge [sflag:s31], $0x30  }
0x79: {  	[sflag:s31] =	ssyncset.done $0x0  }
0x7a: {  	[sflag:s31] =	ssyncadd.s32 $0xFFFFFFD0  }
0x7b: {  	v5 =	vld [tilespmem:$0x5110];
	_ =	sdelay $0x4  }
0x7c: {  	v5 =	vmul.f32 s5, v5;
	_ =	sdelay $0x1  }
0x7d: {  	v5 =	vtrunc.f32 v5  }
0x7e: {  	v5 =	vcvt.f32.s32 v5  }
0x7f: {  	v6 =	vld [tilespmem:$0x5120]  }
0x80: {  	vm10 =	vgt.s32 v5, $0x0  }
0x81: {  	v5 =	vnsel vm10, $0x0, v5  }
0x82: {  	v5 =	vmin.u32 v5, $0x7FF;
	_ =	sdelay $0x1  }
0x83: {  	v6 =	vmul.f32 s5, v6;
	_ =	sdelay $0x1  }
0x84: {  	v6 =	vtrunc.f32 v6  }
0x85: {  	v6 =	vcvt.f32.s32 v6;
	v5 =	vld.idx.msk [tilespmem:v5+s12+$0x0], $0xffff  }
0x86: {  	v7 =	vld [tilespmem:$0x5130]  }
0x87: {  	vm11 =	vgt.s32 v6, $0x0  }
0x88: {  	v6 =	vnsel vm11, $0x0, v6  }
0x89: {  	v6 =	vmin.u32 v6, $0x7FF  }
0x8a: {  	vm12 =	vgt.s32 v5, $0x0  }
0x8b: {  	v7 =	vmul.f32 s5, v7;
	v5 =	vnsel vm12, $0x0, v5  }
0x8c: {  	v5 =	vmin.u32 v5, $0x3FFF  }
0x8d: {  	[tilespmem:$0x5140] =	vst v5;
	v5 =	vtrunc.f32 v7  }
0x8e: {  	v6 =	vld.idx.msk [tilespmem:v6+s12+$0x0], $0xffff;
	v5 =	vcvt.f32.s32 v5;
	_ =	sdelay $0x1  }
0x8f: {  	vm13 =	vgt.s32 v5, $0x0  }
0x90: {  	v5 =	vnsel vm13, $0x0, v5  }
0x91: {  	v5 =	vmin.u32 v5, $0x7FF  }
0x92: {  	vm14 =	vgt.s32 v6, $0x0  }
0x93: {  	v6 =	vnsel vm14, $0x0, v6  }
0x94: {  	v6 =	vmin.u32 v6, $0x3FFF  }
0x95: {  	[tilespmem:$0x5150] =	vst v6  }
0x96: {  	v5 =	vld.idx.msk [tilespmem:v5+s12+$0x0], $0xffff;
	_ =	sdelay $0x4  }
0x97: {  	vm15 =	vgt.s32 v5, $0x0  }
0x98: {  	v5 =	vnsel vm15, $0x0, v5  }
0x99: {  	v5 =	vmin.u32 v5, $0x3FFF  }
0x9a: {  	[tilespmem:$0x5160] =	vst v5  }
0x9b: {  	[tilespmem:s25], [sflag:$0x1] =	stream.indirect.gather [hbm4b:s22+s21], $0x40, s24, s21, $0xb8;
	[tilespmem:$0x5D80] =	vst v63  }
0x9c: {  	_ =	swait.ge [sflag:s0], $0xC00  }
0x9d: {  	[sflag:s0] =	ssyncset.done $0x0  }
0x9e: {  	s9 =	rddreg [dreg:$0x8];
	[sflag:s0] =	ssyncadd.s32 $0xFFFFF400  }
0x9f: {  	[hbm4b:s9+s2] =	stream.linear.scatter [tilespmem:s25], [sflag:$0x2], $0xC00, $0x38;
	[tilespmem:$0x5D80] =	vst v63  }
0xa0: {  	s9 =	smov.u32 s3  }
0xa1: {  	s3 =	smov.u32 s10;
	s10 =	smov.u32 s11;
	s11 =	smov.u32 s15  }
0xa2: {  	s15 =	smov.u32 s16;
	s16 =	smov.u32 s17;
	_ =	swait.ge [sflag:s31], $0xC00  }
0xa3: {  	s17 =	smov.u32 s18;
	s18 =	smov.u32 s19;
	[sflag:s31] =	ssyncset.done $0x0  }
0xa4: {  	s19 =	smov.u32 s30;
	s30 =	simm.s32 $0x100;
	[sflag:s31] =	ssyncadd.s32 $0xFFFFF400  }
.LBB2_9:
0xa5: {  	s4 =	sadd.s32 $0x1, s4  }
0xa6: {  	p1 =	sne.s32 s4, s28  }
.Ltmp1:
0xa7: {  	_ = 	snop;
	(pc) =	sbr.rel @!p1 .LBB2_10-.Ltmp1, $1  }
0xa8: {  	_ =	sdelay $0x3  }
.LBB2_1:
0xa9: {  	[tilespmem:s2], [sflag:$0x2] =	stream.linear.gather [hbm4b:s15+s2], $0x100, $0x38;
	[tilespmem:$0x5D80] =	vst v63  }
0xaa: {  	_ =	swait.ge [sflag:s31], $0x100  }
0xab: {  	[sflag:s31] =	ssyncset.done $0x0  }
0xac: {  	[sflag:s31] =	ssyncadd.s32 $0xFFFFFF00  }
0xad: {  	[tilespmem:s30], [sflag:$0x1] =	stream.indirect.gather [hbm4b:s26+s30], $0x40, s2, s30, $0xb8;
	[tilespmem:$0x5D80] =	vst v63  }
0xae: {  	_ =	swait.ge [sflag:s0], $0x4000  }
0xaf: {  	[sflag:s0] =	ssyncset.done $0x0  }
0xb0: {  	[sflag:s0] =	ssyncadd.s32 $0xFFFFC000  }
0xb1: {  	[hbm4b:s3+s2] =	stream.linear.scatter [tilespmem:s30], [sflag:$0x2], $0x4000, $0x38;
	[tilespmem:$0x5D80] =	vst v63  }
0xb2: {  	_ =	swait.ge [sflag:s31], $0x4000  }
0xb3: {  	[sflag:s31] =	ssyncset.done $0x0  }
0xb4: {  	s5 =	rddreg [dreg:$0x2];
	[sflag:s31] =	ssyncadd.s32 $0xFFFFC000  }
0xb5: {  	[tilespmem:s1], [sflag:$0x2] =	stream.linear.gather [hbm4b:s5+s2], $0x800, $0x38;
	[tilespmem:$0x5D80] =	vst v63  }
0xb6: {  	_ =	swait.ge [sflag:s31], $0x800  }
0xb7: {  	[sflag:s31] =	ssyncset.done $0x0  }
0xb8: {  	s8 =	simm.s32 $0x0;
	[sflag:s31] =	ssyncadd.s32 $0xFFFFF800  }
0xb9: {  	v5 =	vld [tilespmem:s8+$0x4100];
	_ =	sdelay $0x4  }
0xba: {  	v5 =	vsub.s32 v5, v0  }
0xbb: {  	v6 =	vsub.s32 $0x0, v5  }
0xbc: {  	v5 =	vmin.u32 v5, v6  }
0xbd: {  	vm0 =	vlt.s32 v5, $0x1  }
0xbe: {  	v5 =	vnsel vm0, $0x1, v5  }
0xbf: {  	v6 =	vsub.s32 $0x1, v5  }
0xc0: {  	(xrf0) =	vadd.scan.msk.s32 $0xffff, v6;
	_ =	sdelay $0x4  }
0xc1: {  	v7 =	vmov s2  }
0xc2: {  	v7 =	vadd.s32 $0xFFFFFFFF, v7;
	v8, _, _ =	vpop (xrf0)  }
0xc3: {  	v7 =	vbroadcast v7, $0x0;
	v9 =	vxor.u32 $0x80000000, v8  }
0xc4: {  	(xrf0) =	vmax.scan.msk.u32 $0xffff, v9  }
0xc5: {  	v7 =	vadd.s32 v8, v7  }
0xc6: {  	v5 =	vmul.u32 v4, v5;
	v6 =	vmul.u32 v6, v7;
	_ =	sdelay $0x1  }
0xc7: {  	v5 =	vadd.s32 v5, v6;
	_ =	sdelay $0x1  }
0xc8: {  	v6, _, _ =	vpop (xrf0)  }
0xc9: {  	(v2sf) =	vpush v6, $0xF  }
0xca: {  	s7 =	simm.s32 $0x80;
	v7 =	vor.u32 s14, v1  }
0xcb: {  	s6 =	simm.s32 $0x0;
	s5 =	smov.u32 s14;
	s8 =	simm.s32 $0x10;
	[tilespmem:v5+s12+$0x0] =	vst.idx.msk $0xffff, v7  }
.LBB2_2:
0xcc: {  	p1 =	sne.s32 s7, $0x1FC0;
	v5 =	vld [tilespmem:s8+$0x4100];
	_ =	sdelay $0x4  }
0xcd: {  	v5 =	vsub.s32 v5, v0  }
0xce: {  	v6 =	vsub.s32 $0x0, v5  }
0xcf: {  	v5 =	vmin.u32 v5, v6  }
0xd0: {  	vm0 =	vlt.s32 v5, $0x1  }
0xd1: {  	v5 =	vnsel vm0, $0x1, v5  }
0xd2: {  	v6 =	vsub.s32 $0x1, v5;
	v5 =	vmul.u32 v4, v5  }
0xd3: {  	(xrf0) =	vadd.scan.msk.s32 $0xffff, v6  }
0xd4: {  	s8 =	spop (v2sf)  }
0xd5: {  	s6 =	sadd.s32 s8, s6  }
0xd6: {  	s6 =	sadd.s32 $0x80000000, s6  }
0xd7: {  	v7 =	vmov s6  }
0xd8: {  	v7 =	vadd.s32 $0xFFFFFFFF, v7  }
0xd9: {  	v7 =	vbroadcast v7, $0x0;
	v8, _, _ =	vpop (xrf0)  }
0xda: {  	v9 =	vxor.u32 $0x80000000, v8  }
0xdb: {  	v7 =	vadd.s32 v8, v7;
	(xrf0) =	vmax.scan.msk.u32 $0xffff, v9  }
0xdc: {  	v6 =	vmul.u32 v6, v7;
	_ =	sdelay $0x1  }
0xdd: {  	v5 =	vadd.s32 v5, v6;
	_ =	sdelay $0x1  }
.Ltmp2:
0xde: {  	(pc) =	sbr.rel @p1 .LBB2_2-.Ltmp2, $4  }
0xdf: {  	s5 =	sadd.s32 $0x10, s5;
	v6, _, _ =	vpop (xrf0)  }
0xe0: {  	v7 =	vor.u32 s5, v1;
	(v2sf) =	vpush v6, $0xF  }
0xe1: {  	[tilespmem:v5+s12+$0x0] =	vst.idx.msk $0xffff, v7  }
0xe2: {  	s8 =	sshra.s32 s7, $0x2;
	s7 =	sadd.s32 $0x40, s7  }
0xe3: {  	v5 =	vld [tilespmem:s8+$0x4100];
	_ =	sdelay $0x4  }
0xe4: {  	v5 =	vsub.s32 v5, v0  }
0xe5: {  	v6 =	vsub.s32 $0x0, v5  }
0xe6: {  	v5 =	vmin.u32 v5, v6  }
0xe7: {  	vm0 =	vlt.s32 v5, $0x1  }
0xe8: {  	v5 =	vnsel vm0, $0x1, v5  }
0xe9: {  	v6 =	vsub.s32 $0x1, v5  }
0xea: {  	(xrf0) =	vadd.scan.msk.s32 $0xffff, v6;
	_ =	sdelay $0x5  }
0xeb: {  	v7, _, _ =	vpop (xrf0)  }
0xec: {  	v8 =	vxor.u32 $0x80000000, v7  }
0xed: {  	(xrf0) =	vmax.scan.msk.u32 $0xffff, v8;
	_ =	sdelay $0x5  }
0xee: {  	v8, _, _ =	vpop (xrf0)  }
0xef: {  	(v2sf) =	vpush v8, $0xF;
	_ =	sdelay $0x2  }
0xf0: {  	s7 =	spop (v2sf)  }
0xf1: {  	s6 =	sadd.s32 s7, s6  }
0xf2: {  	s6 =	sadd.s32 $0x80000000, s6  }
0xf3: {  	v62 =	vmov s6  }
0xf4: {  	v8 =	vadd.s32 $0xFFFFFFFF, v62  }
0xf5: {  	v8 =	vbroadcast v8, $0x0;
	_ =	sdelay $0x1  }
0xf6: {  	v7 =	vadd.s32 v7, v8  }
0xf7: {  	v5 =	vmul.u32 v4, v5;
	v6 =	vmul.u32 v6, v7;
	_ =	sdelay $0x1  }
0xf8: {  	v5 =	vadd.s32 v5, v6;
	_ =	sdelay $0x1  }
0xf9: {  	s8 =	spop (v2sf)  }
0xfa: {  	s5 =	sadd.s32 $0x10, s5;
	s6 =	sadd.s32 s8, s6  }
0xfb: {  	v6 =	vor.u32 s5, v1;
	s6 =	sadd.s32 $0x80000000, s6  }
0xfc: {  	[tilespmem:v5+s12+$0x0] =	vst.idx.msk $0xffff, v6;
	v5 =	vmov s6  }
0xfd: {  	s5 =	simm.s32 $0x0;
	s8 =	rddreg [dreg:$0x3];
	[tilespmem:$0x5D70] =	vst v5  }
0xfe: {  	[hbm4b:s8+s5] =	stream.linear.scatter [tilespmem:s13], [sflag:$0x2], $0x10, $0x38;
	[tilespmem:$0x5D80] =	vst v63  }
0xff: {  	_ =	swait.ge [sflag:s31], $0x10  }
0x100: {  	[sflag:s31] =	ssyncset.done $0x0  }
0x101: {  	[sflag:s31] =	ssyncadd.s32 $0xFFFFFFF0  }
0x102: {  	[tilespmem:s20], [sflag:$0x2] =	stream.linear.gather [hbm4b:s16+s5], $0x30, $0x38;
	[tilespmem:$0x5D80] =	vst v63  }
0x103: {  	_ =	swait.ge [sflag:s31], $0x30  }
0x104: {  	[sflag:s31] =	ssyncset.done $0x0  }
0x105: {  	[sflag:s31] =	ssyncadd.s32 $0xFFFFFFD0  }
0x106: {  	v5 =	vld [tilespmem:$0x5110];
	_ =	sdelay $0x2  }
0x107: {  	s6 =	scvt.s32.f32 s6;
	_ =	sdelay $0x1  }
0x108: {  	v5 =	vmul.f32 s6, v5;
	_ =	sdelay $0x1  }
0x109: {  	v5 =	vtrunc.f32 v5  }
0x10a: {  	v5 =	vcvt.f32.s32 v5  }
0x10b: {  	v6 =	vld [tilespmem:$0x5120]  }
0x10c: {  	vm15 =	vgt.s32 v5, $0x0  }
0x10d: {  	v5 =	vnsel vm15, $0x0, v5  }
0x10e: {  	v5 =	vmin.u32 v5, $0x7FF;
	_ =	sdelay $0x1  }
0x10f: {  	v6 =	vmul.f32 s6, v6;
	_ =	sdelay $0x1  }
0x110: {  	v6 =	vtrunc.f32 v6  }
0x111: {  	v6 =	vcvt.f32.s32 v6;
	v5 =	vld.idx.msk [tilespmem:v5+s12+$0x0], $0xffff  }
0x112: {  	v7 =	vld [tilespmem:$0x5130]  }
0x113: {  	vm4 =	vgt.s32 v6, $0x0  }
0x114: {  	v6 =	vnsel vm4, $0x0, v6  }
0x115: {  	v6 =	vmin.u32 v6, $0x7FF  }
0x116: {  	vm5 =	vgt.s32 v5, $0x0  }
0x117: {  	v7 =	vmul.f32 s6, v7;
	v5 =	vnsel vm5, $0x0, v5  }
0x118: {  	v5 =	vmin.u32 v5, $0x3FFF  }
0x119: {  	[tilespmem:$0x5140] =	vst v5;
	v5 =	vtrunc.f32 v7  }
0x11a: {  	v6 =	vld.idx.msk [tilespmem:v6+s12+$0x0], $0xffff;
	v5 =	vcvt.f32.s32 v5;
	_ =	sdelay $0x1  }
0x11b: {  	vm6 =	vgt.s32 v5, $0x0  }
0x11c: {  	v5 =	vnsel vm6, $0x0, v5  }
0x11d: {  	v5 =	vmin.u32 v5, $0x7FF  }
0x11e: {  	vm7 =	vgt.s32 v6, $0x0  }
0x11f: {  	v6 =	vnsel vm7, $0x0, v6  }
0x120: {  	v6 =	vmin.u32 v6, $0x3FFF  }
0x121: {  	[tilespmem:$0x5150] =	vst v6  }
0x122: {  	v5 =	vld.idx.msk [tilespmem:v5+s12+$0x0], $0xffff;
	_ =	sdelay $0x4  }
0x123: {  	vm8 =	vgt.s32 v5, $0x0  }
0x124: {  	v5 =	vnsel vm8, $0x0, v5  }
0x125: {  	v5 =	vmin.u32 v5, $0x3FFF  }
0x126: {  	[tilespmem:$0x5160] =	vst v5  }
0x127: {  	[tilespmem:s25], [sflag:$0x1] =	stream.indirect.gather [hbm4b:s23+s21], $0x40, s24, s21, $0xb8;
	[tilespmem:$0x5D80] =	vst v63  }
0x128: {  	_ =	swait.ge [sflag:s0], $0xC00  }
0x129: {  	[sflag:s0] =	ssyncset.done $0x0  }
0x12a: {  	s8 =	rddreg [dreg:$0x4];
	[sflag:s0] =	ssyncadd.s32 $0xFFFFF400  }
0x12b: {  	[hbm4b:s8+s5] =	stream.linear.scatter [tilespmem:s25], [sflag:$0x2], $0xC00, $0x38;
	[tilespmem:$0x5D80] =	vst v63  }
0x12c: {  	_ =	swait.ge [sflag:s31], $0xC00  }
0x12d: {  	[sflag:s31] =	ssyncset.done $0x0  }
0x12e: {  	[sflag:s31] =	ssyncadd.s32 $0xFFFFF400  }
0x12f: {  	[tilespmem:s20], [sflag:$0x2] =	stream.linear.gather [hbm4b:s17+s5], $0x30, $0x38;
	[tilespmem:$0x5D80] =	vst v63  }
0x130: {  	_ =	swait.ge [sflag:s31], $0x30  }
0x131: {  	[sflag:s31] =	ssyncset.done $0x0  }
0x132: {  	[sflag:s31] =	ssyncadd.s32 $0xFFFFFFD0  }
0x133: {  	v5 =	vld [tilespmem:$0x5110];
	_ =	sdelay $0x4  }
0x134: {  	v5 =	vmul.f32 s6, v5;
	_ =	sdelay $0x1  }
0x135: {  	v5 =	vtrunc.f32 v5  }
0x136: {  	v5 =	vcvt.f32.s32 v5  }
0x137: {  	v6 =	vld [tilespmem:$0x5120]  }
0x138: {  	vm9 =	vgt.s32 v5, $0x0  }
0x139: {  	v5 =	vnsel vm9, $0x0, v5  }
0x13a: {  	v5 =	vmin.u32 v5, $0x7FF;
	_ =	sdelay $0x1  }
0x13b: {  	v6 =	vmul.f32 s6, v6;
	_ =	sdelay $0x1  }
0x13c: {  	v6 =	vtrunc.f32 v6  }
0x13d: {  	v6 =	vcvt.f32.s32 v6;
	v5 =	vld.idx.msk [tilespmem:v5+s12+$0x0], $0xffff  }
0x13e: {  	v7 =	vld [tilespmem:$0x5130]  }
0x13f: {  	vm10 =	vgt.s32 v6, $0x0  }
0x140: {  	v6 =	vnsel vm10, $0x0, v6  }
0x141: {  	v6 =	vmin.u32 v6, $0x7FF  }
0x142: {  	vm11 =	vgt.s32 v5, $0x0  }
0x143: {  	v7 =	vmul.f32 s6, v7;
	v5 =	vnsel vm11, $0x0, v5  }
0x144: {  	v5 =	vmin.u32 v5, $0x3FFF  }
0x145: {  	[tilespmem:$0x5140] =	vst v5;
	v5 =	vtrunc.f32 v7  }
0x146: {  	v6 =	vld.idx.msk [tilespmem:v6+s12+$0x0], $0xffff;
	v5 =	vcvt.f32.s32 v5;
	_ =	sdelay $0x1  }
0x147: {  	vm12 =	vgt.s32 v5, $0x0  }
0x148: {  	v5 =	vnsel vm12, $0x0, v5  }
0x149: {  	v5 =	vmin.u32 v5, $0x7FF  }
0x14a: {  	vm13 =	vgt.s32 v6, $0x0  }
0x14b: {  	v6 =	vnsel vm13, $0x0, v6  }
0x14c: {  	v6 =	vmin.u32 v6, $0x3FFF  }
0x14d: {  	[tilespmem:$0x5150] =	vst v6  }
0x14e: {  	v5 =	vld.idx.msk [tilespmem:v5+s12+$0x0], $0xffff;
	_ =	sdelay $0x4  }
0x14f: {  	vm14 =	vgt.s32 v5, $0x0  }
0x150: {  	v5 =	vnsel vm14, $0x0, v5  }
0x151: {  	v5 =	vmin.u32 v5, $0x3FFF  }
0x152: {  	[tilespmem:$0x5160] =	vst v5  }
0x153: {  	[tilespmem:s25], [sflag:$0x1] =	stream.indirect.gather [hbm4b:s22+s21], $0x40, s24, s21, $0xb8;
	[tilespmem:$0x5D80] =	vst v63  }
0x154: {  	_ =	swait.ge [sflag:s0], $0xC00  }
0x155: {  	[sflag:s0] =	ssyncset.done $0x0  }
0x156: {  	[sflag:s0] =	ssyncadd.s32 $0xFFFFF400  }
0x157: {  	[hbm4b:s9+s5] =	stream.linear.scatter [tilespmem:s25], [sflag:$0x2], $0xC00, $0x38;
	[tilespmem:$0x5D80] =	vst v63  }
0x158: {  	_ =	swait.ge [sflag:s31], $0xC00  }
0x159: {  	[sflag:s31] =	ssyncset.done $0x0  }
0x15a: {  	s7 =	rddreg [dreg:$0x5];
	[sflag:s31] =	ssyncadd.s32 $0xFFFFF400  }
0x15b: {  	[tilespmem:s1], [sflag:$0x2] =	stream.linear.gather [hbm4b:s7+s5], $0x800, $0x38;
	[tilespmem:$0x5D80] =	vst v63  }
0x15c: {  	_ =	swait.ge [sflag:s31], $0x800  }
0x15d: {  	[sflag:s31] =	ssyncset.done $0x0  }
0x15e: {  	s8 =	simm.s32 $0x0;
	[sflag:s31] =	ssyncadd.s32 $0xFFFFF800  }
0x15f: {  	v5 =	vld [tilespmem:s8+$0x4100];
	_ =	sdelay $0x4  }
0x160: {  	v5 =	vsub.s32 v5, v2  }
0x161: {  	v6 =	vsub.s32 $0x0, v5  }
0x162: {  	v5 =	vmin.u32 v5, v6  }
0x163: {  	vm15 =	vlt.s32 v5, $0x1  }
0x164: {  	v5 =	vnsel vm15, $0x1, v5  }
0x165: {  	v6 =	vsub.s32 $0x1, v5  }
0x166: {  	(xrf0) =	vadd.scan.msk.s32 $0xffff, v6;
	_ =	sdelay $0x4  }
0x167: {  	v7 =	vmov s5  }
0x168: {  	v7 =	vadd.s32 $0xFFFFFFFF, v7;
	v63, _, _ =	vpop (xrf0)  }
0x169: {  	v7 =	vbroadcast v7, $0x0;
	v9 =	vxor.u32 $0x80000000, v63  }
0x16a: {  	(xrf0) =	vmax.scan.msk.u32 $0xffff, v9  }
0x16b: {  	v7 =	vadd.s32 v63, v7  }
0x16c: {  	v5 =	vmul.u32 v4, v5;
	v6 =	vmul.u32 v6, v7;
	_ =	sdelay $0x1  }
0x16d: {  	v5 =	vadd.s32 v5, v6;
	_ =	sdelay $0x1  }
0x16e: {  	v6, _, _ =	vpop (xrf0)  }
0x16f: {  	(v2sf) =	vpush v6, $0xF  }
0x170: {  	v7 =	vor.u32 s29, v1  }
0x171: {  	s6 =	smov.u32 s29;
	s7 =	simm.s32 $0x80;
	s8 =	simm.s32 $0x10;
	[tilespmem:v5+s12+$0x0] =	vst.idx.msk $0xffff, v7  }
.LBB2_4:
0x172: {  	p1 =	sne.s32 s7, $0x1FC0;
	v5 =	vld [tilespmem:s8+$0x4100];
	_ =	sdelay $0x4  }
0x173: {  	v5 =	vsub.s32 v5, v2  }
0x174: {  	v6 =	vsub.s32 $0x0, v5  }
0x175: {  	v5 =	vmin.u32 v5, v6  }
0x176: {  	vm0 =	vlt.s32 v5, $0x1  }
0x177: {  	v5 =	vnsel vm0, $0x1, v5  }
0x178: {  	v6 =	vsub.s32 $0x1, v5;
	v5 =	vmul.u32 v4, v5  }
0x179: {  	(xrf0) =	vadd.scan.msk.s32 $0xffff, v6  }
0x17a: {  	s8 =	spop (v2sf)  }
0x17b: {  	s5 =	sadd.s32 s8, s5  }
0x17c: {  	s5 =	sadd.s32 $0x80000000, s5  }
0x17d: {  	v7 =	vmov s5  }
0x17e: {  	v7 =	vadd.s32 $0xFFFFFFFF, v7  }
0x17f: {  	v7 =	vbroadcast v7, $0x0;
	v8, _, _ =	vpop (xrf0)  }
0x180: {  	v9 =	vxor.u32 $0x80000000, v8  }
0x181: {  	v7 =	vadd.s32 v8, v7;
	(xrf0) =	vmax.scan.msk.u32 $0xffff, v9  }
0x182: {  	v6 =	vmul.u32 v6, v7;
	_ =	sdelay $0x1  }
0x183: {  	v5 =	vadd.s32 v5, v6;
	_ =	sdelay $0x1  }
.Ltmp3:
0x184: {  	(pc) =	sbr.rel @p1 .LBB2_4-.Ltmp3, $4  }
0x185: {  	s6 =	sadd.s32 $0x10, s6;
	v6, _, _ =	vpop (xrf0)  }
0x186: {  	v7 =	vor.u32 s6, v1;
	(v2sf) =	vpush v6, $0xF  }
0x187: {  	[tilespmem:v5+s12+$0x0] =	vst.idx.msk $0xffff, v7  }
0x188: {  	s8 =	sshra.s32 s7, $0x2;
	s7 =	sadd.s32 $0x40, s7  }
0x189: {  	v5 =	vld [tilespmem:s8+$0x4100];
	_ =	sdelay $0x4  }
0x18a: {  	v5 =	vsub.s32 v5, v2  }
0x18b: {  	v6 =	vsub.s32 $0x0, v5  }
0x18c: {  	v5 =	vmin.u32 v5, v6  }
0x18d: {  	vm0 =	vlt.s32 v5, $0x1  }
0x18e: {  	v5 =	vnsel vm0, $0x1, v5  }
0x18f: {  	v6 =	vsub.s32 $0x1, v5  }
0x190: {  	(xrf0) =	vadd.scan.msk.s32 $0xffff, v6;
	_ =	sdelay $0x5  }
0x191: {  	v7, _, _ =	vpop (xrf0)  }
0x192: {  	v8 =	vxor.u32 $0x80000000, v7  }
0x193: {  	(xrf0) =	vmax.scan.msk.u32 $0xffff, v8;
	_ =	sdelay $0x5  }
0x194: {  	v8, _, _ =	vpop (xrf0)  }
0x195: {  	(v2sf) =	vpush v8, $0xF;
	_ =	sdelay $0x2  }
0x196: {  	s7 =	spop (v2sf)  }
0x197: {  	s5 =	sadd.s32 s7, s5  }
0x198: {  	s5 =	sadd.s32 $0x80000000, s5  }
0x199: {  	v63 =	vmov s5  }
0x19a: {  	v8 =	vadd.s32 $0xFFFFFFFF, v63  }
0x19b: {  	v8 =	vbroadcast v8, $0x0;
	_ =	sdelay $0x1  }
0x19c: {  	v7 =	vadd.s32 v7, v8  }
0x19d: {  	v5 =	vmul.u32 v4, v5;
	v6 =	vmul.u32 v6, v7;
	_ =	sdelay $0x1  }
0x19e: {  	v5 =	vadd.s32 v5, v6;
	_ =	sdelay $0x1  }
0x19f: {  	s8 =	spop (v2sf)  }
0x1a0: {  	s6 =	sadd.s32 $0x10, s6;
	s5 =	sadd.s32 s8, s5  }
0x1a1: {  	v6 =	vor.u32 s6, v1;
	s5 =	sadd.s32 $0x80000000, s5  }
0x1a2: {  	[tilespmem:v5+s12+$0x0] =	vst.idx.msk $0xffff, v6;
	v5 =	vmov s5  }
0x1a3: {  	s8 =	rddreg [dreg:$0x6];
	[tilespmem:$0x5D70] =	vst v5  }
0x1a4: {  	[hbm4b:s8+s2] =	stream.linear.scatter [tilespmem:s13], [sflag:$0x2], $0x10, $0x38;
	[tilespmem:$0x5D80] =	vst v63  }
0x1a5: {  	_ =	swait.ge [sflag:s31], $0x10  }
0x1a6: {  	[sflag:s31] =	ssyncset.done $0x0  }
0x1a7: {  	[sflag:s31] =	ssyncadd.s32 $0xFFFFFFF0  }
0x1a8: {  	[tilespmem:s20], [sflag:$0x2] =	stream.linear.gather [hbm4b:s18+s2], $0x30, $0x38;
	[tilespmem:$0x5D80] =	vst v63  }
0x1a9: {  	_ =	swait.ge [sflag:s31], $0x30  }
0x1aa: {  	[sflag:s31] =	ssyncset.done $0x0  }
0x1ab: {  	[sflag:s31] =	ssyncadd.s32 $0xFFFFFFD0  }
0x1ac: {  	v5 =	vld [tilespmem:$0x5110];
	_ =	sdelay $0x2  }
0x1ad: {  	s5 =	scvt.s32.f32 s5;
	_ =	sdelay $0x1  }
0x1ae: {  	v5 =	vmul.f32 s5, v5;
	_ =	sdelay $0x1  }
0x1af: {  	v5 =	vtrunc.f32 v5  }
0x1b0: {  	v5 =	vcvt.f32.s32 v5  }
0x1b1: {  	v6 =	vld [tilespmem:$0x5120]  }
0x1b2: {  	vm4 =	vgt.s32 v5, $0x0  }
0x1b3: {  	v5 =	vnsel vm4, $0x0, v5  }
0x1b4: {  	v5 =	vmin.u32 v5, $0x7FF;
	_ =	sdelay $0x1  }
0x1b5: {  	v6 =	vmul.f32 s5, v6;
	_ =	sdelay $0x1  }
0x1b6: {  	v6 =	vtrunc.f32 v6  }
0x1b7: {  	v6 =	vcvt.f32.s32 v6;
	v5 =	vld.idx.msk [tilespmem:v5+s12+$0x0], $0xffff  }
0x1b8: {  	v7 =	vld [tilespmem:$0x5130]  }
0x1b9: {  	vm5 =	vgt.s32 v6, $0x0  }
0x1ba: {  	v6 =	vnsel vm5, $0x0, v6  }
0x1bb: {  	v6 =	vmin.u32 v6, $0x7FF  }
0x1bc: {  	vm6 =	vgt.s32 v5, $0x0  }
0x1bd: {  	v7 =	vmul.f32 s5, v7;
	v5 =	vnsel vm6, $0x0, v5  }
0x1be: {  	v5 =	vmin.u32 v5, $0x3FFF  }
0x1bf: {  	[tilespmem:$0x5140] =	vst v5;
	v5 =	vtrunc.f32 v7  }
0x1c0: {  	v6 =	vld.idx.msk [tilespmem:v6+s12+$0x0], $0xffff;
	v5 =	vcvt.f32.s32 v5;
	_ =	sdelay $0x1  }
0x1c1: {  	vm7 =	vgt.s32 v5, $0x0  }
0x1c2: {  	v5 =	vnsel vm7, $0x0, v5  }
0x1c3: {  	v5 =	vmin.u32 v5, $0x7FF  }
0x1c4: {  	vm8 =	vgt.s32 v6, $0x0  }
0x1c5: {  	v6 =	vnsel vm8, $0x0, v6  }
0x1c6: {  	v6 =	vmin.u32 v6, $0x3FFF  }
0x1c7: {  	[tilespmem:$0x5150] =	vst v6  }
0x1c8: {  	v5 =	vld.idx.msk [tilespmem:v5+s12+$0x0], $0xffff;
	_ =	sdelay $0x4  }
0x1c9: {  	vm9 =	vgt.s32 v5, $0x0  }
0x1ca: {  	v5 =	vnsel vm9, $0x0, v5  }
0x1cb: {  	v5 =	vmin.u32 v5, $0x3FFF  }
0x1cc: {  	[tilespmem:$0x5160] =	vst v5  }
0x1cd: {  	[tilespmem:s25], [sflag:$0x1] =	stream.indirect.gather [hbm4b:s23+s21], $0x40, s24, s21, $0xb8;
	[tilespmem:$0x5D80] =	vst v63  }
0x1ce: {  	_ =	swait.ge [sflag:s0], $0xC00  }
0x1cf: {  	[sflag:s0] =	ssyncset.done $0x0  }
0x1d0: {  	[sflag:s0] =	ssyncadd.s32 $0xFFFFF400  }
0x1d1: {  	[hbm4b:s10+s2] =	stream.linear.scatter [tilespmem:s25], [sflag:$0x2], $0xC00, $0x38;
	[tilespmem:$0x5D80] =	vst v63  }
0x1d2: {  	_ =	swait.ge [sflag:s31], $0xC00  }
0x1d3: {  	[sflag:s31] =	ssyncset.done $0x0  }
0x1d4: {  	[sflag:s31] =	ssyncadd.s32 $0xFFFFF400  }
0x1d5: {  	[tilespmem:s20], [sflag:$0x2] =	stream.linear.gather [hbm4b:s19+s2], $0x30, $0x38;
	[tilespmem:$0x5D80] =	vst v63  }
0x1d6: {  	_ =	swait.ge [sflag:s31], $0x30  }
0x1d7: {  	[sflag:s31] =	ssyncset.done $0x0  }
0x1d8: {  	[sflag:s31] =	ssyncadd.s32 $0xFFFFFFD0  }
0x1d9: {  	v5 =	vld [tilespmem:$0x5110];
	_ =	sdelay $0x4  }
0x1da: {  	v5 =	vmul.f32 s5, v5;
	_ =	sdelay $0x1  }
0x1db: {  	v5 =	vtrunc.f32 v5  }
0x1dc: {  	v5 =	vcvt.f32.s32 v5  }
0x1dd: {  	v6 =	vld [tilespmem:$0x5120]  }
0x1de: {  	vm10 =	vgt.s32 v5, $0x0  }
0x1df: {  	v5 =	vnsel vm10, $0x0, v5  }
0x1e0: {  	v5 =	vmin.u32 v5, $0x7FF;
	_ =	sdelay $0x1  }
0x1e1: {  	v6 =	vmul.f32 s5, v6;
	_ =	sdelay $0x1  }
0x1e2: {  	v6 =	vtrunc.f32 v6  }
0x1e3: {  	v6 =	vcvt.f32.s32 v6;
	v5 =	vld.idx.msk [tilespmem:v5+s12+$0x0], $0xffff  }
0x1e4: {  	v7 =	vld [tilespmem:$0x5130]  }
0x1e5: {  	vm11 =	vgt.s32 v6, $0x0  }
0x1e6: {  	v6 =	vnsel vm11, $0x0, v6  }
0x1e7: {  	v6 =	vmin.u32 v6, $0x7FF  }
0x1e8: {  	vm12 =	vgt.s32 v5, $0x0  }
0x1e9: {  	v7 =	vmul.f32 s5, v7;
	v5 =	vnsel vm12, $0x0, v5  }
0x1ea: {  	v5 =	vmin.u32 v5, $0x3FFF  }
0x1eb: {  	[tilespmem:$0x5140] =	vst v5;
	v5 =	vtrunc.f32 v7  }
0x1ec: {  	v6 =	vld.idx.msk [tilespmem:v6+s12+$0x0], $0xffff;
	v5 =	vcvt.f32.s32 v5;
	_ =	sdelay $0x1  }
0x1ed: {  	vm13 =	vgt.s32 v5, $0x0  }
0x1ee: {  	v5 =	vnsel vm13, $0x0, v5  }
0x1ef: {  	v5 =	vmin.u32 v5, $0x7FF  }
0x1f0: {  	vm14 =	vgt.s32 v6, $0x0  }
0x1f1: {  	v6 =	vnsel vm14, $0x0, v6  }
0x1f2: {  	v6 =	vmin.u32 v6, $0x3FFF  }
0x1f3: {  	[tilespmem:$0x5150] =	vst v6  }
0x1f4: {  	v5 =	vld.idx.msk [tilespmem:v5+s12+$0x0], $0xffff;
	_ =	sdelay $0x4  }
0x1f5: {  	vm15 =	vgt.s32 v5, $0x0  }
0x1f6: {  	v5 =	vnsel vm15, $0x0, v5  }
0x1f7: {  	v5 =	vmin.u32 v5, $0x3FFF  }
0x1f8: {  	[tilespmem:$0x5160] =	vst v5  }
0x1f9: {  	[tilespmem:s25], [sflag:$0x1] =	stream.indirect.gather [hbm4b:s22+s21], $0x40, s24, s21, $0xb8;
	[tilespmem:$0x5D80] =	vst v63  }
0x1fa: {  	_ =	swait.ge [sflag:s0], $0xC00  }
0x1fb: {  	[sflag:s0] =	ssyncset.done $0x0  }
.Ltmp4:
0x1fc: {  	[sflag:s0] =	ssyncadd.s32 $0xFFFFF400;
	(pc) =	sbr.rel @p0 .LBB2_9-.Ltmp4, $4  }
0x1fd: {  	[hbm4b:s11+s2] =	stream.linear.scatter [tilespmem:s25], [sflag:$0x2], $0xC00, $0x38;
	[tilespmem:$0x5D80] =	vst v63  }
0x1fe: {  	_ =	swait.ge [sflag:s31], $0xC00  }
0x1ff: {  	[sflag:s31] =	ssyncset.done $0x0  }
0x200: {  	[sflag:s31] =	ssyncadd.s32 $0xFFFFF400  }
0x201: {  	s5 =	simm.s32 $0x0;
	s6 =	simm.s32 $0x4100;
	s7 =	rddreg [dreg:$0xb]  }
0x202: {  	[tilespmem:s6], [sflag:$0x2] =	stream.linear.gather [hbm4b:s7+s5], $0x800, $0x38;
	[tilespmem:$0x5D80] =	vst v63  }
0x203: {  	_ =	swait.ge [sflag:s31], $0x800  }
0x204: {  	[sflag:s31] =	ssyncset.done $0x0  }
0x205: {  	[sflag:s31] =	ssyncadd.s32 $0xFFFFF800  }
0x206: {  	v5 =	vld [tilespmem:s6+$0x0];
	_ =	sdelay $0x4  }
0x207: {  	v5 =	vsub.s32 v5, v3  }
0x208: {  	v6 =	vsub.s32 $0x0, v5  }
0x209: {  	v5 =	vmin.u32 v5, v6  }
0x20a: {  	vm0 =	vlt.s32 v5, $0x1  }
0x20b: {  	v5 =	vnsel vm0, $0x1, v5  }
0x20c: {  	v6 =	vsub.s32 $0x1, v5  }
0x20d: {  	(xrf0) =	vadd.scan.msk.s32 $0xffff, v6;
	_ =	sdelay $0x2  }
0x20e: {  	v7 =	vmov s5  }
0x20f: {  	v7 =	vadd.s32 $0xFFFFFFFF, v7  }
0x210: {  	v7 =	vbroadcast v7, $0x0  }
0x211: {  	v8, _, _ =	vpop (xrf0)  }
0x212: {  	v7 =	vadd.s32 v8, v7;
	v8 =	vxor.u32 $0x80000000, v8  }
0x213: {  	(xrf0) =	vmax.scan.msk.u32 $0xffff, v8;
	_ =	sdelay $0x1  }
0x214: {  	v5 =	vmul.u32 v4, v5;
	v6 =	vmul.u32 v6, v7;
	_ =	sdelay $0x1  }
0x215: {  	s30 =	smov.u32 s19;
	v5 =	vadd.s32 v5, v6  }
0x216: {  	s19 =	smov.u32 s18;
	s18 =	smov.u32 s17;
	s17 =	smov.u32 s16  }
0x217: {  	s16 =	smov.u32 s15;
	s15 =	smov.u32 s11;
	s11 =	smov.u32 s10;
	v7, _, _ =	vpop (xrf0)  }
0x218: {  	s10 =	smov.u32 s3;
	s3 =	smov.u32 s9;
	s9 =	simm.s32 $0x3000;
	(v2sf) =	vpush v7, $0xF  }
0x219: {  	v6 =	vor.u32 s9, v1  }
0x21a: {  	s7 =	simm.s32 $0x4110;
	[tilespmem:v5+s12+$0x0] =	vst.idx.msk $0xffff, v6  }
0x21b: {  	s8 =	simm.s32 $0x3020;
	s6 =	simm.s32 $0x3010;
	v5 =	vld [tilespmem:s7+$0x0]  }
.LBB2_7:
0x21c: {  	p1 =	sne.s32 s8, $0x37F0;
	_ =	sdelay $0x3  }
0x21d: {  	v5 =	vsub.s32 v5, v3  }
0x21e: {  	v6 =	vsub.s32 $0x0, v5  }
0x21f: {  	v5 =	vmin.u32 v5, v6  }
0x220: {  	vm0 =	vlt.s32 v5, $0x1  }
0x221: {  	v5 =	vnsel vm0, $0x1, v5  }
0x222: {  	v6 =	vsub.s32 $0x1, v5;
	v5 =	vmul.u32 v4, v5  }
0x223: {  	(xrf0) =	vadd.scan.msk.s32 $0xffff, v6  }
0x224: {  	s9 =	spop (v2sf)  }
0x225: {  	s5 =	sadd.s32 s9, s5  }
0x226: {  	s5 =	sadd.s32 $0x80000000, s5  }
0x227: {  	v7 =	vmov s5  }
0x228: {  	v7 =	vadd.s32 $0xFFFFFFFF, v7  }
0x229: {  	v7 =	vbroadcast v7, $0x0;
	v8, _, _ =	vpop (xrf0)  }
0x22a: {  	v9 =	vxor.u32 $0x80000000, v8  }
0x22b: {  	v7 =	vadd.s32 v8, v7;
	(xrf0) =	vmax.scan.msk.u32 $0xffff, v9  }
0x22c: {  	v6 =	vmul.u32 v6, v7;
	_ =	sdelay $0x1  }
0x22d: {  	v5 =	vadd.s32 v5, v6;
	_ =	sdelay $0x2  }
.Ltmp5:
0x22e: {  	v6, _, _ =	vpop (xrf0);
	(pc) =	sbr.rel @p1 .LBB2_7-.Ltmp5, $4  }
0x22f: {  	v7 =	vor.u32 s6, v1;
	s6 =	smov.u32 s8;
	(v2sf) =	vpush v6, $0xF  }
0x230: {  	[tilespmem:v5+s12+$0x0] =	vst.idx.msk $0xffff, v7  }
0x231: {  	s7 =	sadd.s32 $0x10, s7  }
0x232: {  	s8 =	sadd.s32 $0x10, s8;
	v5 =	vld [tilespmem:s7+$0x0]  }
.Ltmp6:
0x233: {  	_ = 	snop;
	(pc) =	sbr.rel .LBB2_8-.Ltmp6, $1  }
0x234: {  	_ =	sdelay $0x3  }
.LBB2_10:
0x235: {  	_ =	sfence.sel $0x180000  }
0x236: {  	[bflag:$0x0] =	sbarrier.arrive $0xFFFF  }
0x237: {  	_ =	strace $0x90000047  }
0x238: {  	s0 =	stileid.u32;
	[bflag:$0x2] =	sbarrier.arrive $0xFFFF  }
0x239: {  	p0 =	sne.s32 s0, $0x0;
	s0 =	rddreg [dreg:$0x1]  }
0x23a: {  	s0 =	sadd.s32 @!p0 $0x100000, s0  }
0x23b: {  	[sflag:s0] =	ssyncadd.tile.s32 @!p0 $0x1;
	_ =	shalt  }
.Lfunc_end2:
_tile_overlayer_lowered:
.L_overlay_start_2:
0x23c: {  	(tag) =	ssettag $0x2  }
0x23d: {  	s0 =	rddreg [dreg:$0x0];
	s2 =	stileid.u32  }
0x23e: {  	s1 =	rddreg [dreg:$0x1];
	p0 =	sne.s32 s2, $0x0  }
0x23f: {  	s3 =	rddreg [dreg:$0x2];
	[bflag:$0x3] =	sbarrier.arrive $0xFFFF;
	s2 =	simm.s32 @!p0 $0x1C02  }
0x240: {  	[timem:s3], [sflag:s2] =	dma.local @!p0 [hbm:s0], s1  }
0x241: {  	s0 =	simm.s32 @!p0 $0x2  }
0x242: {  	_ =	swait.ge @!p0 [sflag:s0], s1  }
0x243: {  	s1 =	ssub.s32 @!p0 $0x0, s1;
	[sflag:s0] =	ssyncset.done @!p0 $0x0  }
0x244: {  	[sflag:s0] =	ssyncadd.s32 @!p0 s1  }
0x245: {  	[bflag:$0x3] =	sbarrier.arrive $0xFFFF  }
0x246: {  	_ =	shalt  }

</sc_bundles>
